<compile_context>
chip_gen: v7x
topology: tpu7x:2x2x1
jax: 0.10.2.dev20260603
libtpu: 0.0.44.dev20260713+nightly
codegen_flags: <defaults>
</compile_context>

<pallas_src>
import functools

import jax
import jax.numpy as jnp
from jax import lax
from jax.experimental import pallas as pl
from jax.experimental.pallas import tpu as pltpu
from jax.experimental.pallas import tpu_sc as plsc

N = 177
C = 128
E = 31329
NP = 192
NW = 32
EPW = 1024
NFULL = 30
ETAIL = E - NFULL * EPW
ETDMA = 640
G = EPW // 16
F32 = jnp.float32


def _tc1_body(x_ref, w_ref, att_ref, ea_ref, xt_ref, a2_ref, c_ref):
    xs = jnp.concatenate([x_ref[0], jnp.zeros((NP - N, C), F32)], axis=0)
    xt = jnp.dot(xs, w_ref[...], preferred_element_type=F32)
    xt_ref[...] = xt
    attm = jnp.concatenate([att_ref[0, :, 0:C], att_ref[0, :, C:2 * C]],
                           axis=0)
    a2 = lax.dot_general(attm, xt, (((1,), (1,)), ((), ())),
                         preferred_element_type=F32)
    a2_ref[...] = a2
    cval = att_ref[0, :, 2 * C:2 * C + 1]
    bnd = (jnp.max(a2[0:1, :]) + jnp.max(a2[1:2, :])
           + jnp.max(cval * ea_ref[...]))
    bnd = jnp.where(bnd >= 0.0, bnd, 0.2 * bnd)
    c_ref[...] = jnp.concatenate(
        [jnp.broadcast_to(cval, (1, 16)),
         jnp.broadcast_to(bnd, (1, 16))], axis=0)


def _tc1(x, W, att, ea_row):
    return pl.pallas_call(
        _tc1_body,
        out_shape=[
            jax.ShapeDtypeStruct((NP, C), F32),
            jax.ShapeDtypeStruct((2, NP), F32),
            jax.ShapeDtypeStruct((2, 16), F32),
        ],
    )(x, W, att, ea_row)


_TAKE_DNUMS = lax.GatherDimensionNumbers(
    offset_dims=(), collapsed_slice_dims=(0,), start_index_map=(0,))


def _take(v, i):
    return lax.gather(v, i[:, None], _TAKE_DNUMS, slice_sizes=(1,),
                      mode=lax.GatherScatterMode.PROMISE_IN_BOUNDS)


def _sc_body(ei_h, ea_h, a2_h, c_h,
             pout, qout,
             src_v, dst_v, ea_v, ai_v, aj_v, c_v, b_v, p_loc, q_loc,
             sem):
    wid = lax.axis_index("c") * 16 + lax.axis_index("s")
    base = wid * EPW

    srcrow = ei_h.at[0]
    dstrow = ei_h.at[1]
    earow = ea_h.at[0]

    @pl.when(wid < NFULL)
    def _():
        pltpu.async_copy(srcrow.at[pl.ds(base, EPW)], src_v, sem)
        pltpu.async_copy(dstrow.at[pl.ds(base, EPW)], dst_v, sem)
        pltpu.async_copy(earow.at[pl.ds(base, EPW)], ea_v, sem)

    @pl.when(wid == NFULL)
    def _():
        pltpu.async_copy(srcrow.at[pl.ds(base, ETDMA)],
                         src_v.at[pl.ds(0, ETDMA)], sem)
        pltpu.async_copy(dstrow.at[pl.ds(base, ETDMA)],
                         dst_v.at[pl.ds(0, ETDMA)], sem)
        pltpu.async_copy(earow.at[pl.ds(base, ETDMA)],
                         ea_v.at[pl.ds(0, ETDMA)], sem)

    pltpu.async_copy(a2_h.at[0], ai_v, sem)
    pltpu.async_copy(a2_h.at[1], aj_v, sem)
    pltpu.async_copy(c_h.at[0], c_v, sem)
    pltpu.async_copy(c_h.at[1], b_v, sem)

    limit = jnp.where(wid < NFULL, EPW, jnp.where(wid == NFULL, ETAIL, 0))
    zeros16 = jnp.zeros((16,), F32)

    def zero_body(i, carry):
        for j in range(NP // 16):
            p_loc[i, pl.ds(j * 16, 16)] = zeros16
            q_loc[i, pl.ds(j * 16, 16)] = zeros16
        return carry

    lax.fori_loop(0, NP, zero_body, 0, unroll=4)

    @pl.when(wid < NFULL)
    def _():
        pltpu.make_async_copy(srcrow.at[pl.ds(base, EPW)], src_v, sem).wait()
        pltpu.make_async_copy(dstrow.at[pl.ds(base, EPW)], dst_v, sem).wait()
        pltpu.make_async_copy(earow.at[pl.ds(base, EPW)], ea_v, sem).wait()

    @pl.when(wid == NFULL)
    def _():
        pltpu.make_async_copy(srcrow.at[pl.ds(base, ETDMA)],
                              src_v.at[pl.ds(0, ETDMA)], sem).wait()
        pltpu.make_async_copy(dstrow.at[pl.ds(base, ETDMA)],
                              dst_v.at[pl.ds(0, ETDMA)], sem).wait()
        pltpu.make_async_copy(earow.at[pl.ds(base, ETDMA)],
                              ea_v.at[pl.ds(0, ETDMA)], sem).wait()

    pltpu.make_async_copy(a2_h.at[0], ai_v, sem).wait()
    pltpu.make_async_copy(a2_h.at[1], aj_v, sem).wait()
    pltpu.make_async_copy(c_h.at[0], c_v, sem).wait()
    pltpu.make_async_copy(c_h.at[1], b_v, sem).wait()

    cv = c_v[...]
    bv = b_v[...]
    lane = lax.iota(jnp.int32, 16)

    def p2_body(g, carry):
        valid = (lane + g * 16) < limit
        d = jnp.where(valid, dst_v[pl.ds(g * 16, 16)], 0)
        s = jnp.where(valid, src_v[pl.ds(g * 16, 16)], 0)
        e = ea_v[pl.ds(g * 16, 16)]
        ai = plsc.load_gather(ai_v, [d])
        aj = plsc.load_gather(aj_v, [s])
        al = ai + aj + e * cv
        al = jnp.where(al >= 0.0, al, 0.2 * al)
        p0 = jnp.exp(al - bv)
        p = jnp.where(valid, p0, 0.0)
        q = jnp.where(valid, p0 * e, 0.0)
        k = jnp.where(valid, d * NP + s, NP * NP - 1)
        ks, perm = plsc.sort_key_val(k, lane)
        ps = _take(p, perm)
        qs = _take(q, perm)
        prev = _take(ks, jnp.maximum(lane - 1, 0))
        nxt = _take(ks, jnp.minimum(lane + 1, 15))
        is_start = (lane == 0) | (ks != prev)
        is_end = (lane == 15) | (ks != nxt)
        tp = plsc.cumsum(ps)
        tq = plsc.cumsum(qs)
        startlane = plsc.cummax(jnp.where(is_start, lane, 0))
        runp = tp - (_take(tp, startlane) - _take(ps, startlane))
        runq = tq - (_take(tq, startlane) - _take(qs, startlane))
        kd = ks // NP
        kc = ks - kd * NP
        plsc.addupdate_scatter(p_loc, [kd, kc], runp, mask=is_end)
        plsc.addupdate_scatter(q_loc, [kd, kc], runq, mask=is_end)
        return carry

    lax.fori_loop(0, G, p2_body, 0, unroll=4)

    pltpu.sync_copy(p_loc, pout.at[wid])
    pltpu.sync_copy(q_loc, qout.at[wid])


@functools.partial(
    pl.kernel,
    out_type=[
        jax.ShapeDtypeStruct((NW, NP, NP), F32),
        jax.ShapeDtypeStruct((NW, NP, NP), F32),
    ],
    mesh=plsc.VectorSubcoreMesh(core_axis_name="c", subcore_axis_name="s"),
    compiler_params=pltpu.CompilerParams(needs_layout_passes=False),
    scratch_types=[
        pltpu.VMEM((EPW,), jnp.int32),
        pltpu.VMEM((EPW,), jnp.int32),
        pltpu.VMEM((EPW,), F32),
        pltpu.VMEM((NP,), F32),
        pltpu.VMEM((NP,), F32),
        pltpu.VMEM((16,), F32),
        pltpu.VMEM((16,), F32),
        pltpu.VMEM((NP, NP), F32),
        pltpu.VMEM((NP, NP), F32),
        pltpu.SemaphoreType.DMA,
    ],
)
def _sc_edge(ei_h, ea_h, a2_h, c_h, pout, qout,
             src_v, dst_v, ea_v, ai_v, aj_v, c_v, b_v, p_loc, q_loc,
             sem):
    _sc_body(ei_h, ea_h, a2_h, c_h, pout, qout,
             src_v, dst_v, ea_v, ai_v, aj_v, c_v, b_v, p_loc, q_loc,
             sem)


def _tc2_body(p_ref, q_ref, xt_ref, eu_ref, b_ref, out_ref):
    P = jnp.sum(p_ref[...], axis=0)
    Q = jnp.sum(q_ref[...], axis=0)
    denom = jnp.sum(P, axis=1, keepdims=True) + 1e-16
    qn = jnp.sum(Q, axis=1, keepdims=True) / denom
    A = jnp.dot(P, xt_ref[...], preferred_element_type=F32) / denom
    eu = eu_ref[...]
    out = jnp.dot(A, eu[:C, :], preferred_element_type=F32)
    res = out + qn * eu[C:C + 1, :] + b_ref[...][None, :]
    out_ref[0] = res[:N, :]


def _tc2(pparts, qparts, xt, eu, b):
    return pl.pallas_call(
        _tc2_body,
        out_shape=jax.ShapeDtypeStruct((1, N, C), F32),
    )(pparts, qparts, xt, eu, b)


def kernel(x, edge_index, edge_attr, W, att, edge_update1, bias):
    ea_row = edge_attr.mT
    xt, a2, c2 = _tc1(x, W, att, ea_row)

    pparts, qparts = _sc_edge(edge_index, ea_row, a2, c2)

    return _tc2(pparts, qparts, xt, edge_update1, bias)

# --- scband reference (transcript-rebuilt; emitter-appended) ---
"""Pipeline reference for scband-edge-gnnnet-58342835748897 (READ-ONLY COPY).

The authoritative reference and input builder live on the scoring server;
editing this copy changes nothing except your own understanding.
"""

import jax, jax.numpy as jnp
import numpy as np
import math

N = 177
H = 1
C = 128
ED = 1
E = 31329


def _glorot(key, shape):
    stdv = math.sqrt(6.0 / (shape[-2] + shape[-1]))
    return jax.random.uniform(key, shape, dtype=jnp.float32, minval=-stdv, maxval=stdv)


def setup_inputs(seed: int = 0):
    key = jax.random.key(seed)
    ks = jax.random.split(key, 7)
    x = jax.random.normal(ks[0], (1, N, C), dtype=jnp.float32)
    edge_index = jax.random.randint(ks[1], (2, E), 0, N, dtype=jnp.int32)
    edge_attr = jax.random.normal(ks[2], (E, ED), dtype=jnp.float32)
    W = _glorot(ks[3], (C, H * C))
    att = _glorot(ks[4], (1, H, 2 * C + ED))
    edge_update1 = _glorot(ks[5], (C + ED, C))
    bias = jnp.zeros((C,), dtype=jnp.float32)
    return {"x": x, "edge_index": edge_index, "edge_attr": edge_attr, "W": W, "att": att, "edge_update1": edge_update1, "bias": bias}


def reference(x, edge_index, edge_attr, W, att, edge_update1, bias):
    # EdgeBase_GATConv.forward
    xs = x[0]                                  # [N, C]
    xt = jnp.matmul(xs, W).reshape(-1, H, C)   # [N, H, C]
    src = edge_index[0]                        # x_j indices (source)
    dst = edge_index[1]                        # x_i indices (target), aggregation index
    x_j = xt[src]                              # [E, H, C]
    x_i = xt[dst].reshape(-1, H, C)            # [E, H, C]
    ea = jnp.repeat(edge_attr[:, None, :], H, axis=1)   # [E, H, ED]
    x_j = jnp.concatenate([x_j, ea], axis=-1)           # [E, H, C+ED]
    alpha = (jnp.concatenate([x_i, x_j], axis=-1) * att).sum(axis=-1)  # [E, H]
    alpha = jax.nn.leaky_relu(alpha, negative_slope=0.2)
    # softmax_sx grouped by dst
    amax = jax.ops.segment_max(alpha, dst, num_segments=N)
    out = jnp.exp(alpha - amax[dst])
    out_sum = jax.ops.segment_sum(out, dst, num_segments=N)
    alpha = out / (out_sum[dst] + 1e-16)
    msg = x_j * alpha[:, :, None]                        # [E, H, C+ED]
    # aggregate (add) over dst
    aggr = jax.ops.segment_sum(msg, dst, num_segments=N)  # [N, H, C+ED]
    # update
    aggr = aggr.mean(axis=1)                              # [N, C+ED]
    aggr = jnp.matmul(aggr, edge_update1) + bias          # [N, C]
    return aggr.reshape(1, N, C)

if __name__ == "__main__":
    import jax
    _d = setup_inputs()
    print(jax.jit(kernel)(*tuple(_d.values())))

</pallas_src>

<mosaic_0001>
#map = affine_map<(d0, d1) -> (0, 0)>
#map1 = affine_map<(d0, d1) -> (0, 0, 0)>
module attributes {stable_mosaic.version = 14 : i64} {
  func.func @_sc_edge(%arg0: i32, %arg1: i32, %arg2: memref<2x31329xi32, #tpu.memory_space<hbm>>, %arg3: memref<1x31329xf32, #tpu.memory_space<hbm>>, %arg4: memref<2x192xf32, #tpu.memory_space<hbm>>, %arg5: memref<2x16xf32, #tpu.memory_space<hbm>>, %arg6: memref<32x192x192xf32, #tpu.memory_space<hbm>>, %arg7: memref<32x192x192xf32, #tpu.memory_space<hbm>>, %arg8: memref<1024xi32, #tpu.memory_space<vmem>>, %arg9: memref<1024xi32, #tpu.memory_space<vmem>>, %arg10: memref<1024xf32, #tpu.memory_space<vmem>>, %arg11: memref<192xf32, #tpu.memory_space<vmem>>, %arg12: memref<192xf32, #tpu.memory_space<vmem>>, %arg13: memref<16xf32, #tpu.memory_space<vmem>>, %arg14: memref<16xf32, #tpu.memory_space<vmem>>, %arg15: memref<192x192xf32, #tpu.memory_space<vmem>>, %arg16: memref<192x192xf32, #tpu.memory_space<vmem>>, %arg17: memref<!tpu.dma_semaphore, #tpu.memory_space<semaphore_mem>>) attributes {dimension_semantics = [#tpu.dimension_semantics<core_parallel>, #tpu.dimension_semantics<subcore_parallel>], iteration_bounds = array<i64: 2, 16>, scalar_prefetch = 0 : i64, scratch_operands = 10 : i64, tpu.core_type = #tpu.core_type<sc_vector_subcore>, window_params = [{transform_indices = #map}, {transform_indices = #map}, {transform_indices = #map}, {transform_indices = #map}, {transform_indices = #map1}, {transform_indices = #map1}]} {
    %mul3A = arith.constant 16 : i32
    %mul3A_0 = arith.muli %arg0, %mul3A : i32
    %add3A = arith.addi %mul3A_0, %arg1 : i32
    %mul3A_1 = arith.constant 1024 : i32
    %mul3A_2 = arith.muli %add3A, %mul3A_1 : i32
    %lt3A = arith.constant 30 : i32
    %lt3A_3 = arith.cmpi slt, %add3A, %lt3A : i32
    %convert_element_type3A = arith.extui %lt3A_3 : i1 to i32
    %cond3A = arith.constant 0 : i32
    %cond3A_4 = arith.constant 1 : i32
    %cond3A_5 = arith.constant 0 : i32
    %cond3A_6 = arith.constant 0 : i32
    %cond3A_7 = arith.cmpi ne, %convert_element_type3A, %cond3A_6 : i32
    scf.if %cond3A_7 {
      %dma_start3A_107 = arith.constant 0 : i32
      %dma_start3A_108 = tpu.memref_slice %arg2[%cond3A, %dma_start3A_107] : memref<2x31329xi32, #tpu.memory_space<hbm>> -> memref<1x31329xi32, #tpu.memory_space<hbm>>
      %dma_start3A_109 = tpu.memref_squeeze %dma_start3A_108 : memref<1x31329xi32, #tpu.memory_space<hbm>> -> memref<31329xi32, #tpu.memory_space<hbm>>
      %dma_start3A_110 = tpu.memref_slice %dma_start3A_109[%mul3A_2] : memref<31329xi32, #tpu.memory_space<hbm>> -> memref<1024xi32, #tpu.memory_space<hbm>>
      %dma_start3A_111 = arith.constant 0 : i32
      %dma_start3A_112 = tpu.memref_slice %arg2[%cond3A, %dma_start3A_111] : memref<2x31329xi32, #tpu.memory_space<hbm>> -> memref<1x31329xi32, #tpu.memory_space<hbm>>
      %dma_start3A_113 = tpu.memref_squeeze %dma_start3A_112 : memref<1x31329xi32, #tpu.memory_space<hbm>> -> memref<31329xi32, #tpu.memory_space<hbm>>
      %dma_start3A_114 = tpu.memref_slice %dma_start3A_113[%mul3A_2] : memref<31329xi32, #tpu.memory_space<hbm>> -> memref<1024xi32, #tpu.memory_space<hbm>>
      tpu.enqueue_dma source(%dma_start3A_114 : memref<1024xi32, #tpu.memory_space<hbm>>) target(%arg8 : memref<1024xi32, #tpu.memory_space<vmem>>) target_semaphore(%arg17 : memref<!tpu.dma_semaphore, #tpu.memory_space<semaphore_mem>>)
      %dma_start3A_115 = arith.constant 0 : i32
      %dma_start3A_116 = tpu.memref_slice %arg2[%cond3A_4, %dma_start3A_115] : memref<2x31329xi32, #tpu.memory_space<hbm>> -> memref<1x31329xi32, #tpu.memory_space<hbm>>
      %dma_start3A_117 = tpu.memref_squeeze %dma_start3A_116 : memref<1x31329xi32, #tpu.memory_space<hbm>> -> memref<31329xi32, #tpu.memory_space<hbm>>
      %dma_start3A_118 = tpu.memref_slice %dma_start3A_117[%mul3A_2] : memref<31329xi32, #tpu.memory_space<hbm>> -> memref<1024xi32, #tpu.memory_space<hbm>>
      %dma_start3A_119 = arith.constant 0 : i32
      %dma_start3A_120 = tpu.memref_slice %arg2[%cond3A_4, %dma_start3A_119] : memref<2x31329xi32, #tpu.memory_space<hbm>> -> memref<1x31329xi32, #tpu.memory_space<hbm>>
      %dma_start3A_121 = tpu.memref_squeeze %dma_start3A_120 : memref<1x31329xi32, #tpu.memory_space<hbm>> -> memref<31329xi32, #tpu.memory_space<hbm>>
      %dma_start3A_122 = tpu.memref_slice %dma_start3A_121[%mul3A_2] : memref<31329xi32, #tpu.memory_space<hbm>> -> memref<1024xi32, #tpu.memory_space<hbm>>
      tpu.enqueue_dma source(%dma_start3A_122 : memref<1024xi32, #tpu.memory_space<hbm>>) target(%arg9 : memref<1024xi32, #tpu.memory_space<vmem>>) target_semaphore(%arg17 : memref<!tpu.dma_semaphore, #tpu.memory_space<semaphore_mem>>)
      %dma_start3A_123 = arith.constant 0 : i32
      %dma_start3A_124 = tpu.memref_slice %arg3[%cond3A_5, %dma_start3A_123] : memref<1x31329xf32, #tpu.memory_space<hbm>> -> memref<1x31329xf32, #tpu.memory_space<hbm>>
      %dma_start3A_125 = tpu.memref_squeeze %dma_start3A_124 : memref<1x31329xf32, #tpu.memory_space<hbm>> -> memref<31329xf32, #tpu.memory_space<hbm>>
      %dma_start3A_126 = tpu.memref_slice %dma_start3A_125[%mul3A_2] : memref<31329xf32, #tpu.memory_space<hbm>> -> memref<1024xf32, #tpu.memory_space<hbm>>
      %dma_start3A_127 = arith.constant 0 : i32
      %dma_start3A_128 = tpu.memref_slice %arg3[%cond3A_5, %dma_start3A_127] : memref<1x31329xf32, #tpu.memory_space<hbm>> -> memref<1x31329xf32, #tpu.memory_space<hbm>>
      %dma_start3A_129 = tpu.memref_squeeze %dma_start3A_128 : memref<1x31329xf32, #tpu.memory_space<hbm>> -> memref<31329xf32, #tpu.memory_space<hbm>>
      %dma_start3A_130 = tpu.memref_slice %dma_start3A_129[%mul3A_2] : memref<31329xf32, #tpu.memory_space<hbm>> -> memref<1024xf32, #tpu.memory_space<hbm>>
      tpu.enqueue_dma source(%dma_start3A_130 : memref<1024xf32, #tpu.memory_space<hbm>>) target(%arg10 : memref<1024xf32, #tpu.memory_space<vmem>>) target_semaphore(%arg17 : memref<!tpu.dma_semaphore, #tpu.memory_space<semaphore_mem>>)
    } else {
    }
    %eq3A = arith.constant 30 : i32
    %eq3A_8 = arith.cmpi eq, %add3A, %eq3A : i32
    %convert_element_type3A_9 = arith.extui %eq3A_8 : i1 to i32
    %cond3A_10 = arith.constant 0 : i32
    %cond3A_11 = arith.constant 1 : i32
    %cond3A_12 = arith.constant 0 : i32
    %cond3A_13 = arith.constant 0 : i32
    %cond3A_14 = arith.cmpi ne, %convert_element_type3A_9, %cond3A_13 : i32
    scf.if %cond3A_14 {
      %dma_start3A_107 = arith.constant 0 : i32
      %dma_start3A_108 = tpu.memref_slice %arg8[%dma_start3A_107] : memref<1024xi32, #tpu.memory_space<vmem>> -> memref<640xi32, #tpu.memory_space<vmem>>
      %dma_start3A_109 = arith.constant 0 : i32
      %dma_start3A_110 = tpu.memref_slice %arg2[%cond3A_10, %dma_start3A_109] : memref<2x31329xi32, #tpu.memory_space<hbm>> -> memref<1x31329xi32, #tpu.memory_space<hbm>>
      %dma_start3A_111 = tpu.memref_squeeze %dma_start3A_110 : memref<1x31329xi32, #tpu.memory_space<hbm>> -> memref<31329xi32, #tpu.memory_space<hbm>>
      %dma_start3A_112 = tpu.memref_slice %dma_start3A_111[%mul3A_2] : memref<31329xi32, #tpu.memory_space<hbm>> -> memref<640xi32, #tpu.memory_space<hbm>>
      %dma_start3A_113 = arith.constant 0 : i32
      %dma_start3A_114 = tpu.memref_slice %arg8[%dma_start3A_113] : memref<1024xi32, #tpu.memory_space<vmem>> -> memref<640xi32, #tpu.memory_space<vmem>>
      %dma_start3A_115 = arith.constant 0 : i32
      %dma_start3A_116 = tpu.memref_slice %arg2[%cond3A_10, %dma_start3A_115] : memref<2x31329xi32, #tpu.memory_space<hbm>> -> memref<1x31329xi32, #tpu.memory_space<hbm>>
      %dma_start3A_117 = tpu.memref_squeeze %dma_start3A_116 : memref<1x31329xi32, #tpu.memory_space<hbm>> -> memref<31329xi32, #tpu.memory_space<hbm>>
      %dma_start3A_118 = tpu.memref_slice %dma_start3A_117[%mul3A_2] : memref<31329xi32, #tpu.memory_space<hbm>> -> memref<640xi32, #tpu.memory_space<hbm>>
      tpu.enqueue_dma source(%dma_start3A_118 : memref<640xi32, #tpu.memory_space<hbm>>) target(%dma_start3A_114 : memref<640xi32, #tpu.memory_space<vmem>>) target_semaphore(%arg17 : memref<!tpu.dma_semaphore, #tpu.memory_space<semaphore_mem>>)
      %dma_start3A_119 = arith.constant 0 : i32
      %dma_start3A_120 = tpu.memref_slice %arg9[%dma_start3A_119] : memref<1024xi32, #tpu.memory_space<vmem>> -> memref<640xi32, #tpu.memory_space<vmem>>
      %dma_start3A_121 = arith.constant 0 : i32
      %dma_start3A_122 = tpu.memref_slice %arg2[%cond3A_11, %dma_start3A_121] : memref<2x31329xi32, #tpu.memory_space<hbm>> -> memref<1x31329xi32, #tpu.memory_space<hbm>>
      %dma_start3A_123 = tpu.memref_squeeze %dma_start3A_122 : memref<1x31329xi32, #tpu.memory_space<hbm>> -> memref<31329xi32, #tpu.memory_space<hbm>>
      %dma_start3A_124 = tpu.memref_slice %dma_start3A_123[%mul3A_2] : memref<31329xi32, #tpu.memory_space<hbm>> -> memref<640xi32, #tpu.memory_space<hbm>>
      %dma_start3A_125 = arith.constant 0 : i32
      %dma_start3A_126 = tpu.memref_slice %arg9[%dma_start3A_125] : memref<1024xi32, #tpu.memory_space<vmem>> -> memref<640xi32, #tpu.memory_space<vmem>>
      %dma_start3A_127 = arith.constant 0 : i32
      %dma_start3A_128 = tpu.memref_slice %arg2[%cond3A_11, %dma_start3A_127] : memref<2x31329xi32, #tpu.memory_space<hbm>> -> memref<1x31329xi32, #tpu.memory_space<hbm>>
      %dma_start3A_129 = tpu.memref_squeeze %dma_start3A_128 : memref<1x31329xi32, #tpu.memory_space<hbm>> -> memref<31329xi32, #tpu.memory_space<hbm>>
      %dma_start3A_130 = tpu.memref_slice %dma_start3A_129[%mul3A_2] : memref<31329xi32, #tpu.memory_space<hbm>> -> memref<640xi32, #tpu.memory_space<hbm>>
      tpu.enqueue_dma source(%dma_start3A_130 : memref<640xi32, #tpu.memory_space<hbm>>) target(%dma_start3A_126 : memref<640xi32, #tpu.memory_space<vmem>>) target_semaphore(%arg17 : memref<!tpu.dma_semaphore, #tpu.memory_space<semaphore_mem>>)
      %dma_start3A_131 = arith.constant 0 : i32
      %dma_start3A_132 = tpu.memref_slice %arg10[%dma_start3A_131] : memref<1024xf32, #tpu.memory_space<vmem>> -> memref<640xf32, #tpu.memory_space<vmem>>
      %dma_start3A_133 = arith.constant 0 : i32
      %dma_start3A_134 = tpu.memref_slice %arg3[%cond3A_12, %dma_start3A_133] : memref<1x31329xf32, #tpu.memory_space<hbm>> -> memref<1x31329xf32, #tpu.memory_space<hbm>>
      %dma_start3A_135 = tpu.memref_squeeze %dma_start3A_134 : memref<1x31329xf32, #tpu.memory_space<hbm>> -> memref<31329xf32, #tpu.memory_space<hbm>>
      %dma_start3A_136 = tpu.memref_slice %dma_start3A_135[%mul3A_2] : memref<31329xf32, #tpu.memory_space<hbm>> -> memref<640xf32, #tpu.memory_space<hbm>>
      %dma_start3A_137 = arith.constant 0 : i32
      %dma_start3A_138 = tpu.memref_slice %arg10[%dma_start3A_137] : memref<1024xf32, #tpu.memory_space<vmem>> -> memref<640xf32, #tpu.memory_space<vmem>>
      %dma_start3A_139 = arith.constant 0 : i32
      %dma_start3A_140 = tpu.memref_slice %arg3[%cond3A_12, %dma_start3A_139] : memref<1x31329xf32, #tpu.memory_space<hbm>> -> memref<1x31329xf32, #tpu.memory_space<hbm>>
      %dma_start3A_141 = tpu.memref_squeeze %dma_start3A_140 : memref<1x31329xf32, #tpu.memory_space<hbm>> -> memref<31329xf32, #tpu.memory_space<hbm>>
      %dma_start3A_142 = tpu.memref_slice %dma_start3A_141[%mul3A_2] : memref<31329xf32, #tpu.memory_space<hbm>> -> memref<640xf32, #tpu.memory_space<hbm>>
      tpu.enqueue_dma source(%dma_start3A_142 : memref<640xf32, #tpu.memory_space<hbm>>) target(%dma_start3A_138 : memref<640xf32, #tpu.memory_space<vmem>>) target_semaphore(%arg17 : memref<!tpu.dma_semaphore, #tpu.memory_space<semaphore_mem>>)
    } else {
    }
    %dma_start3A = arith.constant 0 : i32
    %dma_start3A_15 = arith.constant 0 : i32
    %dma_start3A_16 = tpu.memref_slice %arg4[%dma_start3A, %dma_start3A_15] : memref<2x192xf32, #tpu.memory_space<hbm>> -> memref<1x192xf32, #tpu.memory_space<hbm>>
    %dma_start3A_17 = tpu.memref_squeeze %dma_start3A_16 : memref<1x192xf32, #tpu.memory_space<hbm>> -> memref<192xf32, #tpu.memory_space<hbm>>
    %dma_start3A_18 = arith.constant 0 : i32
    %dma_start3A_19 = tpu.memref_slice %arg4[%dma_start3A, %dma_start3A_18] : memref<2x192xf32, #tpu.memory_space<hbm>> -> memref<1x192xf32, #tpu.memory_space<hbm>>
    %dma_start3A_20 = tpu.memref_squeeze %dma_start3A_19 : memref<1x192xf32, #tpu.memory_space<hbm>> -> memref<192xf32, #tpu.memory_space<hbm>>
    tpu.enqueue_dma source(%dma_start3A_20 : memref<192xf32, #tpu.memory_space<hbm>>) target(%arg11 : memref<192xf32, #tpu.memory_space<vmem>>) target_semaphore(%arg17 : memref<!tpu.dma_semaphore, #tpu.memory_space<semaphore_mem>>)
    %dma_start3A_21 = arith.constant 1 : i32
    %dma_start3A_22 = arith.constant 0 : i32
    %dma_start3A_23 = tpu.memref_slice %arg4[%dma_start3A_21, %dma_start3A_22] : memref<2x192xf32, #tpu.memory_space<hbm>> -> memref<1x192xf32, #tpu.memory_space<hbm>>
    %dma_start3A_24 = tpu.memref_squeeze %dma_start3A_23 : memref<1x192xf32, #tpu.memory_space<hbm>> -> memref<192xf32, #tpu.memory_space<hbm>>
    %dma_start3A_25 = arith.constant 0 : i32
    %dma_start3A_26 = tpu.memref_slice %arg4[%dma_start3A_21, %dma_start3A_25] : memref<2x192xf32, #tpu.memory_space<hbm>> -> memref<1x192xf32, #tpu.memory_space<hbm>>
    %dma_start3A_27 = tpu.memref_squeeze %dma_start3A_26 : memref<1x192xf32, #tpu.memory_space<hbm>> -> memref<192xf32, #tpu.memory_space<hbm>>
    tpu.enqueue_dma source(%dma_start3A_27 : memref<192xf32, #tpu.memory_space<hbm>>) target(%arg12 : memref<192xf32, #tpu.memory_space<vmem>>) target_semaphore(%arg17 : memref<!tpu.dma_semaphore, #tpu.memory_space<semaphore_mem>>)
    %dma_start3A_28 = arith.constant 0 : i32
    %dma_start3A_29 = arith.constant 0 : i32
    %dma_start3A_30 = tpu.memref_slice %arg5[%dma_start3A_28, %dma_start3A_29] : memref<2x16xf32, #tpu.memory_space<hbm>> -> memref<1x16xf32, #tpu.memory_space<hbm>>
    %dma_start3A_31 = tpu.memref_squeeze %dma_start3A_30 : memref<1x16xf32, #tpu.memory_space<hbm>> -> memref<16xf32, #tpu.memory_space<hbm>>
    %dma_start3A_32 = arith.constant 0 : i32
    %dma_start3A_33 = tpu.memref_slice %arg5[%dma_start3A_28, %dma_start3A_32] : memref<2x16xf32, #tpu.memory_space<hbm>> -> memref<1x16xf32, #tpu.memory_space<hbm>>
    %dma_start3A_34 = tpu.memref_squeeze %dma_start3A_33 : memref<1x16xf32, #tpu.memory_space<hbm>> -> memref<16xf32, #tpu.memory_space<hbm>>
    tpu.enqueue_dma source(%dma_start3A_34 : memref<16xf32, #tpu.memory_space<hbm>>) target(%arg13 : memref<16xf32, #tpu.memory_space<vmem>>) target_semaphore(%arg17 : memref<!tpu.dma_semaphore, #tpu.memory_space<semaphore_mem>>)
    %dma_start3A_35 = arith.constant 1 : i32
    %dma_start3A_36 = arith.constant 0 : i32
    %dma_start3A_37 = tpu.memref_slice %arg5[%dma_start3A_35, %dma_start3A_36] : memref<2x16xf32, #tpu.memory_space<hbm>> -> memref<1x16xf32, #tpu.memory_space<hbm>>
    %dma_start3A_38 = tpu.memref_squeeze %dma_start3A_37 : memref<1x16xf32, #tpu.memory_space<hbm>> -> memref<16xf32, #tpu.memory_space<hbm>>
    %dma_start3A_39 = arith.constant 0 : i32
    %dma_start3A_40 = tpu.memref_slice %arg5[%dma_start3A_35, %dma_start3A_39] : memref<2x16xf32, #tpu.memory_space<hbm>> -> memref<1x16xf32, #tpu.memory_space<hbm>>
    %dma_start3A_41 = tpu.memref_squeeze %dma_start3A_40 : memref<1x16xf32, #tpu.memory_space<hbm>> -> memref<16xf32, #tpu.memory_space<hbm>>
    tpu.enqueue_dma source(%dma_start3A_41 : memref<16xf32, #tpu.memory_space<hbm>>) target(%arg14 : memref<16xf32, #tpu.memory_space<vmem>>) target_semaphore(%arg17 : memref<!tpu.dma_semaphore, #tpu.memory_space<semaphore_mem>>)
    %lt3A_42 = arith.constant 30 : i32
    %lt3A_43 = arith.cmpi slt, %add3A, %lt3A_42 : i32
    %eq3A_44 = arith.constant 30 : i32
    %eq3A_45 = arith.cmpi eq, %add3A, %eq3A_44 : i32
    %jit3A = arith.constant 609 : i32
    %jit3A_46 = arith.constant 0 : i32
    %select_n3A = arith.select %eq3A_45, %jit3A, %jit3A_46 : i32
    %jit3A_47 = arith.constant 1024 : i32
    %select_n3A_48 = arith.select %lt3A_43, %jit3A_47, %select_n3A : i32
    %broadcast_in_dim3A = arith.constant 0.000000e+00 : f32
    %broadcast_in_dim3A_49 = vector.broadcast %broadcast_in_dim3A : f32 to vector<16xf32>
    %scan3A = arith.constant 0 : i32
    %scan3A_50 = arith.constant 0 : i32
    %scan3A_51 = arith.constant 192 : i32
    %scan3A_52 = arith.addi %scan3A_50, %scan3A_51 : i32
    %scan3A_53 = arith.constant 4 : i32
    scf.for %scan3A_107 = %scan3A_50 to %scan3A_52 step %scan3A_53  : i32 {
      %swap3A = arith.index_cast %scan3A_107 : i32 to index
      %swap3A_108 = arith.constant 0 : index
      %swap3A_109 = tpu.vector_load %arg15[%swap3A, %swap3A_108] {strides = array<i32>} : memref<192x192xf32, #tpu.memory_space<vmem>>, vector<16xf32>,
      tpu.vector_store %arg15[%swap3A, %swap3A_108], %broadcast_in_dim3A_49 {strides = array<i32>} : memref<192x192xf32, #tpu.memory_space<vmem>>, vector<16xf32>,
      %swap3A_110 = arith.index_cast %scan3A_107 : i32 to index
      %swap3A_111 = arith.constant 0 : index
      %swap3A_112 = tpu.vector_load %arg16[%swap3A_110, %swap3A_111] {strides = array<i32>} : memref<192x192xf32, #tpu.memory_space<vmem>>, vector<16xf32>,
      tpu.vector_store %arg16[%swap3A_110, %swap3A_111], %broadcast_in_dim3A_49 {strides = array<i32>} : memref<192x192xf32, #tpu.memory_space<vmem>>, vector<16xf32>,
      %swap3A_113 = arith.index_cast %scan3A_107 : i32 to index
      %swap3A_114 = arith.constant 16 : index
      %swap3A_115 = tpu.vector_load %arg15[%swap3A_113, %swap3A_114] {strides = array<i32>} : memref<192x192xf32, #tpu.memory_space<vmem>>, vector<16xf32>,
      tpu.vector_store %arg15[%swap3A_113, %swap3A_114], %broadcast_in_dim3A_49 {strides = array<i32>} : memref<192x192xf32, #tpu.memory_space<vmem>>, vector<16xf32>,
      %swap3A_116 = arith.index_cast %scan3A_107 : i32 to index
      %swap3A_117 = arith.constant 16 : index
      %swap3A_118 = tpu.vector_load %arg16[%swap3A_116, %swap3A_117] {strides = array<i32>} : memref<192x192xf32, #tpu.memory_space<vmem>>, vector<16xf32>,
      tpu.vector_store %arg16[%swap3A_116, %swap3A_117], %broadcast_in_dim3A_49 {strides = array<i32>} : memref<192x192xf32, #tpu.memory_space<vmem>>, vector<16xf32>,
      %swap3A_119 = arith.index_cast %scan3A_107 : i32 to index
      %swap3A_120 = arith.constant 32 : index
      %swap3A_121 = tpu.vector_load %arg15[%swap3A_119, %swap3A_120] {strides = array<i32>} : memref<192x192xf32, #tpu.memory_space<vmem>>, vector<16xf32>,
      tpu.vector_store %arg15[%swap3A_119, %swap3A_120], %broadcast_in_dim3A_49 {strides = array<i32>} : memref<192x192xf32, #tpu.memory_space<vmem>>, vector<16xf32>,
      %swap3A_122 = arith.index_cast %scan3A_107 : i32 to index
      %swap3A_123 = arith.constant 32 : index
      %swap3A_124 = tpu.vector_load %arg16[%swap3A_122, %swap3A_123] {strides = array<i32>} : memref<192x192xf32, #tpu.memory_space<vmem>>, vector<16xf32>,
      tpu.vector_store %arg16[%swap3A_122, %swap3A_123], %broadcast_in_dim3A_49 {strides = array<i32>} : memref<192x192xf32, #tpu.memory_space<vmem>>, vector<16xf32>,
      %swap3A_125 = arith.index_cast %scan3A_107 : i32 to index
      %swap3A_126 = arith.constant 48 : index
      %swap3A_127 = tpu.vector_load %arg15[%swap3A_125, %swap3A_126] {strides = array<i32>} : memref<192x192xf32, #tpu.memory_space<vmem>>, vector<16xf32>,
      tpu.vector_store %arg15[%swap3A_125, %swap3A_126], %broadcast_in_dim3A_49 {strides = array<i32>} : memref<192x192xf32, #tpu.memory_space<vmem>>, vector<16xf32>,
      %swap3A_128 = arith.index_cast %scan3A_107 : i32 to index
      %swap3A_129 = arith.constant 48 : index
      %swap3A_130 = tpu.vector_load %arg16[%swap3A_128, %swap3A_129] {strides = array<i32>} : memref<192x192xf32, #tpu.memory_space<vmem>>, vector<16xf32>,
      tpu.vector_store %arg16[%swap3A_128, %swap3A_129], %broadcast_in_dim3A_49 {strides = array<i32>} : memref<192x192xf32, #tpu.memory_space<vmem>>, vector<16xf32>,
      %swap3A_131 = arith.index_cast %scan3A_107 : i32 to index
      %swap3A_132 = arith.constant 64 : index
      %swap3A_133 = tpu.vector_load %arg15[%swap3A_131, %swap3A_132] {strides = array<i32>} : memref<192x192xf32, #tpu.memory_space<vmem>>, vector<16xf32>,
      tpu.vector_store %arg15[%swap3A_131, %swap3A_132], %broadcast_in_dim3A_49 {strides = array<i32>} : memref<192x192xf32, #tpu.memory_space<vmem>>, vector<16xf32>,
      %swap3A_134 = arith.index_cast %scan3A_107 : i32 to index
      %swap3A_135 = arith.constant 64 : index
      %swap3A_136 = tpu.vector_load %arg16[%swap3A_134, %swap3A_135] {strides = array<i32>} : memref<192x192xf32, #tpu.memory_space<vmem>>, vector<16xf32>,
      tpu.vector_store %arg16[%swap3A_134, %swap3A_135], %broadcast_in_dim3A_49 {strides = array<i32>} : memref<192x192xf32, #tpu.memory_space<vmem>>, vector<16xf32>,
      %swap3A_137 = arith.index_cast %scan3A_107 : i32 to index
      %swap3A_138 = arith.constant 80 : index
      %swap3A_139 = tpu.vector_load %arg15[%swap3A_137, %swap3A_138] {strides = array<i32>} : memref<192x192xf32, #tpu.memory_space<vmem>>, vector<16xf32>,
      tpu.vector_store %arg15[%swap3A_137, %swap3A_138], %broadcast_in_dim3A_49 {strides = array<i32>} : memref<192x192xf32, #tpu.memory_space<vmem>>, vector<16xf32>,
      %swap3A_140 = arith.index_cast %scan3A_107 : i32 to index
      %swap3A_141 = arith.constant 80 : index
      %swap3A_142 = tpu.vector_load %arg16[%swap3A_140, %swap3A_141] {strides = array<i32>} : memref<192x192xf32, #tpu.memory_space<vmem>>, vector<16xf32>,
      tpu.vector_store %arg16[%swap3A_140, %swap3A_141], %broadcast_in_dim3A_49 {strides = array<i32>} : memref<192x192xf32, #tpu.memory_space<vmem>>, vector<16xf32>,
      %swap3A_143 = arith.index_cast %scan3A_107 : i32 to index
      %swap3A_144 = arith.constant 96 : index
      %swap3A_145 = tpu.vector_load %arg15[%swap3A_143, %swap3A_144] {strides = array<i32>} : memref<192x192xf32, #tpu.memory_space<vmem>>, vector<16xf32>,
      tpu.vector_store %arg15[%swap3A_143, %swap3A_144], %broadcast_in_dim3A_49 {strides = array<i32>} : memref<192x192xf32, #tpu.memory_space<vmem>>, vector<16xf32>,
      %swap3A_146 = arith.index_cast %scan3A_107 : i32 to index
      %swap3A_147 = arith.constant 96 : index
      %swap3A_148 = tpu.vector_load %arg16[%swap3A_146, %swap3A_147] {strides = array<i32>} : memref<192x192xf32, #tpu.memory_space<vmem>>, vector<16xf32>,
      tpu.vector_store %arg16[%swap3A_146, %swap3A_147], %broadcast_in_dim3A_49 {strides = array<i32>} : memref<192x192xf32, #tpu.memory_space<vmem>>, vector<16xf32>,
      %swap3A_149 = arith.index_cast %scan3A_107 : i32 to index
      %swap3A_150 = arith.constant 112 : index
      %swap3A_151 = tpu.vector_load %arg15[%swap3A_149, %swap3A_150] {strides = array<i32>} : memref<192x192xf32, #tpu.memory_space<vmem>>, vector<16xf32>,
      tpu.vector_store %arg15[%swap3A_149, %swap3A_150], %broadcast_in_dim3A_49 {strides = array<i32>} : memref<192x192xf32, #tpu.memory_space<vmem>>, vector<16xf32>,
      %swap3A_152 = arith.index_cast %scan3A_107 : i32 to index
      %swap3A_153 = arith.constant 112 : index
      %swap3A_154 = tpu.vector_load %arg16[%swap3A_152, %swap3A_153] {strides = array<i32>} : memref<192x192xf32, #tpu.memory_space<vmem>>, vector<16xf32>,
      tpu.vector_store %arg16[%swap3A_152, %swap3A_153], %broadcast_in_dim3A_49 {strides = array<i32>} : memref<192x192xf32, #tpu.memory_space<vmem>>, vector<16xf32>,
      %swap3A_155 = arith.index_cast %scan3A_107 : i32 to index
      %swap3A_156 = arith.constant 128 : index
      %swap3A_157 = tpu.vector_load %arg15[%swap3A_155, %swap3A_156] {strides = array<i32>} : memref<192x192xf32, #tpu.memory_space<vmem>>, vector<16xf32>,
      tpu.vector_store %arg15[%swap3A_155, %swap3A_156], %broadcast_in_dim3A_49 {strides = array<i32>} : memref<192x192xf32, #tpu.memory_space<vmem>>, vector<16xf32>,
      %swap3A_158 = arith.index_cast %scan3A_107 : i32 to index
      %swap3A_159 = arith.constant 128 : index
      %swap3A_160 = tpu.vector_load %arg16[%swap3A_158, %swap3A_159] {strides = array<i32>} : memref<192x192xf32, #tpu.memory_space<vmem>>, vector<16xf32>,
      tpu.vector_store %arg16[%swap3A_158, %swap3A_159], %broadcast_in_dim3A_49 {strides = array<i32>} : memref<192x192xf32, #tpu.memory_space<vmem>>, vector<16xf32>,
      %swap3A_161 = arith.index_cast %scan3A_107 : i32 to index
      %swap3A_162 = arith.constant 144 : index
      %swap3A_163 = tpu.vector_load %arg15[%swap3A_161, %swap3A_162] {strides = array<i32>} : memref<192x192xf32, #tpu.memory_space<vmem>>, vector<16xf32>,
      tpu.vector_store %arg15[%swap3A_161, %swap3A_162], %broadcast_in_dim3A_49 {strides = array<i32>} : memref<192x192xf32, #tpu.memory_space<vmem>>, vector<16xf32>,
      %swap3A_164 = arith.index_cast %scan3A_107 : i32 to index
      %swap3A_165 = arith.constant 144 : index
      %swap3A_166 = tpu.vector_load %arg16[%swap3A_164, %swap3A_165] {strides = array<i32>} : memref<192x192xf32, #tpu.memory_space<vmem>>, vector<16xf32>,
      tpu.vector_store %arg16[%swap3A_164, %swap3A_165], %broadcast_in_dim3A_49 {strides = array<i32>} : memref<192x192xf32, #tpu.memory_space<vmem>>, vector<16xf32>,
      %swap3A_167 = arith.index_cast %scan3A_107 : i32 to index
      %swap3A_168 = arith.constant 160 : index
      %swap3A_169 = tpu.vector_load %arg15[%swap3A_167, %swap3A_168] {strides = array<i32>} : memref<192x192xf32, #tpu.memory_space<vmem>>, vector<16xf32>,
      tpu.vector_store %arg15[%swap3A_167, %swap3A_168], %broadcast_in_dim3A_49 {strides = array<i32>} : memref<192x192xf32, #tpu.memory_space<vmem>>, vector<16xf32>,
      %swap3A_170 = arith.index_cast %scan3A_107 : i32 to index
      %swap3A_171 = arith.constant 160 : index
      %swap3A_172 = tpu.vector_load %arg16[%swap3A_170, %swap3A_171] {strides = array<i32>} : memref<192x192xf32, #tpu.memory_space<vmem>>, vector<16xf32>,
      tpu.vector_store %arg16[%swap3A_170, %swap3A_171], %broadcast_in_dim3A_49 {strides = array<i32>} : memref<192x192xf32, #tpu.memory_space<vmem>>, vector<16xf32>,
      %swap3A_173 = arith.index_cast %scan3A_107 : i32 to index
      %swap3A_174 = arith.constant 176 : index
      %swap3A_175 = tpu.vector_load %arg15[%swap3A_173, %swap3A_174] {strides = array<i32>} : memref<192x192xf32, #tpu.memory_space<vmem>>, vector<16xf32>,
      tpu.vector_store %arg15[%swap3A_173, %swap3A_174], %broadcast_in_dim3A_49 {strides = array<i32>} : memref<192x192xf32, #tpu.memory_space<vmem>>, vector<16xf32>,
      %swap3A_176 = arith.index_cast %scan3A_107 : i32 to index
      %swap3A_177 = arith.constant 176 : index
      %swap3A_178 = tpu.vector_load %arg16[%swap3A_176, %swap3A_177] {strides = array<i32>} : memref<192x192xf32, #tpu.memory_space<vmem>>, vector<16xf32>,
      tpu.vector_store %arg16[%swap3A_176, %swap3A_177], %broadcast_in_dim3A_49 {strides = array<i32>} : memref<192x192xf32, #tpu.memory_space<vmem>>, vector<16xf32>,
      %scan3A_179 = arith.constant 1 : i32
      %scan3A_180 = arith.addi %scan3A_107, %scan3A_179 : i32
      %swap3A_181 = arith.index_cast %scan3A_180 : i32 to index
      %swap3A_182 = arith.constant 0 : index
      %swap3A_183 = tpu.vector_load %arg15[%swap3A_181, %swap3A_182] {strides = array<i32>} : memref<192x192xf32, #tpu.memory_space<vmem>>, vector<16xf32>,
      tpu.vector_store %arg15[%swap3A_181, %swap3A_182], %broadcast_in_dim3A_49 {strides = array<i32>} : memref<192x192xf32, #tpu.memory_space<vmem>>, vector<16xf32>,
      %swap3A_184 = arith.index_cast %scan3A_180 : i32 to index
      %swap3A_185 = arith.constant 0 : index
      %swap3A_186 = tpu.vector_load %arg16[%swap3A_184, %swap3A_185] {strides = array<i32>} : memref<192x192xf32, #tpu.memory_space<vmem>>, vector<16xf32>,
      tpu.vector_store %arg16[%swap3A_184, %swap3A_185], %broadcast_in_dim3A_49 {strides = array<i32>} : memref<192x192xf32, #tpu.memory_space<vmem>>, vector<16xf32>,
      %swap3A_187 = arith.index_cast %scan3A_180 : i32 to index
      %swap3A_188 = arith.constant 16 : index
      %swap3A_189 = tpu.vector_load %arg15[%swap3A_187, %swap3A_188] {strides = array<i32>} : memref<192x192xf32, #tpu.memory_space<vmem>>, vector<16xf32>,
      tpu.vector_store %arg15[%swap3A_187, %swap3A_188], %broadcast_in_dim3A_49 {strides = array<i32>} : memref<192x192xf32, #tpu.memory_space<vmem>>, vector<16xf32>,
      %swap3A_190 = arith.index_cast %scan3A_180 : i32 to index
      %swap3A_191 = arith.constant 16 : index
      %swap3A_192 = tpu.vector_load %arg16[%swap3A_190, %swap3A_191] {strides = array<i32>} : memref<192x192xf32, #tpu.memory_space<vmem>>, vector<16xf32>,
      tpu.vector_store %arg16[%swap3A_190, %swap3A_191], %broadcast_in_dim3A_49 {strides = array<i32>} : memref<192x192xf32, #tpu.memory_space<vmem>>, vector<16xf32>,
      %swap3A_193 = arith.index_cast %scan3A_180 : i32 to index
      %swap3A_194 = arith.constant 32 : index
      %swap3A_195 = tpu.vector_load %arg15[%swap3A_193, %swap3A_194] {strides = array<i32>} : memref<192x192xf32, #tpu.memory_space<vmem>>, vector<16xf32>,
      tpu.vector_store %arg15[%swap3A_193, %swap3A_194], %broadcast_in_dim3A_49 {strides = array<i32>} : memref<192x192xf32, #tpu.memory_space<vmem>>, vector<16xf32>,
      %swap3A_196 = arith.index_cast %scan3A_180 : i32 to index
      %swap3A_197 = arith.constant 32 : index
      %swap3A_198 = tpu.vector_load %arg16[%swap3A_196, %swap3A_197] {strides = array<i32>} : memref<192x192xf32, #tpu.memory_space<vmem>>, vector<16xf32>,
      tpu.vector_store %arg16[%swap3A_196, %swap3A_197], %broadcast_in_dim3A_49 {strides = array<i32>} : memref<192x192xf32, #tpu.memory_space<vmem>>, vector<16xf32>,
      %swap3A_199 = arith.index_cast %scan3A_180 : i32 to index
      %swap3A_200 = arith.constant 48 : index
      %swap3A_201 = tpu.vector_load %arg15[%swap3A_199, %swap3A_200] {strides = array<i32>} : memref<192x192xf32, #tpu.memory_space<vmem>>, vector<16xf32>,
      tpu.vector_store %arg15[%swap3A_199, %swap3A_200], %broadcast_in_dim3A_49 {strides = array<i32>} : memref<192x192xf32, #tpu.memory_space<vmem>>, vector<16xf32>,
      %swap3A_202 = arith.index_cast %scan3A_180 : i32 to index
      %swap3A_203 = arith.constant 48 : index
      %swap3A_204 = tpu.vector_load %arg16[%swap3A_202, %swap3A_203] {strides = array<i32>} : memref<192x192xf32, #tpu.memory_space<vmem>>, vector<16xf32>,
      tpu.vector_store %arg16[%swap3A_202, %swap3A_203], %broadcast_in_dim3A_49 {strides = array<i32>} : memref<192x192xf32, #tpu.memory_space<vmem>>, vector<16xf32>,
      %swap3A_205 = arith.index_cast %scan3A_180 : i32 to index
      %swap3A_206 = arith.constant 64 : index
      %swap3A_207 = tpu.vector_load %arg15[%swap3A_205, %swap3A_206] {strides = array<i32>} : memref<192x192xf32, #tpu.memory_space<vmem>>, vector<16xf32>,
      tpu.vector_store %arg15[%swap3A_205, %swap3A_206], %broadcast_in_dim3A_49 {strides = array<i32>} : memref<192x192xf32, #tpu.memory_space<vmem>>, vector<16xf32>,
      %swap3A_208 = arith.index_cast %scan3A_180 : i32 to index
      %swap3A_209 = arith.constant 64 : index
      %swap3A_210 = tpu.vector_load %arg16[%swap3A_208, %swap3A_209] {strides = array<i32>} : memref<192x192xf32, #tpu.memory_space<vmem>>, vector<16xf32>,
      tpu.vector_store %arg16[%swap3A_208, %swap3A_209], %broadcast_in_dim3A_49 {strides = array<i32>} : memref<192x192xf32, #tpu.memory_space<vmem>>, vector<16xf32>,
      %swap3A_211 = arith.index_cast %scan3A_180 : i32 to index
      %swap3A_212 = arith.constant 80 : index
      %swap3A_213 = tpu.vector_load %arg15[%swap3A_211, %swap3A_212] {strides = array<i32>} : memref<192x192xf32, #tpu.memory_space<vmem>>, vector<16xf32>,
      tpu.vector_store %arg15[%swap3A_211, %swap3A_212], %broadcast_in_dim3A_49 {strides = array<i32>} : memref<192x192xf32, #tpu.memory_space<vmem>>, vector<16xf32>,
      %swap3A_214 = arith.index_cast %scan3A_180 : i32 to index
      %swap3A_215 = arith.constant 80 : index
      %swap3A_216 = tpu.vector_load %arg16[%swap3A_214, %swap3A_215] {strides = array<i32>} : memref<192x192xf32, #tpu.memory_space<vmem>>, vector<16xf32>,
      tpu.vector_store %arg16[%swap3A_214, %swap3A_215], %broadcast_in_dim3A_49 {strides = array<i32>} : memref<192x192xf32, #tpu.memory_space<vmem>>, vector<16xf32>,
      %swap3A_217 = arith.index_cast %scan3A_180 : i32 to index
      %swap3A_218 = arith.constant 96 : index
      %swap3A_219 = tpu.vector_load %arg15[%swap3A_217, %swap3A_218] {strides = array<i32>} : memref<192x192xf32, #tpu.memory_space<vmem>>, vector<16xf32>,
      tpu.vector_store %arg15[%swap3A_217, %swap3A_218], %broadcast_in_dim3A_49 {strides = array<i32>} : memref<192x192xf32, #tpu.memory_space<vmem>>, vector<16xf32>,
      %swap3A_220 = arith.index_cast %scan3A_180 : i32 to index
      %swap3A_221 = arith.constant 96 : index
      %swap3A_222 = tpu.vector_load %arg16[%swap3A_220, %swap3A_221] {strides = array<i32>} : memref<192x192xf32, #tpu.memory_space<vmem>>, vector<16xf32>,
      tpu.vector_store %arg16[%swap3A_220, %swap3A_221], %broadcast_in_dim3A_49 {strides = array<i32>} : memref<192x192xf32, #tpu.memory_space<vmem>>, vector<16xf32>,
      %swap3A_223 = arith.index_cast %scan3A_180 : i32 to index
      %swap3A_224 = arith.constant 112 : index
      %swap3A_225 = tpu.vector_load %arg15[%swap3A_223, %swap3A_224] {strides = array<i32>} : memref<192x192xf32, #tpu.memory_space<vmem>>, vector<16xf32>,
      tpu.vector_store %arg15[%swap3A_223, %swap3A_224], %broadcast_in_dim3A_49 {strides = array<i32>} : memref<192x192xf32, #tpu.memory_space<vmem>>, vector<16xf32>,
      %swap3A_226 = arith.index_cast %scan3A_180 : i32 to index
      %swap3A_227 = arith.constant 112 : index
      %swap3A_228 = tpu.vector_load %arg16[%swap3A_226, %swap3A_227] {strides = array<i32>} : memref<192x192xf32, #tpu.memory_space<vmem>>, vector<16xf32>,
      tpu.vector_store %arg16[%swap3A_226, %swap3A_227], %broadcast_in_dim3A_49 {strides = array<i32>} : memref<192x192xf32, #tpu.memory_space<vmem>>, vector<16xf32>,
      %swap3A_229 = arith.index_cast %scan3A_180 : i32 to index
      %swap3A_230 = arith.constant 128 : index
      %swap3A_231 = tpu.vector_load %arg15[%swap3A_229, %swap3A_230] {strides = array<i32>} : memref<192x192xf32, #tpu.memory_space<vmem>>, vector<16xf32>,
      tpu.vector_store %arg15[%swap3A_229, %swap3A_230], %broadcast_in_dim3A_49 {strides = array<i32>} : memref<192x192xf32, #tpu.memory_space<vmem>>, vector<16xf32>,
      %swap3A_232 = arith.index_cast %scan3A_180 : i32 to index
      %swap3A_233 = arith.constant 128 : index
      %swap3A_234 = tpu.vector_load %arg16[%swap3A_232, %swap3A_233] {strides = array<i32>} : memref<192x192xf32, #tpu.memory_space<vmem>>, vector<16xf32>,
      tpu.vector_store %arg16[%swap3A_232, %swap3A_233], %broadcast_in_dim3A_49 {strides = array<i32>} : memref<192x192xf32, #tpu.memory_space<vmem>>, vector<16xf32>,
      %swap3A_235 = arith.index_cast %scan3A_180 : i32 to index
      %swap3A_236 = arith.constant 144 : index
      %swap3A_237 = tpu.vector_load %arg15[%swap3A_235, %swap3A_236] {strides = array<i32>} : memref<192x192xf32, #tpu.memory_space<vmem>>, vector<16xf32>,
      tpu.vector_store %arg15[%swap3A_235, %swap3A_236], %broadcast_in_dim3A_49 {strides = array<i32>} : memref<192x192xf32, #tpu.memory_space<vmem>>, vector<16xf32>,
      %swap3A_238 = arith.index_cast %scan3A_180 : i32 to index
      %swap3A_239 = arith.constant 144 : index
      %swap3A_240 = tpu.vector_load %arg16[%swap3A_238, %swap3A_239] {strides = array<i32>} : memref<192x192xf32, #tpu.memory_space<vmem>>, vector<16xf32>,
      tpu.vector_store %arg16[%swap3A_238, %swap3A_239], %broadcast_in_dim3A_49 {strides = array<i32>} : memref<192x192xf32, #tpu.memory_space<vmem>>, vector<16xf32>,
      %swap3A_241 = arith.index_cast %scan3A_180 : i32 to index
      %swap3A_242 = arith.constant 160 : index
      %swap3A_243 = tpu.vector_load %arg15[%swap3A_241, %swap3A_242] {strides = array<i32>} : memref<192x192xf32, #tpu.memory_space<vmem>>, vector<16xf32>,
      tpu.vector_store %arg15[%swap3A_241, %swap3A_242], %broadcast_in_dim3A_49 {strides = array<i32>} : memref<192x192xf32, #tpu.memory_space<vmem>>, vector<16xf32>,
      %swap3A_244 = arith.index_cast %scan3A_180 : i32 to index
      %swap3A_245 = arith.constant 160 : index
      %swap3A_246 = tpu.vector_load %arg16[%swap3A_244, %swap3A_245] {strides = array<i32>} : memref<192x192xf32, #tpu.memory_space<vmem>>, vector<16xf32>,
      tpu.vector_store %arg16[%swap3A_244, %swap3A_245], %broadcast_in_dim3A_49 {strides = array<i32>} : memref<192x192xf32, #tpu.memory_space<vmem>>, vector<16xf32>,
      %swap3A_247 = arith.index_cast %scan3A_180 : i32 to index
      %swap3A_248 = arith.constant 176 : index
      %swap3A_249 = tpu.vector_load %arg15[%swap3A_247, %swap3A_248] {strides = array<i32>} : memref<192x192xf32, #tpu.memory_space<vmem>>, vector<16xf32>,
      tpu.vector_store %arg15[%swap3A_247, %swap3A_248], %broadcast_in_dim3A_49 {strides = array<i32>} : memref<192x192xf32, #tpu.memory_space<vmem>>, vector<16xf32>,
      %swap3A_250 = arith.index_cast %scan3A_180 : i32 to index
      %swap3A_251 = arith.constant 176 : index
      %swap3A_252 = tpu.vector_load %arg16[%swap3A_250, %swap3A_251] {strides = array<i32>} : memref<192x192xf32, #tpu.memory_space<vmem>>, vector<16xf32>,
      tpu.vector_store %arg16[%swap3A_250, %swap3A_251], %broadcast_in_dim3A_49 {strides = array<i32>} : memref<192x192xf32, #tpu.memory_space<vmem>>, vector<16xf32>,
      %scan3A_253 = arith.constant 2 : i32
      %scan3A_254 = arith.addi %scan3A_107, %scan3A_253 : i32
      %swap3A_255 = arith.index_cast %scan3A_254 : i32 to index
      %swap3A_256 = arith.constant 0 : index
      %swap3A_257 = tpu.vector_load %arg15[%swap3A_255, %swap3A_256] {strides = array<i32>} : memref<192x192xf32, #tpu.memory_space<vmem>>, vector<16xf32>,
      tpu.vector_store %arg15[%swap3A_255, %swap3A_256], %broadcast_in_dim3A_49 {strides = array<i32>} : memref<192x192xf32, #tpu.memory_space<vmem>>, vector<16xf32>,
      %swap3A_258 = arith.index_cast %scan3A_254 : i32 to index
      %swap3A_259 = arith.constant 0 : index
      %swap3A_260 = tpu.vector_load %arg16[%swap3A_258, %swap3A_259] {strides = array<i32>} : memref<192x192xf32, #tpu.memory_space<vmem>>, vector<16xf32>,
      tpu.vector_store %arg16[%swap3A_258, %swap3A_259], %broadcast_in_dim3A_49 {strides = array<i32>} : memref<192x192xf32, #tpu.memory_space<vmem>>, vector<16xf32>,
      %swap3A_261 = arith.index_cast %scan3A_254 : i32 to index
      %swap3A_262 = arith.constant 16 : index
      %swap3A_263 = tpu.vector_load %arg15[%swap3A_261, %swap3A_262] {strides = array<i32>} : memref<192x192xf32, #tpu.memory_space<vmem>>, vector<16xf32>,
      tpu.vector_store %arg15[%swap3A_261, %swap3A_262], %broadcast_in_dim3A_49 {strides = array<i32>} : memref<192x192xf32, #tpu.memory_space<vmem>>, vector<16xf32>,
      %swap3A_264 = arith.index_cast %scan3A_254 : i32 to index
      %swap3A_265 = arith.constant 16 : index
      %swap3A_266 = tpu.vector_load %arg16[%swap3A_264, %swap3A_265] {strides = array<i32>} : memref<192x192xf32, #tpu.memory_space<vmem>>, vector<16xf32>,
      tpu.vector_store %arg16[%swap3A_264, %swap3A_265], %broadcast_in_dim3A_49 {strides = array<i32>} : memref<192x192xf32, #tpu.memory_space<vmem>>, vector<16xf32>,
      %swap3A_267 = arith.index_cast %scan3A_254 : i32 to index
      %swap3A_268 = arith.constant 32 : index
      %swap3A_269 = tpu.vector_load %arg15[%swap3A_267, %swap3A_268] {strides = array<i32>} : memref<192x192xf32, #tpu.memory_space<vmem>>, vector<16xf32>,
      tpu.vector_store %arg15[%swap3A_267, %swap3A_268], %broadcast_in_dim3A_49 {strides = array<i32>} : memref<192x192xf32, #tpu.memory_space<vmem>>, vector<16xf32>,
      %swap3A_270 = arith.index_cast %scan3A_254 : i32 to index
      %swap3A_271 = arith.constant 32 : index
      %swap3A_272 = tpu.vector_load %arg16[%swap3A_270, %swap3A_271] {strides = array<i32>} : memref<192x192xf32, #tpu.memory_space<vmem>>, vector<16xf32>,
      tpu.vector_store %arg16[%swap3A_270, %swap3A_271], %broadcast_in_dim3A_49 {strides = array<i32>} : memref<192x192xf32, #tpu.memory_space<vmem>>, vector<16xf32>,
      %swap3A_273 = arith.index_cast %scan3A_254 : i32 to index
      %swap3A_274 = arith.constant 48 : index
      %swap3A_275 = tpu.vector_load %arg15[%swap3A_273, %swap3A_274] {strides = array<i32>} : memref<192x192xf32, #tpu.memory_space<vmem>>, vector<16xf32>,
      tpu.vector_store %arg15[%swap3A_273, %swap3A_274], %broadcast_in_dim3A_49 {strides = array<i32>} : memref<192x192xf32, #tpu.memory_space<vmem>>, vector<16xf32>,
      %swap3A_276 = arith.index_cast %scan3A_254 : i32 to index
      %swap3A_277 = arith.constant 48 : index
      %swap3A_278 = tpu.vector_load %arg16[%swap3A_276, %swap3A_277] {strides = array<i32>} : memref<192x192xf32, #tpu.memory_space<vmem>>, vector<16xf32>,
      tpu.vector_store %arg16[%swap3A_276, %swap3A_277], %broadcast_in_dim3A_49 {strides = array<i32>} : memref<192x192xf32, #tpu.memory_space<vmem>>, vector<16xf32>,
      %swap3A_279 = arith.index_cast %scan3A_254 : i32 to index
      %swap3A_280 = arith.constant 64 : index
      %swap3A_281 = tpu.vector_load %arg15[%swap3A_279, %swap3A_280] {strides = array<i32>} : memref<192x192xf32, #tpu.memory_space<vmem>>, vector<16xf32>,
      tpu.vector_store %arg15[%swap3A_279, %swap3A_280], %broadcast_in_dim3A_49 {strides = array<i32>} : memref<192x192xf32, #tpu.memory_space<vmem>>, vector<16xf32>,
      %swap3A_282 = arith.index_cast %scan3A_254 : i32 to index
      %swap3A_283 = arith.constant 64 : index
      %swap3A_284 = tpu.vector_load %arg16[%swap3A_282, %swap3A_283] {strides = array<i32>} : memref<192x192xf32, #tpu.memory_space<vmem>>, vector<16xf32>,
      tpu.vector_store %arg16[%swap3A_282, %swap3A_283], %broadcast_in_dim3A_49 {strides = array<i32>} : memref<192x192xf32, #tpu.memory_space<vmem>>, vector<16xf32>,
      %swap3A_285 = arith.index_cast %scan3A_254 : i32 to index
      %swap3A_286 = arith.constant 80 : index
      %swap3A_287 = tpu.vector_load %arg15[%swap3A_285, %swap3A_286] {strides = array<i32>} : memref<192x192xf32, #tpu.memory_space<vmem>>, vector<16xf32>,
      tpu.vector_store %arg15[%swap3A_285, %swap3A_286], %broadcast_in_dim3A_49 {strides = array<i32>} : memref<192x192xf32, #tpu.memory_space<vmem>>, vector<16xf32>,
      %swap3A_288 = arith.index_cast %scan3A_254 : i32 to index
      %swap3A_289 = arith.constant 80 : index
      %swap3A_290 = tpu.vector_load %arg16[%swap3A_288, %swap3A_289] {strides = array<i32>} : memref<192x192xf32, #tpu.memory_space<vmem>>, vector<16xf32>,
      tpu.vector_store %arg16[%swap3A_288, %swap3A_289], %broadcast_in_dim3A_49 {strides = array<i32>} : memref<192x192xf32, #tpu.memory_space<vmem>>, vector<16xf32>,
      %swap3A_291 = arith.index_cast %scan3A_254 : i32 to index
      %swap3A_292 = arith.constant 96 : index
      %swap3A_293 = tpu.vector_load %arg15[%swap3A_291, %swap3A_292] {strides = array<i32>} : memref<192x192xf32, #tpu.memory_space<vmem>>, vector<16xf32>,
      tpu.vector_store %arg15[%swap3A_291, %swap3A_292], %broadcast_in_dim3A_49 {strides = array<i32>} : memref<192x192xf32, #tpu.memory_space<vmem>>, vector<16xf32>,
      %swap3A_294 = arith.index_cast %scan3A_254 : i32 to index
      %swap3A_295 = arith.constant 96 : index
      %swap3A_296 = tpu.vector_load %arg16[%swap3A_294, %swap3A_295] {strides = array<i32>} : memref<192x192xf32, #tpu.memory_space<vmem>>, vector<16xf32>,
      tpu.vector_store %arg16[%swap3A_294, %swap3A_295], %broadcast_in_dim3A_49 {strides = array<i32>} : memref<192x192xf32, #tpu.memory_space<vmem>>, vector<16xf32>,
      %swap3A_297 = arith.index_cast %scan3A_254 : i32 to index
      %swap3A_298 = arith.constant 112 : index
      %swap3A_299 = tpu.vector_load %arg15[%swap3A_297, %swap3A_298] {strides = array<i32>} : memref<192x192xf32, #tpu.memory_space<vmem>>, vector<16xf32>,
      tpu.vector_store %arg15[%swap3A_297, %swap3A_298], %broadcast_in_dim3A_49 {strides = array<i32>} : memref<192x192xf32, #tpu.memory_space<vmem>>, vector<16xf32>,
      %swap3A_300 = arith.index_cast %scan3A_254 : i32 to index
      %swap3A_301 = arith.constant 112 : index
      %swap3A_302 = tpu.vector_load %arg16[%swap3A_300, %swap3A_301] {strides = array<i32>} : memref<192x192xf32, #tpu.memory_space<vmem>>, vector<16xf32>,
      tpu.vector_store %arg16[%swap3A_300, %swap3A_301], %broadcast_in_dim3A_49 {strides = array<i32>} : memref<192x192xf32, #tpu.memory_space<vmem>>, vector<16xf32>,
      %swap3A_303 = arith.index_cast %scan3A_254 : i32 to index
      %swap3A_304 = arith.constant 128 : index
      %swap3A_305 = tpu.vector_load %arg15[%swap3A_303, %swap3A_304] {strides = array<i32>} : memref<192x192xf32, #tpu.memory_space<vmem>>, vector<16xf32>,
      tpu.vector_store %arg15[%swap3A_303, %swap3A_304], %broadcast_in_dim3A_49 {strides = array<i32>} : memref<192x192xf32, #tpu.memory_space<vmem>>, vector<16xf32>,
      %swap3A_306 = arith.index_cast %scan3A_254 : i32 to index
      %swap3A_307 = arith.constant 128 : index
      %swap3A_308 = tpu.vector_load %arg16[%swap3A_306, %swap3A_307] {strides = array<i32>} : memref<192x192xf32, #tpu.memory_space<vmem>>, vector<16xf32>,
      tpu.vector_store %arg16[%swap3A_306, %swap3A_307], %broadcast_in_dim3A_49 {strides = array<i32>} : memref<192x192xf32, #tpu.memory_space<vmem>>, vector<16xf32>,
      %swap3A_309 = arith.index_cast %scan3A_254 : i32 to index
      %swap3A_310 = arith.constant 144 : index
      %swap3A_311 = tpu.vector_load %arg15[%swap3A_309, %swap3A_310] {strides = array<i32>} : memref<192x192xf32, #tpu.memory_space<vmem>>, vector<16xf32>,
      tpu.vector_store %arg15[%swap3A_309, %swap3A_310], %broadcast_in_dim3A_49 {strides = array<i32>} : memref<192x192xf32, #tpu.memory_space<vmem>>, vector<16xf32>,
      %swap3A_312 = arith.index_cast %scan3A_254 : i32 to index
      %swap3A_313 = arith.constant 144 : index
      %swap3A_314 = tpu.vector_load %arg16[%swap3A_312, %swap3A_313] {strides = array<i32>} : memref<192x192xf32, #tpu.memory_space<vmem>>, vector<16xf32>,
      tpu.vector_store %arg16[%swap3A_312, %swap3A_313], %broadcast_in_dim3A_49 {strides = array<i32>} : memref<192x192xf32, #tpu.memory_space<vmem>>, vector<16xf32>,
      %swap3A_315 = arith.index_cast %scan3A_254 : i32 to index
      %swap3A_316 = arith.constant 160 : index
      %swap3A_317 = tpu.vector_load %arg15[%swap3A_315, %swap3A_316] {strides = array<i32>} : memref<192x192xf32, #tpu.memory_space<vmem>>, vector<16xf32>,
      tpu.vector_store %arg15[%swap3A_315, %swap3A_316], %broadcast_in_dim3A_49 {strides = array<i32>} : memref<192x192xf32, #tpu.memory_space<vmem>>, vector<16xf32>,
      %swap3A_318 = arith.index_cast %scan3A_254 : i32 to index
      %swap3A_319 = arith.constant 160 : index
      %swap3A_320 = tpu.vector_load %arg16[%swap3A_318, %swap3A_319] {strides = array<i32>} : memref<192x192xf32, #tpu.memory_space<vmem>>, vector<16xf32>,
      tpu.vector_store %arg16[%swap3A_318, %swap3A_319], %broadcast_in_dim3A_49 {strides = array<i32>} : memref<192x192xf32, #tpu.memory_space<vmem>>, vector<16xf32>,
      %swap3A_321 = arith.index_cast %scan3A_254 : i32 to index
      %swap3A_322 = arith.constant 176 : index
      %swap3A_323 = tpu.vector_load %arg15[%swap3A_321, %swap3A_322] {strides = array<i32>} : memref<192x192xf32, #tpu.memory_space<vmem>>, vector<16xf32>,
      tpu.vector_store %arg15[%swap3A_321, %swap3A_322], %broadcast_in_dim3A_49 {strides = array<i32>} : memref<192x192xf32, #tpu.memory_space<vmem>>, vector<16xf32>,
      %swap3A_324 = arith.index_cast %scan3A_254 : i32 to index
      %swap3A_325 = arith.constant 176 : index
      %swap3A_326 = tpu.vector_load %arg16[%swap3A_324, %swap3A_325] {strides = array<i32>} : memref<192x192xf32, #tpu.memory_space<vmem>>, vector<16xf32>,
      tpu.vector_store %arg16[%swap3A_324, %swap3A_325], %broadcast_in_dim3A_49 {strides = array<i32>} : memref<192x192xf32, #tpu.memory_space<vmem>>, vector<16xf32>,
      %scan3A_327 = arith.constant 3 : i32
      %scan3A_328 = arith.addi %scan3A_107, %scan3A_327 : i32
      %swap3A_329 = arith.index_cast %scan3A_328 : i32 to index
      %swap3A_330 = arith.constant 0 : index
      %swap3A_331 = tpu.vector_load %arg15[%swap3A_329, %swap3A_330] {strides = array<i32>} : memref<192x192xf32, #tpu.memory_space<vmem>>, vector<16xf32>,
      tpu.vector_store %arg15[%swap3A_329, %swap3A_330], %broadcast_in_dim3A_49 {strides = array<i32>} : memref<192x192xf32, #tpu.memory_space<vmem>>, vector<16xf32>,
      %swap3A_332 = arith.index_cast %scan3A_328 : i32 to index
      %swap3A_333 = arith.constant 0 : index
      %swap3A_334 = tpu.vector_load %arg16[%swap3A_332, %swap3A_333] {strides = array<i32>} : memref<192x192xf32, #tpu.memory_space<vmem>>, vector<16xf32>,
      tpu.vector_store %arg16[%swap3A_332, %swap3A_333], %broadcast_in_dim3A_49 {strides = array<i32>} : memref<192x192xf32, #tpu.memory_space<vmem>>, vector<16xf32>,
      %swap3A_335 = arith.index_cast %scan3A_328 : i32 to index
      %swap3A_336 = arith.constant 16 : index
      %swap3A_337 = tpu.vector_load %arg15[%swap3A_335, %swap3A_336] {strides = array<i32>} : memref<192x192xf32, #tpu.memory_space<vmem>>, vector<16xf32>,
      tpu.vector_store %arg15[%swap3A_335, %swap3A_336], %broadcast_in_dim3A_49 {strides = array<i32>} : memref<192x192xf32, #tpu.memory_space<vmem>>, vector<16xf32>,
      %swap3A_338 = arith.index_cast %scan3A_328 : i32 to index
      %swap3A_339 = arith.constant 16 : index
      %swap3A_340 = tpu.vector_load %arg16[%swap3A_338, %swap3A_339] {strides = array<i32>} : memref<192x192xf32, #tpu.memory_space<vmem>>, vector<16xf32>,
      tpu.vector_store %arg16[%swap3A_338, %swap3A_339], %broadcast_in_dim3A_49 {strides = array<i32>} : memref<192x192xf32, #tpu.memory_space<vmem>>, vector<16xf32>,
      %swap3A_341 = arith.index_cast %scan3A_328 : i32 to index
      %swap3A_342 = arith.constant 32 : index
      %swap3A_343 = tpu.vector_load %arg15[%swap3A_341, %swap3A_342] {strides = array<i32>} : memref<192x192xf32, #tpu.memory_space<vmem>>, vector<16xf32>,
      tpu.vector_store %arg15[%swap3A_341, %swap3A_342], %broadcast_in_dim3A_49 {strides = array<i32>} : memref<192x192xf32, #tpu.memory_space<vmem>>, vector<16xf32>,
      %swap3A_344 = arith.index_cast %scan3A_328 : i32 to index
      %swap3A_345 = arith.constant 32 : index
      %swap3A_346 = tpu.vector_load %arg16[%swap3A_344, %swap3A_345] {strides = array<i32>} : memref<192x192xf32, #tpu.memory_space<vmem>>, vector<16xf32>,
      tpu.vector_store %arg16[%swap3A_344, %swap3A_345], %broadcast_in_dim3A_49 {strides = array<i32>} : memref<192x192xf32, #tpu.memory_space<vmem>>, vector<16xf32>,
      %swap3A_347 = arith.index_cast %scan3A_328 : i32 to index
      %swap3A_348 = arith.constant 48 : index
      %swap3A_349 = tpu.vector_load %arg15[%swap3A_347, %swap3A_348] {strides = array<i32>} : memref<192x192xf32, #tpu.memory_space<vmem>>, vector<16xf32>,
      tpu.vector_store %arg15[%swap3A_347, %swap3A_348], %broadcast_in_dim3A_49 {strides = array<i32>} : memref<192x192xf32, #tpu.memory_space<vmem>>, vector<16xf32>,
      %swap3A_350 = arith.index_cast %scan3A_328 : i32 to index
      %swap3A_351 = arith.constant 48 : index
      %swap3A_352 = tpu.vector_load %arg16[%swap3A_350, %swap3A_351] {strides = array<i32>} : memref<192x192xf32, #tpu.memory_space<vmem>>, vector<16xf32>,
      tpu.vector_store %arg16[%swap3A_350, %swap3A_351], %broadcast_in_dim3A_49 {strides = array<i32>} : memref<192x192xf32, #tpu.memory_space<vmem>>, vector<16xf32>,
      %swap3A_353 = arith.index_cast %scan3A_328 : i32 to index
      %swap3A_354 = arith.constant 64 : index
      %swap3A_355 = tpu.vector_load %arg15[%swap3A_353, %swap3A_354] {strides = array<i32>} : memref<192x192xf32, #tpu.memory_space<vmem>>, vector<16xf32>,
      tpu.vector_store %arg15[%swap3A_353, %swap3A_354], %broadcast_in_dim3A_49 {strides = array<i32>} : memref<192x192xf32, #tpu.memory_space<vmem>>, vector<16xf32>,
      %swap3A_356 = arith.index_cast %scan3A_328 : i32 to index
      %swap3A_357 = arith.constant 64 : index
      %swap3A_358 = tpu.vector_load %arg16[%swap3A_356, %swap3A_357] {strides = array<i32>} : memref<192x192xf32, #tpu.memory_space<vmem>>, vector<16xf32>,
      tpu.vector_store %arg16[%swap3A_356, %swap3A_357], %broadcast_in_dim3A_49 {strides = array<i32>} : memref<192x192xf32, #tpu.memory_space<vmem>>, vector<16xf32>,
      %swap3A_359 = arith.index_cast %scan3A_328 : i32 to index
      %swap3A_360 = arith.constant 80 : index
      %swap3A_361 = tpu.vector_load %arg15[%swap3A_359, %swap3A_360] {strides = array<i32>} : memref<192x192xf32, #tpu.memory_space<vmem>>, vector<16xf32>,
      tpu.vector_store %arg15[%swap3A_359, %swap3A_360], %broadcast_in_dim3A_49 {strides = array<i32>} : memref<192x192xf32, #tpu.memory_space<vmem>>, vector<16xf32>,
      %swap3A_362 = arith.index_cast %scan3A_328 : i32 to index
      %swap3A_363 = arith.constant 80 : index
      %swap3A_364 = tpu.vector_load %arg16[%swap3A_362, %swap3A_363] {strides = array<i32>} : memref<192x192xf32, #tpu.memory_space<vmem>>, vector<16xf32>,
      tpu.vector_store %arg16[%swap3A_362, %swap3A_363], %broadcast_in_dim3A_49 {strides = array<i32>} : memref<192x192xf32, #tpu.memory_space<vmem>>, vector<16xf32>,
      %swap3A_365 = arith.index_cast %scan3A_328 : i32 to index
      %swap3A_366 = arith.constant 96 : index
      %swap3A_367 = tpu.vector_load %arg15[%swap3A_365, %swap3A_366] {strides = array<i32>} : memref<192x192xf32, #tpu.memory_space<vmem>>, vector<16xf32>,
      tpu.vector_store %arg15[%swap3A_365, %swap3A_366], %broadcast_in_dim3A_49 {strides = array<i32>} : memref<192x192xf32, #tpu.memory_space<vmem>>, vector<16xf32>,
      %swap3A_368 = arith.index_cast %scan3A_328 : i32 to index
      %swap3A_369 = arith.constant 96 : index
      %swap3A_370 = tpu.vector_load %arg16[%swap3A_368, %swap3A_369] {strides = array<i32>} : memref<192x192xf32, #tpu.memory_space<vmem>>, vector<16xf32>,
      tpu.vector_store %arg16[%swap3A_368, %swap3A_369], %broadcast_in_dim3A_49 {strides = array<i32>} : memref<192x192xf32, #tpu.memory_space<vmem>>, vector<16xf32>,
      %swap3A_371 = arith.index_cast %scan3A_328 : i32 to index
      %swap3A_372 = arith.constant 112 : index
      %swap3A_373 = tpu.vector_load %arg15[%swap3A_371, %swap3A_372] {strides = array<i32>} : memref<192x192xf32, #tpu.memory_space<vmem>>, vector<16xf32>,
      tpu.vector_store %arg15[%swap3A_371, %swap3A_372], %broadcast_in_dim3A_49 {strides = array<i32>} : memref<192x192xf32, #tpu.memory_space<vmem>>, vector<16xf32>,
      %swap3A_374 = arith.index_cast %scan3A_328 : i32 to index
      %swap3A_375 = arith.constant 112 : index
      %swap3A_376 = tpu.vector_load %arg16[%swap3A_374, %swap3A_375] {strides = array<i32>} : memref<192x192xf32, #tpu.memory_space<vmem>>, vector<16xf32>,
      tpu.vector_store %arg16[%swap3A_374, %swap3A_375], %broadcast_in_dim3A_49 {strides = array<i32>} : memref<192x192xf32, #tpu.memory_space<vmem>>, vector<16xf32>,
      %swap3A_377 = arith.index_cast %scan3A_328 : i32 to index
      %swap3A_378 = arith.constant 128 : index
      %swap3A_379 = tpu.vector_load %arg15[%swap3A_377, %swap3A_378] {strides = array<i32>} : memref<192x192xf32, #tpu.memory_space<vmem>>, vector<16xf32>,
      tpu.vector_store %arg15[%swap3A_377, %swap3A_378], %broadcast_in_dim3A_49 {strides = array<i32>} : memref<192x192xf32, #tpu.memory_space<vmem>>, vector<16xf32>,
      %swap3A_380 = arith.index_cast %scan3A_328 : i32 to index
      %swap3A_381 = arith.constant 128 : index
      %swap3A_382 = tpu.vector_load %arg16[%swap3A_380, %swap3A_381] {strides = array<i32>} : memref<192x192xf32, #tpu.memory_space<vmem>>, vector<16xf32>,
      tpu.vector_store %arg16[%swap3A_380, %swap3A_381], %broadcast_in_dim3A_49 {strides = array<i32>} : memref<192x192xf32, #tpu.memory_space<vmem>>, vector<16xf32>,
      %swap3A_383 = arith.index_cast %scan3A_328 : i32 to index
      %swap3A_384 = arith.constant 144 : index
      %swap3A_385 = tpu.vector_load %arg15[%swap3A_383, %swap3A_384] {strides = array<i32>} : memref<192x192xf32, #tpu.memory_space<vmem>>, vector<16xf32>,
      tpu.vector_store %arg15[%swap3A_383, %swap3A_384], %broadcast_in_dim3A_49 {strides = array<i32>} : memref<192x192xf32, #tpu.memory_space<vmem>>, vector<16xf32>,
      %swap3A_386 = arith.index_cast %scan3A_328 : i32 to index
      %swap3A_387 = arith.constant 144 : index
      %swap3A_388 = tpu.vector_load %arg16[%swap3A_386, %swap3A_387] {strides = array<i32>} : memref<192x192xf32, #tpu.memory_space<vmem>>, vector<16xf32>,
      tpu.vector_store %arg16[%swap3A_386, %swap3A_387], %broadcast_in_dim3A_49 {strides = array<i32>} : memref<192x192xf32, #tpu.memory_space<vmem>>, vector<16xf32>,
      %swap3A_389 = arith.index_cast %scan3A_328 : i32 to index
      %swap3A_390 = arith.constant 160 : index
      %swap3A_391 = tpu.vector_load %arg15[%swap3A_389, %swap3A_390] {strides = array<i32>} : memref<192x192xf32, #tpu.memory_space<vmem>>, vector<16xf32>,
      tpu.vector_store %arg15[%swap3A_389, %swap3A_390], %broadcast_in_dim3A_49 {strides = array<i32>} : memref<192x192xf32, #tpu.memory_space<vmem>>, vector<16xf32>,
      %swap3A_392 = arith.index_cast %scan3A_328 : i32 to index
      %swap3A_393 = arith.constant 160 : index
      %swap3A_394 = tpu.vector_load %arg16[%swap3A_392, %swap3A_393] {strides = array<i32>} : memref<192x192xf32, #tpu.memory_space<vmem>>, vector<16xf32>,
      tpu.vector_store %arg16[%swap3A_392, %swap3A_393], %broadcast_in_dim3A_49 {strides = array<i32>} : memref<192x192xf32, #tpu.memory_space<vmem>>, vector<16xf32>,
      %swap3A_395 = arith.index_cast %scan3A_328 : i32 to index
      %swap3A_396 = arith.constant 176 : index
      %swap3A_397 = tpu.vector_load %arg15[%swap3A_395, %swap3A_396] {strides = array<i32>} : memref<192x192xf32, #tpu.memory_space<vmem>>, vector<16xf32>,
      tpu.vector_store %arg15[%swap3A_395, %swap3A_396], %broadcast_in_dim3A_49 {strides = array<i32>} : memref<192x192xf32, #tpu.memory_space<vmem>>, vector<16xf32>,
      %swap3A_398 = arith.index_cast %scan3A_328 : i32 to index
      %swap3A_399 = arith.constant 176 : index
      %swap3A_400 = tpu.vector_load %arg16[%swap3A_398, %swap3A_399] {strides = array<i32>} : memref<192x192xf32, #tpu.memory_space<vmem>>, vector<16xf32>,
      tpu.vector_store %arg16[%swap3A_398, %swap3A_399], %broadcast_in_dim3A_49 {strides = array<i32>} : memref<192x192xf32, #tpu.memory_space<vmem>>, vector<16xf32>,
    }
    %scan3A_54 = arith.constant 192 : i32
    %lt3A_55 = arith.constant 30 : i32
    %lt3A_56 = arith.cmpi slt, %add3A, %lt3A_55 : i32
    %convert_element_type3A_57 = arith.extui %lt3A_56 : i1 to i32
    %cond3A_58 = arith.constant 0 : i32
    %cond3A_59 = arith.constant 1 : i32
    %cond3A_60 = arith.constant 0 : i32
    %cond3A_61 = arith.constant 0 : i32
    %cond3A_62 = arith.cmpi ne, %convert_element_type3A_57, %cond3A_61 : i32
    scf.if %cond3A_62 {
      %dma_wait3A_107 = arith.constant 0 : i32
      %dma_wait3A_108 = tpu.memref_slice %arg2[%cond3A_58, %dma_wait3A_107] : memref<2x31329xi32, #tpu.memory_space<hbm>> -> memref<1x31329xi32, #tpu.memory_space<hbm>>
      %dma_wait3A_109 = tpu.memref_squeeze %dma_wait3A_108 : memref<1x31329xi32, #tpu.memory_space<hbm>> -> memref<31329xi32, #tpu.memory_space<hbm>>
      %dma_wait3A_110 = tpu.memref_slice %dma_wait3A_109[%mul3A_2] : memref<31329xi32, #tpu.memory_space<hbm>> -> memref<1024xi32, #tpu.memory_space<hbm>>
      %dma_wait3A_111 = arith.constant 0 : i32
      %dma_wait3A_112 = tpu.memref_slice %arg2[%cond3A_58, %dma_wait3A_111] : memref<2x31329xi32, #tpu.memory_space<hbm>> -> memref<1x31329xi32, #tpu.memory_space<hbm>>
      %dma_wait3A_113 = tpu.memref_squeeze %dma_wait3A_112 : memref<1x31329xi32, #tpu.memory_space<hbm>> -> memref<31329xi32, #tpu.memory_space<hbm>>
      %dma_wait3A_114 = tpu.memref_slice %dma_wait3A_113[%mul3A_2] : memref<31329xi32, #tpu.memory_space<hbm>> -> memref<1024xi32, #tpu.memory_space<hbm>>
      tpu.wait_dma2 semaphore(%arg17 : memref<!tpu.dma_semaphore, #tpu.memory_space<semaphore_mem>>) src(%dma_wait3A_114 : memref<1024xi32, #tpu.memory_space<hbm>>) dst(%arg8 : memref<1024xi32, #tpu.memory_space<vmem>>)
      %dma_wait3A_115 = arith.constant 0 : i32
      %dma_wait3A_116 = tpu.memref_slice %arg2[%cond3A_59, %dma_wait3A_115] : memref<2x31329xi32, #tpu.memory_space<hbm>> -> memref<1x31329xi32, #tpu.memory_space<hbm>>
      %dma_wait3A_117 = tpu.memref_squeeze %dma_wait3A_116 : memref<1x31329xi32, #tpu.memory_space<hbm>> -> memref<31329xi32, #tpu.memory_space<hbm>>
      %dma_wait3A_118 = tpu.memref_slice %dma_wait3A_117[%mul3A_2] : memref<31329xi32, #tpu.memory_space<hbm>> -> memref<1024xi32, #tpu.memory_space<hbm>>
      %dma_wait3A_119 = arith.constant 0 : i32
      %dma_wait3A_120 = tpu.memref_slice %arg2[%cond3A_59, %dma_wait3A_119] : memref<2x31329xi32, #tpu.memory_space<hbm>> -> memref<1x31329xi32, #tpu.memory_space<hbm>>
      %dma_wait3A_121 = tpu.memref_squeeze %dma_wait3A_120 : memref<1x31329xi32, #tpu.memory_space<hbm>> -> memref<31329xi32, #tpu.memory_space<hbm>>
      %dma_wait3A_122 = tpu.memref_slice %dma_wait3A_121[%mul3A_2] : memref<31329xi32, #tpu.memory_space<hbm>> -> memref<1024xi32, #tpu.memory_space<hbm>>
      tpu.wait_dma2 semaphore(%arg17 : memref<!tpu.dma_semaphore, #tpu.memory_space<semaphore_mem>>) src(%dma_wait3A_122 : memref<1024xi32, #tpu.memory_space<hbm>>) dst(%arg9 : memref<1024xi32, #tpu.memory_space<vmem>>)
      %dma_wait3A_123 = arith.constant 0 : i32
      %dma_wait3A_124 = tpu.memref_slice %arg3[%cond3A_60, %dma_wait3A_123] : memref<1x31329xf32, #tpu.memory_space<hbm>> -> memref<1x31329xf32, #tpu.memory_space<hbm>>
      %dma_wait3A_125 = tpu.memref_squeeze %dma_wait3A_124 : memref<1x31329xf32, #tpu.memory_space<hbm>> -> memref<31329xf32, #tpu.memory_space<hbm>>
      %dma_wait3A_126 = tpu.memref_slice %dma_wait3A_125[%mul3A_2] : memref<31329xf32, #tpu.memory_space<hbm>> -> memref<1024xf32, #tpu.memory_space<hbm>>
      %dma_wait3A_127 = arith.constant 0 : i32
      %dma_wait3A_128 = tpu.memref_slice %arg3[%cond3A_60, %dma_wait3A_127] : memref<1x31329xf32, #tpu.memory_space<hbm>> -> memref<1x31329xf32, #tpu.memory_space<hbm>>
      %dma_wait3A_129 = tpu.memref_squeeze %dma_wait3A_128 : memref<1x31329xf32, #tpu.memory_space<hbm>> -> memref<31329xf32, #tpu.memory_space<hbm>>
      %dma_wait3A_130 = tpu.memref_slice %dma_wait3A_129[%mul3A_2] : memref<31329xf32, #tpu.memory_space<hbm>> -> memref<1024xf32, #tpu.memory_space<hbm>>
      tpu.wait_dma2 semaphore(%arg17 : memref<!tpu.dma_semaphore, #tpu.memory_space<semaphore_mem>>) src(%dma_wait3A_130 : memref<1024xf32, #tpu.memory_space<hbm>>) dst(%arg10 : memref<1024xf32, #tpu.memory_space<vmem>>)
    } else {
    }
    %eq3A_63 = arith.constant 30 : i32
    %eq3A_64 = arith.cmpi eq, %add3A, %eq3A_63 : i32
    %convert_element_type3A_65 = arith.extui %eq3A_64 : i1 to i32
    %cond3A_66 = arith.constant 0 : i32
    %cond3A_67 = arith.constant 1 : i32
    %cond3A_68 = arith.constant 0 : i32
    %cond3A_69 = arith.constant 0 : i32
    %cond3A_70 = arith.cmpi ne, %convert_element_type3A_65, %cond3A_69 : i32
    scf.if %cond3A_70 {
      %dma_wait3A_107 = arith.constant 0 : i32
      %dma_wait3A_108 = tpu.memref_slice %arg8[%dma_wait3A_107] : memref<1024xi32, #tpu.memory_space<vmem>> -> memref<640xi32, #tpu.memory_space<vmem>>
      %dma_wait3A_109 = arith.constant 0 : i32
      %dma_wait3A_110 = tpu.memref_slice %arg2[%cond3A_66, %dma_wait3A_109] : memref<2x31329xi32, #tpu.memory_space<hbm>> -> memref<1x31329xi32, #tpu.memory_space<hbm>>
      %dma_wait3A_111 = tpu.memref_squeeze %dma_wait3A_110 : memref<1x31329xi32, #tpu.memory_space<hbm>> -> memref<31329xi32, #tpu.memory_space<hbm>>
      %dma_wait3A_112 = tpu.memref_slice %dma_wait3A_111[%mul3A_2] : memref<31329xi32, #tpu.memory_space<hbm>> -> memref<640xi32, #tpu.memory_space<hbm>>
      %dma_wait3A_113 = arith.constant 0 : i32
      %dma_wait3A_114 = tpu.memref_slice %arg8[%dma_wait3A_113] : memref<1024xi32, #tpu.memory_space<vmem>> -> memref<640xi32, #tpu.memory_space<vmem>>
      %dma_wait3A_115 = arith.constant 0 : i32
      %dma_wait3A_116 = tpu.memref_slice %arg2[%cond3A_66, %dma_wait3A_115] : memref<2x31329xi32, #tpu.memory_space<hbm>> -> memref<1x31329xi32, #tpu.memory_space<hbm>>
      %dma_wait3A_117 = tpu.memref_squeeze %dma_wait3A_116 : memref<1x31329xi32, #tpu.memory_space<hbm>> -> memref<31329xi32, #tpu.memory_space<hbm>>
      %dma_wait3A_118 = tpu.memref_slice %dma_wait3A_117[%mul3A_2] : memref<31329xi32, #tpu.memory_space<hbm>> -> memref<640xi32, #tpu.memory_space<hbm>>
      tpu.wait_dma2 semaphore(%arg17 : memref<!tpu.dma_semaphore, #tpu.memory_space<semaphore_mem>>) src(%dma_wait3A_118 : memref<640xi32, #tpu.memory_space<hbm>>) dst(%dma_wait3A_114 : memref<640xi32, #tpu.memory_space<vmem>>)
      %dma_wait3A_119 = arith.constant 0 : i32
      %dma_wait3A_120 = tpu.memref_slice %arg9[%dma_wait3A_119] : memref<1024xi32, #tpu.memory_space<vmem>> -> memref<640xi32, #tpu.memory_space<vmem>>
      %dma_wait3A_121 = arith.constant 0 : i32
      %dma_wait3A_122 = tpu.memref_slice %arg2[%cond3A_67, %dma_wait3A_121] : memref<2x31329xi32, #tpu.memory_space<hbm>> -> memref<1x31329xi32, #tpu.memory_space<hbm>>
      %dma_wait3A_123 = tpu.memref_squeeze %dma_wait3A_122 : memref<1x31329xi32, #tpu.memory_space<hbm>> -> memref<31329xi32, #tpu.memory_space<hbm>>
      %dma_wait3A_124 = tpu.memref_slice %dma_wait3A_123[%mul3A_2] : memref<31329xi32, #tpu.memory_space<hbm>> -> memref<640xi32, #tpu.memory_space<hbm>>
      %dma_wait3A_125 = arith.constant 0 : i32
      %dma_wait3A_126 = tpu.memref_slice %arg9[%dma_wait3A_125] : memref<1024xi32, #tpu.memory_space<vmem>> -> memref<640xi32, #tpu.memory_space<vmem>>
      %dma_wait3A_127 = arith.constant 0 : i32
      %dma_wait3A_128 = tpu.memref_slice %arg2[%cond3A_67, %dma_wait3A_127] : memref<2x31329xi32, #tpu.memory_space<hbm>> -> memref<1x31329xi32, #tpu.memory_space<hbm>>
      %dma_wait3A_129 = tpu.memref_squeeze %dma_wait3A_128 : memref<1x31329xi32, #tpu.memory_space<hbm>> -> memref<31329xi32, #tpu.memory_space<hbm>>
      %dma_wait3A_130 = tpu.memref_slice %dma_wait3A_129[%mul3A_2] : memref<31329xi32, #tpu.memory_space<hbm>> -> memref<640xi32, #tpu.memory_space<hbm>>
      tpu.wait_dma2 semaphore(%arg17 : memref<!tpu.dma_semaphore, #tpu.memory_space<semaphore_mem>>) src(%dma_wait3A_130 : memref<640xi32, #tpu.memory_space<hbm>>) dst(%dma_wait3A_126 : memref<640xi32, #tpu.memory_space<vmem>>)
      %dma_wait3A_131 = arith.constant 0 : i32
      %dma_wait3A_132 = tpu.memref_slice %arg10[%dma_wait3A_131] : memref<1024xf32, #tpu.memory_space<vmem>> -> memref<640xf32, #tpu.memory_space<vmem>>
      %dma_wait3A_133 = arith.constant 0 : i32
      %dma_wait3A_134 = tpu.memref_slice %arg3[%cond3A_68, %dma_wait3A_133] : memref<1x31329xf32, #tpu.memory_space<hbm>> -> memref<1x31329xf32, #tpu.memory_space<hbm>>
      %dma_wait3A_135 = tpu.memref_squeeze %dma_wait3A_134 : memref<1x31329xf32, #tpu.memory_space<hbm>> -> memref<31329xf32, #tpu.memory_space<hbm>>
      %dma_wait3A_136 = tpu.memref_slice %dma_wait3A_135[%mul3A_2] : memref<31329xf32, #tpu.memory_space<hbm>> -> memref<640xf32, #tpu.memory_space<hbm>>
      %dma_wait3A_137 = arith.constant 0 : i32
      %dma_wait3A_138 = tpu.memref_slice %arg10[%dma_wait3A_137] : memref<1024xf32, #tpu.memory_space<vmem>> -> memref<640xf32, #tpu.memory_space<vmem>>
      %dma_wait3A_139 = arith.constant 0 : i32
      %dma_wait3A_140 = tpu.memref_slice %arg3[%cond3A_68, %dma_wait3A_139] : memref<1x31329xf32, #tpu.memory_space<hbm>> -> memref<1x31329xf32, #tpu.memory_space<hbm>>
      %dma_wait3A_141 = tpu.memref_squeeze %dma_wait3A_140 : memref<1x31329xf32, #tpu.memory_space<hbm>> -> memref<31329xf32, #tpu.memory_space<hbm>>
      %dma_wait3A_142 = tpu.memref_slice %dma_wait3A_141[%mul3A_2] : memref<31329xf32, #tpu.memory_space<hbm>> -> memref<640xf32, #tpu.memory_space<hbm>>
      tpu.wait_dma2 semaphore(%arg17 : memref<!tpu.dma_semaphore, #tpu.memory_space<semaphore_mem>>) src(%dma_wait3A_142 : memref<640xf32, #tpu.memory_space<hbm>>) dst(%dma_wait3A_138 : memref<640xf32, #tpu.memory_space<vmem>>)
    } else {
    }
    %dma_wait3A = arith.constant 0 : i32
    %dma_wait3A_71 = arith.constant 0 : i32
    %dma_wait3A_72 = tpu.memref_slice %arg4[%dma_wait3A, %dma_wait3A_71] : memref<2x192xf32, #tpu.memory_space<hbm>> -> memref<1x192xf32, #tpu.memory_space<hbm>>
    %dma_wait3A_73 = tpu.memref_squeeze %dma_wait3A_72 : memref<1x192xf32, #tpu.memory_space<hbm>> -> memref<192xf32, #tpu.memory_space<hbm>>
    %dma_wait3A_74 = arith.constant 0 : i32
    %dma_wait3A_75 = tpu.memref_slice %arg4[%dma_wait3A, %dma_wait3A_74] : memref<2x192xf32, #tpu.memory_space<hbm>> -> memref<1x192xf32, #tpu.memory_space<hbm>>
    %dma_wait3A_76 = tpu.memref_squeeze %dma_wait3A_75 : memref<1x192xf32, #tpu.memory_space<hbm>> -> memref<192xf32, #tpu.memory_space<hbm>>
    tpu.wait_dma2 semaphore(%arg17 : memref<!tpu.dma_semaphore, #tpu.memory_space<semaphore_mem>>) src(%dma_wait3A_76 : memref<192xf32, #tpu.memory_space<hbm>>) dst(%arg11 : memref<192xf32, #tpu.memory_space<vmem>>)
    %dma_wait3A_77 = arith.constant 1 : i32
    %dma_wait3A_78 = arith.constant 0 : i32
    %dma_wait3A_79 = tpu.memref_slice %arg4[%dma_wait3A_77, %dma_wait3A_78] : memref<2x192xf32, #tpu.memory_space<hbm>> -> memref<1x192xf32, #tpu.memory_space<hbm>>
    %dma_wait3A_80 = tpu.memref_squeeze %dma_wait3A_79 : memref<1x192xf32, #tpu.memory_space<hbm>> -> memref<192xf32, #tpu.memory_space<hbm>>
    %dma_wait3A_81 = arith.constant 0 : i32
    %dma_wait3A_82 = tpu.memref_slice %arg4[%dma_wait3A_77, %dma_wait3A_81] : memref<2x192xf32, #tpu.memory_space<hbm>> -> memref<1x192xf32, #tpu.memory_space<hbm>>
    %dma_wait3A_83 = tpu.memref_squeeze %dma_wait3A_82 : memref<1x192xf32, #tpu.memory_space<hbm>> -> memref<192xf32, #tpu.memory_space<hbm>>
    tpu.wait_dma2 semaphore(%arg17 : memref<!tpu.dma_semaphore, #tpu.memory_space<semaphore_mem>>) src(%dma_wait3A_83 : memref<192xf32, #tpu.memory_space<hbm>>) dst(%arg12 : memref<192xf32, #tpu.memory_space<vmem>>)
    %dma_wait3A_84 = arith.constant 0 : i32
    %dma_wait3A_85 = arith.constant 0 : i32
    %dma_wait3A_86 = tpu.memref_slice %arg5[%dma_wait3A_84, %dma_wait3A_85] : memref<2x16xf32, #tpu.memory_space<hbm>> -> memref<1x16xf32, #tpu.memory_space<hbm>>
    %dma_wait3A_87 = tpu.memref_squeeze %dma_wait3A_86 : memref<1x16xf32, #tpu.memory_space<hbm>> -> memref<16xf32, #tpu.memory_space<hbm>>
    %dma_wait3A_88 = arith.constant 0 : i32
    %dma_wait3A_89 = tpu.memref_slice %arg5[%dma_wait3A_84, %dma_wait3A_88] : memref<2x16xf32, #tpu.memory_space<hbm>> -> memref<1x16xf32, #tpu.memory_space<hbm>>
    %dma_wait3A_90 = tpu.memref_squeeze %dma_wait3A_89 : memref<1x16xf32, #tpu.memory_space<hbm>> -> memref<16xf32, #tpu.memory_space<hbm>>
    tpu.wait_dma2 semaphore(%arg17 : memref<!tpu.dma_semaphore, #tpu.memory_space<semaphore_mem>>) src(%dma_wait3A_90 : memref<16xf32, #tpu.memory_space<hbm>>) dst(%arg13 : memref<16xf32, #tpu.memory_space<vmem>>)
    %dma_wait3A_91 = arith.constant 1 : i32
    %dma_wait3A_92 = arith.constant 0 : i32
    %dma_wait3A_93 = tpu.memref_slice %arg5[%dma_wait3A_91, %dma_wait3A_92] : memref<2x16xf32, #tpu.memory_space<hbm>> -> memref<1x16xf32, #tpu.memory_space<hbm>>
    %dma_wait3A_94 = tpu.memref_squeeze %dma_wait3A_93 : memref<1x16xf32, #tpu.memory_space<hbm>> -> memref<16xf32, #tpu.memory_space<hbm>>
    %dma_wait3A_95 = arith.constant 0 : i32
    %dma_wait3A_96 = tpu.memref_slice %arg5[%dma_wait3A_91, %dma_wait3A_95] : memref<2x16xf32, #tpu.memory_space<hbm>> -> memref<1x16xf32, #tpu.memory_space<hbm>>
    %dma_wait3A_97 = tpu.memref_squeeze %dma_wait3A_96 : memref<1x16xf32, #tpu.memory_space<hbm>> -> memref<16xf32, #tpu.memory_space<hbm>>
    tpu.wait_dma2 semaphore(%arg17 : memref<!tpu.dma_semaphore, #tpu.memory_space<semaphore_mem>>) src(%dma_wait3A_97 : memref<16xf32, #tpu.memory_space<hbm>>) dst(%arg14 : memref<16xf32, #tpu.memory_space<vmem>>)
    %get3A = arith.constant 0 : index
    %get3A_98 = tpu.vector_load %arg13[%get3A] {strides = array<i32>} : memref<16xf32, #tpu.memory_space<vmem>>, vector<16xf32>,
    %get3A_99 = arith.constant 0 : index
    %get3A_100 = tpu.vector_load %arg14[%get3A_99] {strides = array<i32>} : memref<16xf32, #tpu.memory_space<vmem>>, vector<16xf32>,
    %iota3A = tpu.iota {dimensions = array<i32: 0>} : vector<16xi32>
    %scan3A_101 = arith.constant 0 : i32
    %scan3A_102 = arith.constant 0 : i32
    %scan3A_103 = arith.constant 64 : i32
    %scan3A_104 = arith.addi %scan3A_102, %scan3A_103 : i32
    %scan3A_105 = arith.constant 4 : i32
    scf.for %scan3A_107 = %scan3A_102 to %scan3A_104 step %scan3A_105  : i32 {
      %mul3A_108 = arith.constant 16 : i32
      %mul3A_109 = arith.muli %scan3A_107, %mul3A_108 : i32
      %add3A_110 = vector.broadcast %mul3A_109 : i32 to vector<16xi32>
      %add3A_111 = arith.addi %iota3A, %add3A_110 : vector<16xi32>
      %lt3A_112 = vector.broadcast %select_n3A_48 : i32 to vector<16xi32>
      %lt3A_113 = arith.cmpi slt, %add3A_111, %lt3A_112 : vector<16xi32>
      %mul3A_114 = arith.constant 16 : i32
      %mul3A_115 = arith.muli %scan3A_107, %mul3A_114 : i32
      %get3A_116 = arith.index_cast %mul3A_115 : i32 to index
      %get3A_117 = tpu.vector_load %arg9[%get3A_116] {strides = array<i32>} : memref<1024xi32, #tpu.memory_space<vmem>>, vector<16xi32>,
      %jit3A_118 = arith.constant 0 : i32
      %broadcast_in_dim3A_119 = vector.broadcast %jit3A_118 : i32 to vector<16xi32>
      %select_n3A_120 = arith.select %lt3A_113, %get3A_117, %broadcast_in_dim3A_119 : vector<16xi1>, vector<16xi32>
      %mul3A_121 = arith.constant 16 : i32
      %mul3A_122 = arith.muli %scan3A_107, %mul3A_121 : i32
      %get3A_123 = arith.index_cast %mul3A_122 : i32 to index
      %get3A_124 = tpu.vector_load %arg8[%get3A_123] {strides = array<i32>} : memref<1024xi32, #tpu.memory_space<vmem>>, vector<16xi32>,
      %jit3A_125 = arith.constant 0 : i32
      %broadcast_in_dim3A_126 = vector.broadcast %jit3A_125 : i32 to vector<16xi32>
      %select_n3A_127 = arith.select %lt3A_113, %get3A_124, %broadcast_in_dim3A_126 : vector<16xi1>, vector<16xi32>
      %mul3A_128 = arith.constant 16 : i32
      %mul3A_129 = arith.muli %scan3A_107, %mul3A_128 : i32
      %get3A_130 = arith.index_cast %mul3A_129 : i32 to index
      %get3A_131 = tpu.vector_load %arg10[%get3A_130] {strides = array<i32>} : memref<1024xf32, #tpu.memory_space<vmem>>, vector<16xf32>,
      %gather3A = tpu.vector_load_idx %arg11[%select_n3A_120] : memref<192xf32, #tpu.memory_space<vmem>>[vector<16xi32>], vector<16xf32>,
      %gather3A_132 = tpu.vector_load_idx %arg12[%select_n3A_127] : memref<192xf32, #tpu.memory_space<vmem>>[vector<16xi32>], vector<16xf32>,
      %add3A_133 = arith.addf %gather3A, %gather3A_132 : vector<16xf32>
      %mul3A_134 = arith.mulf %get3A_131, %get3A_98 : vector<16xf32>
      %add3A_135 = arith.addf %add3A_133, %mul3A_134 : vector<16xf32>
      %ge3A = arith.constant 0.000000e+00 : f32
      %ge3A_136 = vector.broadcast %ge3A : f32 to vector<16xf32>
      %ge3A_137 = arith.cmpf oge, %add3A_135, %ge3A_136 : vector<16xf32>
      %mul3A_138 = arith.constant 2.000000e-01 : f32
      %mul3A_139 = vector.broadcast %mul3A_138 : f32 to vector<16xf32>
      %mul3A_140 = arith.mulf %mul3A_139, %add3A_135 : vector<16xf32>
      %select_n3A_141 = arith.select %ge3A_137, %add3A_135, %mul3A_140 : vector<16xi1>, vector<16xf32>
      %sub3A = arith.subf %select_n3A_141, %get3A_100 : vector<16xf32>
      %exp3A = math.exp %sub3A : vector<16xf32>
      %jit3A_142 = arith.constant 0.000000e+00 : f32
      %broadcast_in_dim3A_143 = vector.broadcast %jit3A_142 : f32 to vector<16xf32>
      %select_n3A_144 = arith.select %lt3A_113, %exp3A, %broadcast_in_dim3A_143 : vector<16xi1>, vector<16xf32>
      %mul3A_145 = arith.mulf %exp3A, %get3A_131 : vector<16xf32>
      %jit3A_146 = arith.constant 0.000000e+00 : f32
      %broadcast_in_dim3A_147 = vector.broadcast %jit3A_146 : f32 to vector<16xf32>
      %select_n3A_148 = arith.select %lt3A_113, %mul3A_145, %broadcast_in_dim3A_147 : vector<16xi1>, vector<16xf32>
      %mul3A_149 = arith.constant 192 : i32
      %mul3A_150 = vector.broadcast %mul3A_149 : i32 to vector<16xi32>
      %mul3A_151 = arith.muli %select_n3A_120, %mul3A_150 : vector<16xi32>
      %add3A_152 = arith.addi %mul3A_151, %select_n3A_127 : vector<16xi32>
      %jit3A_153 = arith.constant 36863 : i32
      %broadcast_in_dim3A_154 = vector.broadcast %jit3A_153 : i32 to vector<16xi32>
      %select_n3A_155 = arith.select %lt3A_113, %add3A_152, %broadcast_in_dim3A_154 : vector<16xi1>, vector<16xi32>
      %masked_sort3A = arith.constant dense<true> : vector<16xi1>
      %masked_sort3A_156 = arith.constant -2147483648 : i32
      %masked_sort3A_157 = vector.broadcast %masked_sort3A_156 : i32 to vector<16xi32>
      %masked_sort3A_158 = arith.xori %select_n3A_155, %masked_sort3A_157 : vector<16xi32>
      %masked_sort3A_159, %masked_sort3A_160, %masked_sort3A_161 = tpu.sort %masked_sort3A_158, %iota3A masked %masked_sort3A : (vector<16xi32>, vector<16xi32>, vector<16xi1>) -> (vector<16xi1>, vector<16xi32>, vector<16xi32>)
      %masked_sort3A_162 = arith.xori %masked_sort3A_160, %masked_sort3A_157 : vector<16xi32>
      %broadcast_in_dim3A_163 = vector.shape_cast %masked_sort3A_161 : vector<16xi32> to vector<16x1xi32>
      %gather3A_164 = vector.shape_cast %broadcast_in_dim3A_163 : vector<16x1xi32> to vector<16xi32>
      %gather3A_165 = tpu.dynamic_gather %select_n3A_144[%gather3A_164] in [0] : vector<16xf32>, vector<16xi32> -> vector<16xf32>
      %broadcast_in_dim3A_166 = vector.shape_cast %masked_sort3A_161 : vector<16xi32> to vector<16x1xi32>
      %gather3A_167 = vector.shape_cast %broadcast_in_dim3A_166 : vector<16x1xi32> to vector<16xi32>
      %gather3A_168 = tpu.dynamic_gather %select_n3A_148[%gather3A_167] in [0] : vector<16xf32>, vector<16xi32> -> vector<16xf32>
      %sub3A_169 = arith.constant 1 : i32
      %sub3A_170 = vector.broadcast %sub3A_169 : i32 to vector<16xi32>
      %sub3A_171 = arith.subi %iota3A, %sub3A_170 : vector<16xi32>
      %max3A = arith.constant 0 : i32
      %max3A_172 = vector.broadcast %max3A : i32 to vector<16xi32>
      %max3A_173 = arith.maxsi %sub3A_171, %max3A_172 : vector<16xi32>
      %broadcast_in_dim3A_174 = vector.shape_cast %max3A_173 : vector<16xi32> to vector<16x1xi32>
      %gather3A_175 = vector.shape_cast %broadcast_in_dim3A_174 : vector<16x1xi32> to vector<16xi32>
      %gather3A_176 = tpu.dynamic_gather %masked_sort3A_162[%gather3A_175] in [0] : vector<16xi32>, vector<16xi32> -> vector<16xi32>
      %add3A_177 = arith.constant 1 : i32
      %add3A_178 = vector.broadcast %add3A_177 : i32 to vector<16xi32>
      %add3A_179 = arith.addi %iota3A, %add3A_178 : vector<16xi32>
      %min3A = arith.constant 15 : i32
      %min3A_180 = vector.broadcast %min3A : i32 to vector<16xi32>
      %min3A_181 = arith.minsi %add3A_179, %min3A_180 : vector<16xi32>
      %broadcast_in_dim3A_182 = vector.shape_cast %min3A_181 : vector<16xi32> to vector<16x1xi32>
      %gather3A_183 = vector.shape_cast %broadcast_in_dim3A_182 : vector<16x1xi32> to vector<16xi32>
      %gather3A_184 = tpu.dynamic_gather %masked_sort3A_162[%gather3A_183] in [0] : vector<16xi32>, vector<16xi32> -> vector<16xi32>
      %eq3A_185 = arith.constant 0 : i32
      %eq3A_186 = vector.broadcast %eq3A_185 : i32 to vector<16xi32>
      %eq3A_187 = arith.cmpi eq, %iota3A, %eq3A_186 : vector<16xi32>
      %ne3A = arith.cmpi ne, %masked_sort3A_162, %gather3A_176 : vector<16xi32>
      %or3A = arith.ori %eq3A_187, %ne3A : vector<16xi1>
      %eq3A_188 = arith.constant 15 : i32
      %eq3A_189 = vector.broadcast %eq3A_188 : i32 to vector<16xi32>
      %eq3A_190 = arith.cmpi eq, %iota3A, %eq3A_189 : vector<16xi32>
      %ne3A_191 = arith.cmpi ne, %masked_sort3A_162, %gather3A_184 : vector<16xi32>
      %or3A_192 = arith.ori %eq3A_190, %ne3A_191 : vector<16xi1>
      %broadcast_in_dim3A_193 = arith.constant true
      %broadcast_in_dim3A_194 = vector.broadcast %broadcast_in_dim3A_193 : i1 to vector<16xi1>
      %masked_cumsum3A = tpu.scan <sum>, %gather3A_165 masked %broadcast_in_dim3A_194 : vector<16xf32>, vector<16xi1> -> vector<16xf32>
      %broadcast_in_dim3A_195 = arith.constant true
      %broadcast_in_dim3A_196 = vector.broadcast %broadcast_in_dim3A_195 : i1 to vector<16xi1>
      %masked_cumsum3A_197 = tpu.scan <sum>, %gather3A_168 masked %broadcast_in_dim3A_196 : vector<16xf32>, vector<16xi1> -> vector<16xf32>
      %jit3A_198 = arith.constant 0 : i32
      %broadcast_in_dim3A_199 = vector.broadcast %jit3A_198 : i32 to vector<16xi32>
      %select_n3A_200 = arith.select %or3A, %iota3A, %broadcast_in_dim3A_199 : vector<16xi1>, vector<16xi32>
      %broadcast_in_dim3A_201 = arith.constant true
      %broadcast_in_dim3A_202 = vector.broadcast %broadcast_in_dim3A_201 : i1 to vector<16xi1>
      %masked_cummax3A = arith.constant -2147483648 : i32
      %masked_cummax3A_203 = vector.broadcast %masked_cummax3A : i32 to vector<16xi32>
      %masked_cummax3A_204 = arith.xori %select_n3A_200, %masked_cummax3A_203 : vector<16xi32>
      %masked_cummax3A_205 = tpu.scan <max>, %masked_cummax3A_204 masked %broadcast_in_dim3A_202 : vector<16xi32>, vector<16xi1> -> vector<16xi32>
      %masked_cummax3A_206 = arith.xori %masked_cummax3A_205, %masked_cummax3A_203 : vector<16xi32>
      %broadcast_in_dim3A_207 = vector.shape_cast %masked_cummax3A_206 : vector<16xi32> to vector<16x1xi32>
      %gather3A_208 = vector.shape_cast %broadcast_in_dim3A_207 : vector<16x1xi32> to vector<16xi32>
      %gather3A_209 = tpu.dynamic_gather %masked_cumsum3A[%gather3A_208] in [0] : vector<16xf32>, vector<16xi32> -> vector<16xf32>
      %broadcast_in_dim3A_210 = vector.shape_cast %masked_cummax3A_206 : vector<16xi32> to vector<16x1xi32>
      %gather3A_211 = vector.shape_cast %broadcast_in_dim3A_210 : vector<16x1xi32> to vector<16xi32>
      %gather3A_212 = tpu.dynamic_gather %gather3A_165[%gather3A_211] in [0] : vector<16xf32>, vector<16xi32> -> vector<16xf32>
      %sub3A_213 = arith.subf %gather3A_209, %gather3A_212 : vector<16xf32>
      %sub3A_214 = arith.subf %masked_cumsum3A, %sub3A_213 : vector<16xf32>
      %broadcast_in_dim3A_215 = vector.shape_cast %masked_cummax3A_206 : vector<16xi32> to vector<16x1xi32>
      %gather3A_216 = vector.shape_cast %broadcast_in_dim3A_215 : vector<16x1xi32> to vector<16xi32>
      %gather3A_217 = tpu.dynamic_gather %masked_cumsum3A_197[%gather3A_216] in [0] : vector<16xf32>, vector<16xi32> -> vector<16xf32>
      %broadcast_in_dim3A_218 = vector.shape_cast %masked_cummax3A_206 : vector<16xi32> to vector<16x1xi32>
      %gather3A_219 = vector.shape_cast %broadcast_in_dim3A_218 : vector<16x1xi32> to vector<16xi32>
      %gather3A_220 = tpu.dynamic_gather %gather3A_168[%gather3A_219] in [0] : vector<16xf32>, vector<16xi32> -> vector<16xf32>
      %sub3A_221 = arith.subf %gather3A_217, %gather3A_220 : vector<16xf32>
      %sub3A_222 = arith.subf %masked_cumsum3A_197, %sub3A_221 : vector<16xf32>
      %jit3A_223 = arith.constant 192 : i32
      %div3A = vector.broadcast %jit3A_223 : i32 to vector<16xi32>
      %div3A_224 = arith.divsi %masked_sort3A_162, %div3A : vector<16xi32>
      %sign3A = arith.constant 0 : i32
      %sign3A_225 = vector.broadcast %sign3A : i32 to vector<16xi32>
      %sign3A_226 = arith.cmpi sgt, %masked_sort3A_162, %sign3A_225 : vector<16xi32>
      %sign3A_227 = arith.extui %sign3A_226 : vector<16xi1> to vector<16xi32>
      %sign3A_228 = arith.constant 0 : i32
      %sign3A_229 = vector.broadcast %sign3A_228 : i32 to vector<16xi32>
      %sign3A_230 = arith.cmpi slt, %masked_sort3A_162, %sign3A_229 : vector<16xi32>
      %sign3A_231 = arith.extui %sign3A_230 : vector<16xi1> to vector<16xi32>
      %sign3A_232 = arith.subi %sign3A_227, %sign3A_231 : vector<16xi32>
      %sign3A_233 = arith.constant 0 : i32
      %sign3A_234 = arith.cmpi sgt, %jit3A_223, %sign3A_233 : i32
      %sign3A_235 = arith.extui %sign3A_234 : i1 to i32
      %sign3A_236 = arith.constant 0 : i32
      %sign3A_237 = arith.cmpi slt, %jit3A_223, %sign3A_236 : i32
      %sign3A_238 = arith.extui %sign3A_237 : i1 to i32
      %sign3A_239 = arith.subi %sign3A_235, %sign3A_238 : i32
      %ne3A_240 = vector.broadcast %sign3A_239 : i32 to vector<16xi32>
      %ne3A_241 = arith.cmpi ne, %sign3A_232, %ne3A_240 : vector<16xi32>
      %rem3A = vector.broadcast %jit3A_223 : i32 to vector<16xi32>
      %rem3A_242 = arith.remsi %masked_sort3A_162, %rem3A : vector<16xi32>
      %ne3A_243 = arith.constant 0 : i32
      %ne3A_244 = vector.broadcast %ne3A_243 : i32 to vector<16xi32>
      %ne3A_245 = arith.cmpi ne, %rem3A_242, %ne3A_244 : vector<16xi32>
      %and3A = arith.andi %ne3A_241, %ne3A_245 : vector<16xi1>
      %sub3A_246 = arith.constant 1 : i32
      %sub3A_247 = vector.broadcast %sub3A_246 : i32 to vector<16xi32>
      %sub3A_248 = arith.subi %div3A_224, %sub3A_247 : vector<16xi32>
      %select_n3A_249 = arith.select %and3A, %sub3A_248, %div3A_224 : vector<16xi1>, vector<16xi32>
      %mul3A_250 = arith.constant 192 : i32
      %mul3A_251 = vector.broadcast %mul3A_250 : i32 to vector<16xi32>
      %mul3A_252 = arith.muli %select_n3A_249, %mul3A_251 : vector<16xi32>
      %sub3A_253 = arith.subi %masked_sort3A_162, %mul3A_252 : vector<16xi32>
      tpu.vector_store_idx %arg15[%select_n3A_249, %sub3A_253], %sub3A_214 masked %or3A_192 {add = true} : memref<192x192xf32, #tpu.memory_space<vmem>>[vector<16xi32>, vector<16xi32>], vector<16xf32>, vector<16xi1>
      tpu.vector_store_idx %arg16[%select_n3A_249, %sub3A_253], %sub3A_222 masked %or3A_192 {add = true} : memref<192x192xf32, #tpu.memory_space<vmem>>[vector<16xi32>, vector<16xi32>], vector<16xf32>, vector<16xi1>
      %scan3A_254 = arith.constant 1 : i32
      %scan3A_255 = arith.addi %scan3A_107, %scan3A_254 : i32
      %mul3A_256 = arith.constant 16 : i32
      %mul3A_257 = arith.muli %scan3A_255, %mul3A_256 : i32
      %add3A_258 = vector.broadcast %mul3A_257 : i32 to vector<16xi32>
      %add3A_259 = arith.addi %iota3A, %add3A_258 : vector<16xi32>
      %lt3A_260 = vector.broadcast %select_n3A_48 : i32 to vector<16xi32>
      %lt3A_261 = arith.cmpi slt, %add3A_259, %lt3A_260 : vector<16xi32>
      %mul3A_262 = arith.constant 16 : i32
      %mul3A_263 = arith.muli %scan3A_255, %mul3A_262 : i32
      %get3A_264 = arith.index_cast %mul3A_263 : i32 to index
      %get3A_265 = tpu.vector_load %arg9[%get3A_264] {strides = array<i32>} : memref<1024xi32, #tpu.memory_space<vmem>>, vector<16xi32>,
      %jit3A_266 = arith.constant 0 : i32
      %broadcast_in_dim3A_267 = vector.broadcast %jit3A_266 : i32 to vector<16xi32>
      %select_n3A_268 = arith.select %lt3A_261, %get3A_265, %broadcast_in_dim3A_267 : vector<16xi1>, vector<16xi32>
      %mul3A_269 = arith.constant 16 : i32
      %mul3A_270 = arith.muli %scan3A_255, %mul3A_269 : i32
      %get3A_271 = arith.index_cast %mul3A_270 : i32 to index
      %get3A_272 = tpu.vector_load %arg8[%get3A_271] {strides = array<i32>} : memref<1024xi32, #tpu.memory_space<vmem>>, vector<16xi32>,
      %jit3A_273 = arith.constant 0 : i32
      %broadcast_in_dim3A_274 = vector.broadcast %jit3A_273 : i32 to vector<16xi32>
      %select_n3A_275 = arith.select %lt3A_261, %get3A_272, %broadcast_in_dim3A_274 : vector<16xi1>, vector<16xi32>
      %mul3A_276 = arith.constant 16 : i32
      %mul3A_277 = arith.muli %scan3A_255, %mul3A_276 : i32
      %get3A_278 = arith.index_cast %mul3A_277 : i32 to index
      %get3A_279 = tpu.vector_load %arg10[%get3A_278] {strides = array<i32>} : memref<1024xf32, #tpu.memory_space<vmem>>, vector<16xf32>,
      %gather3A_280 = tpu.vector_load_idx %arg11[%select_n3A_268] : memref<192xf32, #tpu.memory_space<vmem>>[vector<16xi32>], vector<16xf32>,
      %gather3A_281 = tpu.vector_load_idx %arg12[%select_n3A_275] : memref<192xf32, #tpu.memory_space<vmem>>[vector<16xi32>], vector<16xf32>,
      %add3A_282 = arith.addf %gather3A_280, %gather3A_281 : vector<16xf32>
      %mul3A_283 = arith.mulf %get3A_279, %get3A_98 : vector<16xf32>
      %add3A_284 = arith.addf %add3A_282, %mul3A_283 : vector<16xf32>
      %ge3A_285 = arith.constant 0.000000e+00 : f32
      %ge3A_286 = vector.broadcast %ge3A_285 : f32 to vector<16xf32>
      %ge3A_287 = arith.cmpf oge, %add3A_284, %ge3A_286 : vector<16xf32>
      %mul3A_288 = arith.constant 2.000000e-01 : f32
      %mul3A_289 = vector.broadcast %mul3A_288 : f32 to vector<16xf32>
      %mul3A_290 = arith.mulf %mul3A_289, %add3A_284 : vector<16xf32>
      %select_n3A_291 = arith.select %ge3A_287, %add3A_284, %mul3A_290 : vector<16xi1>, vector<16xf32>
      %sub3A_292 = arith.subf %select_n3A_291, %get3A_100 : vector<16xf32>
      %exp3A_293 = math.exp %sub3A_292 : vector<16xf32>
      %jit3A_294 = arith.constant 0.000000e+00 : f32
      %broadcast_in_dim3A_295 = vector.broadcast %jit3A_294 : f32 to vector<16xf32>
      %select_n3A_296 = arith.select %lt3A_261, %exp3A_293, %broadcast_in_dim3A_295 : vector<16xi1>, vector<16xf32>
      %mul3A_297 = arith.mulf %exp3A_293, %get3A_279 : vector<16xf32>
      %jit3A_298 = arith.constant 0.000000e+00 : f32
      %broadcast_in_dim3A_299 = vector.broadcast %jit3A_298 : f32 to vector<16xf32>
      %select_n3A_300 = arith.select %lt3A_261, %mul3A_297, %broadcast_in_dim3A_299 : vector<16xi1>, vector<16xf32>
      %mul3A_301 = arith.constant 192 : i32
      %mul3A_302 = vector.broadcast %mul3A_301 : i32 to vector<16xi32>
      %mul3A_303 = arith.muli %select_n3A_268, %mul3A_302 : vector<16xi32>
      %add3A_304 = arith.addi %mul3A_303, %select_n3A_275 : vector<16xi32>
      %jit3A_305 = arith.constant 36863 : i32
      %broadcast_in_dim3A_306 = vector.broadcast %jit3A_305 : i32 to vector<16xi32>
      %select_n3A_307 = arith.select %lt3A_261, %add3A_304, %broadcast_in_dim3A_306 : vector<16xi1>, vector<16xi32>
      %masked_sort3A_308 = arith.constant dense<true> : vector<16xi1>
      %masked_sort3A_309 = arith.constant -2147483648 : i32
      %masked_sort3A_310 = vector.broadcast %masked_sort3A_309 : i32 to vector<16xi32>
      %masked_sort3A_311 = arith.xori %select_n3A_307, %masked_sort3A_310 : vector<16xi32>
      %masked_sort3A_312, %masked_sort3A_313, %masked_sort3A_314 = tpu.sort %masked_sort3A_311, %iota3A masked %masked_sort3A_308 : (vector<16xi32>, vector<16xi32>, vector<16xi1>) -> (vector<16xi1>, vector<16xi32>, vector<16xi32>)
      %masked_sort3A_315 = arith.xori %masked_sort3A_313, %masked_sort3A_310 : vector<16xi32>
      %broadcast_in_dim3A_316 = vector.shape_cast %masked_sort3A_314 : vector<16xi32> to vector<16x1xi32>
      %gather3A_317 = vector.shape_cast %broadcast_in_dim3A_316 : vector<16x1xi32> to vector<16xi32>
      %gather3A_318 = tpu.dynamic_gather %select_n3A_296[%gather3A_317] in [0] : vector<16xf32>, vector<16xi32> -> vector<16xf32>
      %broadcast_in_dim3A_319 = vector.shape_cast %masked_sort3A_314 : vector<16xi32> to vector<16x1xi32>
      %gather3A_320 = vector.shape_cast %broadcast_in_dim3A_319 : vector<16x1xi32> to vector<16xi32>
      %gather3A_321 = tpu.dynamic_gather %select_n3A_300[%gather3A_320] in [0] : vector<16xf32>, vector<16xi32> -> vector<16xf32>
      %sub3A_322 = arith.constant 1 : i32
      %sub3A_323 = vector.broadcast %sub3A_322 : i32 to vector<16xi32>
      %sub3A_324 = arith.subi %iota3A, %sub3A_323 : vector<16xi32>
      %max3A_325 = arith.constant 0 : i32
      %max3A_326 = vector.broadcast %max3A_325 : i32 to vector<16xi32>
      %max3A_327 = arith.maxsi %sub3A_324, %max3A_326 : vector<16xi32>
      %broadcast_in_dim3A_328 = vector.shape_cast %max3A_327 : vector<16xi32> to vector<16x1xi32>
      %gather3A_329 = vector.shape_cast %broadcast_in_dim3A_328 : vector<16x1xi32> to vector<16xi32>
      %gather3A_330 = tpu.dynamic_gather %masked_sort3A_315[%gather3A_329] in [0] : vector<16xi32>, vector<16xi32> -> vector<16xi32>
      %add3A_331 = arith.constant 1 : i32
      %add3A_332 = vector.broadcast %add3A_331 : i32 to vector<16xi32>
      %add3A_333 = arith.addi %iota3A, %add3A_332 : vector<16xi32>
      %min3A_334 = arith.constant 15 : i32
      %min3A_335 = vector.broadcast %min3A_334 : i32 to vector<16xi32>
      %min3A_336 = arith.minsi %add3A_333, %min3A_335 : vector<16xi32>
      %broadcast_in_dim3A_337 = vector.shape_cast %min3A_336 : vector<16xi32> to vector<16x1xi32>
      %gather3A_338 = vector.shape_cast %broadcast_in_dim3A_337 : vector<16x1xi32> to vector<16xi32>
      %gather3A_339 = tpu.dynamic_gather %masked_sort3A_315[%gather3A_338] in [0] : vector<16xi32>, vector<16xi32> -> vector<16xi32>
      %eq3A_340 = arith.constant 0 : i32
      %eq3A_341 = vector.broadcast %eq3A_340 : i32 to vector<16xi32>
      %eq3A_342 = arith.cmpi eq, %iota3A, %eq3A_341 : vector<16xi32>
      %ne3A_343 = arith.cmpi ne, %masked_sort3A_315, %gather3A_330 : vector<16xi32>
      %or3A_344 = arith.ori %eq3A_342, %ne3A_343 : vector<16xi1>
      %eq3A_345 = arith.constant 15 : i32
      %eq3A_346 = vector.broadcast %eq3A_345 : i32 to vector<16xi32>
      %eq3A_347 = arith.cmpi eq, %iota3A, %eq3A_346 : vector<16xi32>
      %ne3A_348 = arith.cmpi ne, %masked_sort3A_315, %gather3A_339 : vector<16xi32>
      %or3A_349 = arith.ori %eq3A_347, %ne3A_348 : vector<16xi1>
      %broadcast_in_dim3A_350 = arith.constant true
      %broadcast_in_dim3A_351 = vector.broadcast %broadcast_in_dim3A_350 : i1 to vector<16xi1>
      %masked_cumsum3A_352 = tpu.scan <sum>, %gather3A_318 masked %broadcast_in_dim3A_351 : vector<16xf32>, vector<16xi1> -> vector<16xf32>
      %broadcast_in_dim3A_353 = arith.constant true
      %broadcast_in_dim3A_354 = vector.broadcast %broadcast_in_dim3A_353 : i1 to vector<16xi1>
      %masked_cumsum3A_355 = tpu.scan <sum>, %gather3A_321 masked %broadcast_in_dim3A_354 : vector<16xf32>, vector<16xi1> -> vector<16xf32>
      %jit3A_356 = arith.constant 0 : i32
      %broadcast_in_dim3A_357 = vector.broadcast %jit3A_356 : i32 to vector<16xi32>
      %select_n3A_358 = arith.select %or3A_344, %iota3A, %broadcast_in_dim3A_357 : vector<16xi1>, vector<16xi32>
      %broadcast_in_dim3A_359 = arith.constant true
      %broadcast_in_dim3A_360 = vector.broadcast %broadcast_in_dim3A_359 : i1 to vector<16xi1>
      %masked_cummax3A_361 = arith.constant -2147483648 : i32
      %masked_cummax3A_362 = vector.broadcast %masked_cummax3A_361 : i32 to vector<16xi32>
      %masked_cummax3A_363 = arith.xori %select_n3A_358, %masked_cummax3A_362 : vector<16xi32>
      %masked_cummax3A_364 = tpu.scan <max>, %masked_cummax3A_363 masked %broadcast_in_dim3A_360 : vector<16xi32>, vector<16xi1> -> vector<16xi32>
      %masked_cummax3A_365 = arith.xori %masked_cummax3A_364, %masked_cummax3A_362 : vector<16xi32>
      %broadcast_in_dim3A_366 = vector.shape_cast %masked_cummax3A_365 : vector<16xi32> to vector<16x1xi32>
      %gather3A_367 = vector.shape_cast %broadcast_in_dim3A_366 : vector<16x1xi32> to vector<16xi32>
      %gather3A_368 = tpu.dynamic_gather %masked_cumsum3A_352[%gather3A_367] in [0] : vector<16xf32>, vector<16xi32> -> vector<16xf32>
      %broadcast_in_dim3A_369 = vector.shape_cast %masked_cummax3A_365 : vector<16xi32> to vector<16x1xi32>
      %gather3A_370 = vector.shape_cast %broadcast_in_dim3A_369 : vector<16x1xi32> to vector<16xi32>
      %gather3A_371 = tpu.dynamic_gather %gather3A_318[%gather3A_370] in [0] : vector<16xf32>, vector<16xi32> -> vector<16xf32>
      %sub3A_372 = arith.subf %gather3A_368, %gather3A_371 : vector<16xf32>
      %sub3A_373 = arith.subf %masked_cumsum3A_352, %sub3A_372 : vector<16xf32>
      %broadcast_in_dim3A_374 = vector.shape_cast %masked_cummax3A_365 : vector<16xi32> to vector<16x1xi32>
      %gather3A_375 = vector.shape_cast %broadcast_in_dim3A_374 : vector<16x1xi32> to vector<16xi32>
      %gather3A_376 = tpu.dynamic_gather %masked_cumsum3A_355[%gather3A_375] in [0] : vector<16xf32>, vector<16xi32> -> vector<16xf32>
      %broadcast_in_dim3A_377 = vector.shape_cast %masked_cummax3A_365 : vector<16xi32> to vector<16x1xi32>
      %gather3A_378 = vector.shape_cast %broadcast_in_dim3A_377 : vector<16x1xi32> to vector<16xi32>
      %gather3A_379 = tpu.dynamic_gather %gather3A_321[%gather3A_378] in [0] : vector<16xf32>, vector<16xi32> -> vector<16xf32>
      %sub3A_380 = arith.subf %gather3A_376, %gather3A_379 : vector<16xf32>
      %sub3A_381 = arith.subf %masked_cumsum3A_355, %sub3A_380 : vector<16xf32>
      %jit3A_382 = arith.constant 192 : i32
      %div3A_383 = vector.broadcast %jit3A_382 : i32 to vector<16xi32>
      %div3A_384 = arith.divsi %masked_sort3A_315, %div3A_383 : vector<16xi32>
      %sign3A_385 = arith.constant 0 : i32
      %sign3A_386 = vector.broadcast %sign3A_385 : i32 to vector<16xi32>
      %sign3A_387 = arith.cmpi sgt, %masked_sort3A_315, %sign3A_386 : vector<16xi32>
      %sign3A_388 = arith.extui %sign3A_387 : vector<16xi1> to vector<16xi32>
      %sign3A_389 = arith.constant 0 : i32
      %sign3A_390 = vector.broadcast %sign3A_389 : i32 to vector<16xi32>
      %sign3A_391 = arith.cmpi slt, %masked_sort3A_315, %sign3A_390 : vector<16xi32>
      %sign3A_392 = arith.extui %sign3A_391 : vector<16xi1> to vector<16xi32>
      %sign3A_393 = arith.subi %sign3A_388, %sign3A_392 : vector<16xi32>
      %sign3A_394 = arith.constant 0 : i32
      %sign3A_395 = arith.cmpi sgt, %jit3A_382, %sign3A_394 : i32
      %sign3A_396 = arith.extui %sign3A_395 : i1 to i32
      %sign3A_397 = arith.constant 0 : i32
      %sign3A_398 = arith.cmpi slt, %jit3A_382, %sign3A_397 : i32
      %sign3A_399 = arith.extui %sign3A_398 : i1 to i32
      %sign3A_400 = arith.subi %sign3A_396, %sign3A_399 : i32
      %ne3A_401 = vector.broadcast %sign3A_400 : i32 to vector<16xi32>
      %ne3A_402 = arith.cmpi ne, %sign3A_393, %ne3A_401 : vector<16xi32>
      %rem3A_403 = vector.broadcast %jit3A_382 : i32 to vector<16xi32>
      %rem3A_404 = arith.remsi %masked_sort3A_315, %rem3A_403 : vector<16xi32>
      %ne3A_405 = arith.constant 0 : i32
      %ne3A_406 = vector.broadcast %ne3A_405 : i32 to vector<16xi32>
      %ne3A_407 = arith.cmpi ne, %rem3A_404, %ne3A_406 : vector<16xi32>
      %and3A_408 = arith.andi %ne3A_402, %ne3A_407 : vector<16xi1>
      %sub3A_409 = arith.constant 1 : i32
      %sub3A_410 = vector.broadcast %sub3A_409 : i32 to vector<16xi32>
      %sub3A_411 = arith.subi %div3A_384, %sub3A_410 : vector<16xi32>
      %select_n3A_412 = arith.select %and3A_408, %sub3A_411, %div3A_384 : vector<16xi1>, vector<16xi32>
      %mul3A_413 = arith.constant 192 : i32
      %mul3A_414 = vector.broadcast %mul3A_413 : i32 to vector<16xi32>
      %mul3A_415 = arith.muli %select_n3A_412, %mul3A_414 : vector<16xi32>
      %sub3A_416 = arith.subi %masked_sort3A_315, %mul3A_415 : vector<16xi32>
      tpu.vector_store_idx %arg15[%select_n3A_412, %sub3A_416], %sub3A_373 masked %or3A_349 {add = true} : memref<192x192xf32, #tpu.memory_space<vmem>>[vector<16xi32>, vector<16xi32>], vector<16xf32>, vector<16xi1>
      tpu.vector_store_idx %arg16[%select_n3A_412, %sub3A_416], %sub3A_381 masked %or3A_349 {add = true} : memref<192x192xf32, #tpu.memory_space<vmem>>[vector<16xi32>, vector<16xi32>], vector<16xf32>, vector<16xi1>
      %scan3A_417 = arith.constant 2 : i32
      %scan3A_418 = arith.addi %scan3A_107, %scan3A_417 : i32
      %mul3A_419 = arith.constant 16 : i32
      %mul3A_420 = arith.muli %scan3A_418, %mul3A_419 : i32
      %add3A_421 = vector.broadcast %mul3A_420 : i32 to vector<16xi32>
      %add3A_422 = arith.addi %iota3A, %add3A_421 : vector<16xi32>
      %lt3A_423 = vector.broadcast %select_n3A_48 : i32 to vector<16xi32>
      %lt3A_424 = arith.cmpi slt, %add3A_422, %lt3A_423 : vector<16xi32>
      %mul3A_425 = arith.constant 16 : i32
      %mul3A_426 = arith.muli %scan3A_418, %mul3A_425 : i32
      %get3A_427 = arith.index_cast %mul3A_426 : i32 to index
      %get3A_428 = tpu.vector_load %arg9[%get3A_427] {strides = array<i32>} : memref<1024xi32, #tpu.memory_space<vmem>>, vector<16xi32>,
      %jit3A_429 = arith.constant 0 : i32
      %broadcast_in_dim3A_430 = vector.broadcast %jit3A_429 : i32 to vector<16xi32>
      %select_n3A_431 = arith.select %lt3A_424, %get3A_428, %broadcast_in_dim3A_430 : vector<16xi1>, vector<16xi32>
      %mul3A_432 = arith.constant 16 : i32
      %mul3A_433 = arith.muli %scan3A_418, %mul3A_432 : i32
      %get3A_434 = arith.index_cast %mul3A_433 : i32 to index
      %get3A_435 = tpu.vector_load %arg8[%get3A_434] {strides = array<i32>} : memref<1024xi32, #tpu.memory_space<vmem>>, vector<16xi32>,
      %jit3A_436 = arith.constant 0 : i32
      %broadcast_in_dim3A_437 = vector.broadcast %jit3A_436 : i32 to vector<16xi32>
      %select_n3A_438 = arith.select %lt3A_424, %get3A_435, %broadcast_in_dim3A_437 : vector<16xi1>, vector<16xi32>
      %mul3A_439 = arith.constant 16 : i32
      %mul3A_440 = arith.muli %scan3A_418, %mul3A_439 : i32
      %get3A_441 = arith.index_cast %mul3A_440 : i32 to index
      %get3A_442 = tpu.vector_load %arg10[%get3A_441] {strides = array<i32>} : memref<1024xf32, #tpu.memory_space<vmem>>, vector<16xf32>,
      %gather3A_443 = tpu.vector_load_idx %arg11[%select_n3A_431] : memref<192xf32, #tpu.memory_space<vmem>>[vector<16xi32>], vector<16xf32>,
      %gather3A_444 = tpu.vector_load_idx %arg12[%select_n3A_438] : memref<192xf32, #tpu.memory_space<vmem>>[vector<16xi32>], vector<16xf32>,
      %add3A_445 = arith.addf %gather3A_443, %gather3A_444 : vector<16xf32>
      %mul3A_446 = arith.mulf %get3A_442, %get3A_98 : vector<16xf32>
      %add3A_447 = arith.addf %add3A_445, %mul3A_446 : vector<16xf32>
      %ge3A_448 = arith.constant 0.000000e+00 : f32
      %ge3A_449 = vector.broadcast %ge3A_448 : f32 to vector<16xf32>
      %ge3A_450 = arith.cmpf oge, %add3A_447, %ge3A_449 : vector<16xf32>
      %mul3A_451 = arith.constant 2.000000e-01 : f32
      %mul3A_452 = vector.broadcast %mul3A_451 : f32 to vector<16xf32>
      %mul3A_453 = arith.mulf %mul3A_452, %add3A_447 : vector<16xf32>
      %select_n3A_454 = arith.select %ge3A_450, %add3A_447, %mul3A_453 : vector<16xi1>, vector<16xf32>
      %sub3A_455 = arith.subf %select_n3A_454, %get3A_100 : vector<16xf32>
      %exp3A_456 = math.exp %sub3A_455 : vector<16xf32>
      %jit3A_457 = arith.constant 0.000000e+00 : f32
      %broadcast_in_dim3A_458 = vector.broadcast %jit3A_457 : f32 to vector<16xf32>
      %select_n3A_459 = arith.select %lt3A_424, %exp3A_456, %broadcast_in_dim3A_458 : vector<16xi1>, vector<16xf32>
      %mul3A_460 = arith.mulf %exp3A_456, %get3A_442 : vector<16xf32>
      %jit3A_461 = arith.constant 0.000000e+00 : f32
      %broadcast_in_dim3A_462 = vector.broadcast %jit3A_461 : f32 to vector<16xf32>
      %select_n3A_463 = arith.select %lt3A_424, %mul3A_460, %broadcast_in_dim3A_462 : vector<16xi1>, vector<16xf32>
      %mul3A_464 = arith.constant 192 : i32
      %mul3A_465 = vector.broadcast %mul3A_464 : i32 to vector<16xi32>
      %mul3A_466 = arith.muli %select_n3A_431, %mul3A_465 : vector<16xi32>
      %add3A_467 = arith.addi %mul3A_466, %select_n3A_438 : vector<16xi32>
      %jit3A_468 = arith.constant 36863 : i32
      %broadcast_in_dim3A_469 = vector.broadcast %jit3A_468 : i32 to vector<16xi32>
      %select_n3A_470 = arith.select %lt3A_424, %add3A_467, %broadcast_in_dim3A_469 : vector<16xi1>, vector<16xi32>
      %masked_sort3A_471 = arith.constant dense<true> : vector<16xi1>
      %masked_sort3A_472 = arith.constant -2147483648 : i32
      %masked_sort3A_473 = vector.broadcast %masked_sort3A_472 : i32 to vector<16xi32>
      %masked_sort3A_474 = arith.xori %select_n3A_470, %masked_sort3A_473 : vector<16xi32>
      %masked_sort3A_475, %masked_sort3A_476, %masked_sort3A_477 = tpu.sort %masked_sort3A_474, %iota3A masked %masked_sort3A_471 : (vector<16xi32>, vector<16xi32>, vector<16xi1>) -> (vector<16xi1>, vector<16xi32>, vector<16xi32>)
      %masked_sort3A_478 = arith.xori %masked_sort3A_476, %masked_sort3A_473 : vector<16xi32>
      %broadcast_in_dim3A_479 = vector.shape_cast %masked_sort3A_477 : vector<16xi32> to vector<16x1xi32>
      %gather3A_480 = vector.shape_cast %broadcast_in_dim3A_479 : vector<16x1xi32> to vector<16xi32>
      %gather3A_481 = tpu.dynamic_gather %select_n3A_459[%gather3A_480] in [0] : vector<16xf32>, vector<16xi32> -> vector<16xf32>
      %broadcast_in_dim3A_482 = vector.shape_cast %masked_sort3A_477 : vector<16xi32> to vector<16x1xi32>
      %gather3A_483 = vector.shape_cast %broadcast_in_dim3A_482 : vector<16x1xi32> to vector<16xi32>
      %gather3A_484 = tpu.dynamic_gather %select_n3A_463[%gather3A_483] in [0] : vector<16xf32>, vector<16xi32> -> vector<16xf32>
      %sub3A_485 = arith.constant 1 : i32
      %sub3A_486 = vector.broadcast %sub3A_485 : i32 to vector<16xi32>
      %sub3A_487 = arith.subi %iota3A, %sub3A_486 : vector<16xi32>
      %max3A_488 = arith.constant 0 : i32
      %max3A_489 = vector.broadcast %max3A_488 : i32 to vector<16xi32>
      %max3A_490 = arith.maxsi %sub3A_487, %max3A_489 : vector<16xi32>
      %broadcast_in_dim3A_491 = vector.shape_cast %max3A_490 : vector<16xi32> to vector<16x1xi32>
      %gather3A_492 = vector.shape_cast %broadcast_in_dim3A_491 : vector<16x1xi32> to vector<16xi32>
      %gather3A_493 = tpu.dynamic_gather %masked_sort3A_478[%gather3A_492] in [0] : vector<16xi32>, vector<16xi32> -> vector<16xi32>
      %add3A_494 = arith.constant 1 : i32
      %add3A_495 = vector.broadcast %add3A_494 : i32 to vector<16xi32>
      %add3A_496 = arith.addi %iota3A, %add3A_495 : vector<16xi32>
      %min3A_497 = arith.constant 15 : i32
      %min3A_498 = vector.broadcast %min3A_497 : i32 to vector<16xi32>
      %min3A_499 = arith.minsi %add3A_496, %min3A_498 : vector<16xi32>
      %broadcast_in_dim3A_500 = vector.shape_cast %min3A_499 : vector<16xi32> to vector<16x1xi32>
      %gather3A_501 = vector.shape_cast %broadcast_in_dim3A_500 : vector<16x1xi32> to vector<16xi32>
      %gather3A_502 = tpu.dynamic_gather %masked_sort3A_478[%gather3A_501] in [0] : vector<16xi32>, vector<16xi32> -> vector<16xi32>
      %eq3A_503 = arith.constant 0 : i32
      %eq3A_504 = vector.broadcast %eq3A_503 : i32 to vector<16xi32>
      %eq3A_505 = arith.cmpi eq, %iota3A, %eq3A_504 : vector<16xi32>
      %ne3A_506 = arith.cmpi ne, %masked_sort3A_478, %gather3A_493 : vector<16xi32>
      %or3A_507 = arith.ori %eq3A_505, %ne3A_506 : vector<16xi1>
      %eq3A_508 = arith.constant 15 : i32
      %eq3A_509 = vector.broadcast %eq3A_508 : i32 to vector<16xi32>
      %eq3A_510 = arith.cmpi eq, %iota3A, %eq3A_509 : vector<16xi32>
      %ne3A_511 = arith.cmpi ne, %masked_sort3A_478, %gather3A_502 : vector<16xi32>
      %or3A_512 = arith.ori %eq3A_510, %ne3A_511 : vector<16xi1>
      %broadcast_in_dim3A_513 = arith.constant true
      %broadcast_in_dim3A_514 = vector.broadcast %broadcast_in_dim3A_513 : i1 to vector<16xi1>
      %masked_cumsum3A_515 = tpu.scan <sum>, %gather3A_481 masked %broadcast_in_dim3A_514 : vector<16xf32>, vector<16xi1> -> vector<16xf32>
      %broadcast_in_dim3A_516 = arith.constant true
      %broadcast_in_dim3A_517 = vector.broadcast %broadcast_in_dim3A_516 : i1 to vector<16xi1>
      %masked_cumsum3A_518 = tpu.scan <sum>, %gather3A_484 masked %broadcast_in_dim3A_517 : vector<16xf32>, vector<16xi1> -> vector<16xf32>
      %jit3A_519 = arith.constant 0 : i32
      %broadcast_in_dim3A_520 = vector.broadcast %jit3A_519 : i32 to vector<16xi32>
      %select_n3A_521 = arith.select %or3A_507, %iota3A, %broadcast_in_dim3A_520 : vector<16xi1>, vector<16xi32>
      %broadcast_in_dim3A_522 = arith.constant true
      %broadcast_in_dim3A_523 = vector.broadcast %broadcast_in_dim3A_522 : i1 to vector<16xi1>
      %masked_cummax3A_524 = arith.constant -2147483648 : i32
      %masked_cummax3A_525 = vector.broadcast %masked_cummax3A_524 : i32 to vector<16xi32>
      %masked_cummax3A_526 = arith.xori %select_n3A_521, %masked_cummax3A_525 : vector<16xi32>
      %masked_cummax3A_527 = tpu.scan <max>, %masked_cummax3A_526 masked %broadcast_in_dim3A_523 : vector<16xi32>, vector<16xi1> -> vector<16xi32>
      %masked_cummax3A_528 = arith.xori %masked_cummax3A_527, %masked_cummax3A_525 : vector<16xi32>
      %broadcast_in_dim3A_529 = vector.shape_cast %masked_cummax3A_528 : vector<16xi32> to vector<16x1xi32>
      %gather3A_530 = vector.shape_cast %broadcast_in_dim3A_529 : vector<16x1xi32> to vector<16xi32>
      %gather3A_531 = tpu.dynamic_gather %masked_cumsum3A_515[%gather3A_530] in [0] : vector<16xf32>, vector<16xi32> -> vector<16xf32>
      %broadcast_in_dim3A_532 = vector.shape_cast %masked_cummax3A_528 : vector<16xi32> to vector<16x1xi32>
      %gather3A_533 = vector.shape_cast %broadcast_in_dim3A_532 : vector<16x1xi32> to vector<16xi32>
      %gather3A_534 = tpu.dynamic_gather %gather3A_481[%gather3A_533] in [0] : vector<16xf32>, vector<16xi32> -> vector<16xf32>
      %sub3A_535 = arith.subf %gather3A_531, %gather3A_534 : vector<16xf32>
      %sub3A_536 = arith.subf %masked_cumsum3A_515, %sub3A_535 : vector<16xf32>
      %broadcast_in_dim3A_537 = vector.shape_cast %masked_cummax3A_528 : vector<16xi32> to vector<16x1xi32>
      %gather3A_538 = vector.shape_cast %broadcast_in_dim3A_537 : vector<16x1xi32> to vector<16xi32>
      %gather3A_539 = tpu.dynamic_gather %masked_cumsum3A_518[%gather3A_538] in [0] : vector<16xf32>, vector<16xi32> -> vector<16xf32>
      %broadcast_in_dim3A_540 = vector.shape_cast %masked_cummax3A_528 : vector<16xi32> to vector<16x1xi32>
      %gather3A_541 = vector.shape_cast %broadcast_in_dim3A_540 : vector<16x1xi32> to vector<16xi32>
      %gather3A_542 = tpu.dynamic_gather %gather3A_484[%gather3A_541] in [0] : vector<16xf32>, vector<16xi32> -> vector<16xf32>
      %sub3A_543 = arith.subf %gather3A_539, %gather3A_542 : vector<16xf32>
      %sub3A_544 = arith.subf %masked_cumsum3A_518, %sub3A_543 : vector<16xf32>
      %jit3A_545 = arith.constant 192 : i32
      %div3A_546 = vector.broadcast %jit3A_545 : i32 to vector<16xi32>
      %div3A_547 = arith.divsi %masked_sort3A_478, %div3A_546 : vector<16xi32>
      %sign3A_548 = arith.constant 0 : i32
      %sign3A_549 = vector.broadcast %sign3A_548 : i32 to vector<16xi32>
      %sign3A_550 = arith.cmpi sgt, %masked_sort3A_478, %sign3A_549 : vector<16xi32>
      %sign3A_551 = arith.extui %sign3A_550 : vector<16xi1> to vector<16xi32>
      %sign3A_552 = arith.constant 0 : i32
      %sign3A_553 = vector.broadcast %sign3A_552 : i32 to vector<16xi32>
      %sign3A_554 = arith.cmpi slt, %masked_sort3A_478, %sign3A_553 : vector<16xi32>
      %sign3A_555 = arith.extui %sign3A_554 : vector<16xi1> to vector<16xi32>
      %sign3A_556 = arith.subi %sign3A_551, %sign3A_555 : vector<16xi32>
      %sign3A_557 = arith.constant 0 : i32
      %sign3A_558 = arith.cmpi sgt, %jit3A_545, %sign3A_557 : i32
      %sign3A_559 = arith.extui %sign3A_558 : i1 to i32
      %sign3A_560 = arith.constant 0 : i32
      %sign3A_561 = arith.cmpi slt, %jit3A_545, %sign3A_560 : i32
      %sign3A_562 = arith.extui %sign3A_561 : i1 to i32
      %sign3A_563 = arith.subi %sign3A_559, %sign3A_562 : i32
      %ne3A_564 = vector.broadcast %sign3A_563 : i32 to vector<16xi32>
      %ne3A_565 = arith.cmpi ne, %sign3A_556, %ne3A_564 : vector<16xi32>
      %rem3A_566 = vector.broadcast %jit3A_545 : i32 to vector<16xi32>
      %rem3A_567 = arith.remsi %masked_sort3A_478, %rem3A_566 : vector<16xi32>
      %ne3A_568 = arith.constant 0 : i32
      %ne3A_569 = vector.broadcast %ne3A_568 : i32 to vector<16xi32>
      %ne3A_570 = arith.cmpi ne, %rem3A_567, %ne3A_569 : vector<16xi32>
      %and3A_571 = arith.andi %ne3A_565, %ne3A_570 : vector<16xi1>
      %sub3A_572 = arith.constant 1 : i32
      %sub3A_573 = vector.broadcast %sub3A_572 : i32 to vector<16xi32>
      %sub3A_574 = arith.subi %div3A_547, %sub3A_573 : vector<16xi32>
      %select_n3A_575 = arith.select %and3A_571, %sub3A_574, %div3A_547 : vector<16xi1>, vector<16xi32>
      %mul3A_576 = arith.constant 192 : i32
      %mul3A_577 = vector.broadcast %mul3A_576 : i32 to vector<16xi32>
      %mul3A_578 = arith.muli %select_n3A_575, %mul3A_577 : vector<16xi32>
      %sub3A_579 = arith.subi %masked_sort3A_478, %mul3A_578 : vector<16xi32>
      tpu.vector_store_idx %arg15[%select_n3A_575, %sub3A_579], %sub3A_536 masked %or3A_512 {add = true} : memref<192x192xf32, #tpu.memory_space<vmem>>[vector<16xi32>, vector<16xi32>], vector<16xf32>, vector<16xi1>
      tpu.vector_store_idx %arg16[%select_n3A_575, %sub3A_579], %sub3A_544 masked %or3A_512 {add = true} : memref<192x192xf32, #tpu.memory_space<vmem>>[vector<16xi32>, vector<16xi32>], vector<16xf32>, vector<16xi1>
      %scan3A_580 = arith.constant 3 : i32
      %scan3A_581 = arith.addi %scan3A_107, %scan3A_580 : i32
      %mul3A_582 = arith.constant 16 : i32
      %mul3A_583 = arith.muli %scan3A_581, %mul3A_582 : i32
      %add3A_584 = vector.broadcast %mul3A_583 : i32 to vector<16xi32>
      %add3A_585 = arith.addi %iota3A, %add3A_584 : vector<16xi32>
      %lt3A_586 = vector.broadcast %select_n3A_48 : i32 to vector<16xi32>
      %lt3A_587 = arith.cmpi slt, %add3A_585, %lt3A_586 : vector<16xi32>
      %mul3A_588 = arith.constant 16 : i32
      %mul3A_589 = arith.muli %scan3A_581, %mul3A_588 : i32
      %get3A_590 = arith.index_cast %mul3A_589 : i32 to index
      %get3A_591 = tpu.vector_load %arg9[%get3A_590] {strides = array<i32>} : memref<1024xi32, #tpu.memory_space<vmem>>, vector<16xi32>,
      %jit3A_592 = arith.constant 0 : i32
      %broadcast_in_dim3A_593 = vector.broadcast %jit3A_592 : i32 to vector<16xi32>
      %select_n3A_594 = arith.select %lt3A_587, %get3A_591, %broadcast_in_dim3A_593 : vector<16xi1>, vector<16xi32>
      %mul3A_595 = arith.constant 16 : i32
      %mul3A_596 = arith.muli %scan3A_581, %mul3A_595 : i32
      %get3A_597 = arith.index_cast %mul3A_596 : i32 to index
      %get3A_598 = tpu.vector_load %arg8[%get3A_597] {strides = array<i32>} : memref<1024xi32, #tpu.memory_space<vmem>>, vector<16xi32>,
      %jit3A_599 = arith.constant 0 : i32
      %broadcast_in_dim3A_600 = vector.broadcast %jit3A_599 : i32 to vector<16xi32>
      %select_n3A_601 = arith.select %lt3A_587, %get3A_598, %broadcast_in_dim3A_600 : vector<16xi1>, vector<16xi32>
      %mul3A_602 = arith.constant 16 : i32
      %mul3A_603 = arith.muli %scan3A_581, %mul3A_602 : i32
      %get3A_604 = arith.index_cast %mul3A_603 : i32 to index
      %get3A_605 = tpu.vector_load %arg10[%get3A_604] {strides = array<i32>} : memref<1024xf32, #tpu.memory_space<vmem>>, vector<16xf32>,
      %gather3A_606 = tpu.vector_load_idx %arg11[%select_n3A_594] : memref<192xf32, #tpu.memory_space<vmem>>[vector<16xi32>], vector<16xf32>,
      %gather3A_607 = tpu.vector_load_idx %arg12[%select_n3A_601] : memref<192xf32, #tpu.memory_space<vmem>>[vector<16xi32>], vector<16xf32>,
      %add3A_608 = arith.addf %gather3A_606, %gather3A_607 : vector<16xf32>
      %mul3A_609 = arith.mulf %get3A_605, %get3A_98 : vector<16xf32>
      %add3A_610 = arith.addf %add3A_608, %mul3A_609 : vector<16xf32>
      %ge3A_611 = arith.constant 0.000000e+00 : f32
      %ge3A_612 = vector.broadcast %ge3A_611 : f32 to vector<16xf32>
      %ge3A_613 = arith.cmpf oge, %add3A_610, %ge3A_612 : vector<16xf32>
      %mul3A_614 = arith.constant 2.000000e-01 : f32
      %mul3A_615 = vector.broadcast %mul3A_614 : f32 to vector<16xf32>
      %mul3A_616 = arith.mulf %mul3A_615, %add3A_610 : vector<16xf32>
      %select_n3A_617 = arith.select %ge3A_613, %add3A_610, %mul3A_616 : vector<16xi1>, vector<16xf32>
      %sub3A_618 = arith.subf %select_n3A_617, %get3A_100 : vector<16xf32>
      %exp3A_619 = math.exp %sub3A_618 : vector<16xf32>
      %jit3A_620 = arith.constant 0.000000e+00 : f32
      %broadcast_in_dim3A_621 = vector.broadcast %jit3A_620 : f32 to vector<16xf32>
      %select_n3A_622 = arith.select %lt3A_587, %exp3A_619, %broadcast_in_dim3A_621 : vector<16xi1>, vector<16xf32>
      %mul3A_623 = arith.mulf %exp3A_619, %get3A_605 : vector<16xf32>
      %jit3A_624 = arith.constant 0.000000e+00 : f32
      %broadcast_in_dim3A_625 = vector.broadcast %jit3A_624 : f32 to vector<16xf32>
      %select_n3A_626 = arith.select %lt3A_587, %mul3A_623, %broadcast_in_dim3A_625 : vector<16xi1>, vector<16xf32>
      %mul3A_627 = arith.constant 192 : i32
      %mul3A_628 = vector.broadcast %mul3A_627 : i32 to vector<16xi32>
      %mul3A_629 = arith.muli %select_n3A_594, %mul3A_628 : vector<16xi32>
      %add3A_630 = arith.addi %mul3A_629, %select_n3A_601 : vector<16xi32>
      %jit3A_631 = arith.constant 36863 : i32
      %broadcast_in_dim3A_632 = vector.broadcast %jit3A_631 : i32 to vector<16xi32>
      %select_n3A_633 = arith.select %lt3A_587, %add3A_630, %broadcast_in_dim3A_632 : vector<16xi1>, vector<16xi32>
      %masked_sort3A_634 = arith.constant dense<true> : vector<16xi1>
      %masked_sort3A_635 = arith.constant -2147483648 : i32
      %masked_sort3A_636 = vector.broadcast %masked_sort3A_635 : i32 to vector<16xi32>
      %masked_sort3A_637 = arith.xori %select_n3A_633, %masked_sort3A_636 : vector<16xi32>
      %masked_sort3A_638, %masked_sort3A_639, %masked_sort3A_640 = tpu.sort %masked_sort3A_637, %iota3A masked %masked_sort3A_634 : (vector<16xi32>, vector<16xi32>, vector<16xi1>) -> (vector<16xi1>, vector<16xi32>, vector<16xi32>)
      %masked_sort3A_641 = arith.xori %masked_sort3A_639, %masked_sort3A_636 : vector<16xi32>
      %broadcast_in_dim3A_642 = vector.shape_cast %masked_sort3A_640 : vector<16xi32> to vector<16x1xi32>
      %gather3A_643 = vector.shape_cast %broadcast_in_dim3A_642 : vector<16x1xi32> to vector<16xi32>
      %gather3A_644 = tpu.dynamic_gather %select_n3A_622[%gather3A_643] in [0] : vector<16xf32>, vector<16xi32> -> vector<16xf32>
      %broadcast_in_dim3A_645 = vector.shape_cast %masked_sort3A_640 : vector<16xi32> to vector<16x1xi32>
      %gather3A_646 = vector.shape_cast %broadcast_in_dim3A_645 : vector<16x1xi32> to vector<16xi32>
      %gather3A_647 = tpu.dynamic_gather %select_n3A_626[%gather3A_646] in [0] : vector<16xf32>, vector<16xi32> -> vector<16xf32>
      %sub3A_648 = arith.constant 1 : i32
      %sub3A_649 = vector.broadcast %sub3A_648 : i32 to vector<16xi32>
      %sub3A_650 = arith.subi %iota3A, %sub3A_649 : vector<16xi32>
      %max3A_651 = arith.constant 0 : i32
      %max3A_652 = vector.broadcast %max3A_651 : i32 to vector<16xi32>
      %max3A_653 = arith.maxsi %sub3A_650, %max3A_652 : vector<16xi32>
      %broadcast_in_dim3A_654 = vector.shape_cast %max3A_653 : vector<16xi32> to vector<16x1xi32>
      %gather3A_655 = vector.shape_cast %broadcast_in_dim3A_654 : vector<16x1xi32> to vector<16xi32>
      %gather3A_656 = tpu.dynamic_gather %masked_sort3A_641[%gather3A_655] in [0] : vector<16xi32>, vector<16xi32> -> vector<16xi32>
      %add3A_657 = arith.constant 1 : i32
      %add3A_658 = vector.broadcast %add3A_657 : i32 to vector<16xi32>
      %add3A_659 = arith.addi %iota3A, %add3A_658 : vector<16xi32>
      %min3A_660 = arith.constant 15 : i32
      %min3A_661 = vector.broadcast %min3A_660 : i32 to vector<16xi32>
      %min3A_662 = arith.minsi %add3A_659, %min3A_661 : vector<16xi32>
      %broadcast_in_dim3A_663 = vector.shape_cast %min3A_662 : vector<16xi32> to vector<16x1xi32>
      %gather3A_664 = vector.shape_cast %broadcast_in_dim3A_663 : vector<16x1xi32> to vector<16xi32>
      %gather3A_665 = tpu.dynamic_gather %masked_sort3A_641[%gather3A_664] in [0] : vector<16xi32>, vector<16xi32> -> vector<16xi32>
      %eq3A_666 = arith.constant 0 : i32
      %eq3A_667 = vector.broadcast %eq3A_666 : i32 to vector<16xi32>
      %eq3A_668 = arith.cmpi eq, %iota3A, %eq3A_667 : vector<16xi32>
      %ne3A_669 = arith.cmpi ne, %masked_sort3A_641, %gather3A_656 : vector<16xi32>
      %or3A_670 = arith.ori %eq3A_668, %ne3A_669 : vector<16xi1>
      %eq3A_671 = arith.constant 15 : i32
      %eq3A_672 = vector.broadcast %eq3A_671 : i32 to vector<16xi32>
      %eq3A_673 = arith.cmpi eq, %iota3A, %eq3A_672 : vector<16xi32>
      %ne3A_674 = arith.cmpi ne, %masked_sort3A_641, %gather3A_665 : vector<16xi32>
      %or3A_675 = arith.ori %eq3A_673, %ne3A_674 : vector<16xi1>
      %broadcast_in_dim3A_676 = arith.constant true
      %broadcast_in_dim3A_677 = vector.broadcast %broadcast_in_dim3A_676 : i1 to vector<16xi1>
      %masked_cumsum3A_678 = tpu.scan <sum>, %gather3A_644 masked %broadcast_in_dim3A_677 : vector<16xf32>, vector<16xi1> -> vector<16xf32>
      %broadcast_in_dim3A_679 = arith.constant true
      %broadcast_in_dim3A_680 = vector.broadcast %broadcast_in_dim3A_679 : i1 to vector<16xi1>
      %masked_cumsum3A_681 = tpu.scan <sum>, %gather3A_647 masked %broadcast_in_dim3A_680 : vector<16xf32>, vector<16xi1> -> vector<16xf32>
      %jit3A_682 = arith.constant 0 : i32
      %broadcast_in_dim3A_683 = vector.broadcast %jit3A_682 : i32 to vector<16xi32>
      %select_n3A_684 = arith.select %or3A_670, %iota3A, %broadcast_in_dim3A_683 : vector<16xi1>, vector<16xi32>
      %broadcast_in_dim3A_685 = arith.constant true
      %broadcast_in_dim3A_686 = vector.broadcast %broadcast_in_dim3A_685 : i1 to vector<16xi1>
      %masked_cummax3A_687 = arith.constant -2147483648 : i32
      %masked_cummax3A_688 = vector.broadcast %masked_cummax3A_687 : i32 to vector<16xi32>
      %masked_cummax3A_689 = arith.xori %select_n3A_684, %masked_cummax3A_688 : vector<16xi32>
      %masked_cummax3A_690 = tpu.scan <max>, %masked_cummax3A_689 masked %broadcast_in_dim3A_686 : vector<16xi32>, vector<16xi1> -> vector<16xi32>
      %masked_cummax3A_691 = arith.xori %masked_cummax3A_690, %masked_cummax3A_688 : vector<16xi32>
      %broadcast_in_dim3A_692 = vector.shape_cast %masked_cummax3A_691 : vector<16xi32> to vector<16x1xi32>
      %gather3A_693 = vector.shape_cast %broadcast_in_dim3A_692 : vector<16x1xi32> to vector<16xi32>
      %gather3A_694 = tpu.dynamic_gather %masked_cumsum3A_678[%gather3A_693] in [0] : vector<16xf32>, vector<16xi32> -> vector<16xf32>
      %broadcast_in_dim3A_695 = vector.shape_cast %masked_cummax3A_691 : vector<16xi32> to vector<16x1xi32>
      %gather3A_696 = vector.shape_cast %broadcast_in_dim3A_695 : vector<16x1xi32> to vector<16xi32>
      %gather3A_697 = tpu.dynamic_gather %gather3A_644[%gather3A_696] in [0] : vector<16xf32>, vector<16xi32> -> vector<16xf32>
      %sub3A_698 = arith.subf %gather3A_694, %gather3A_697 : vector<16xf32>
      %sub3A_699 = arith.subf %masked_cumsum3A_678, %sub3A_698 : vector<16xf32>
      %broadcast_in_dim3A_700 = vector.shape_cast %masked_cummax3A_691 : vector<16xi32> to vector<16x1xi32>
      %gather3A_701 = vector.shape_cast %broadcast_in_dim3A_700 : vector<16x1xi32> to vector<16xi32>
      %gather3A_702 = tpu.dynamic_gather %masked_cumsum3A_681[%gather3A_701] in [0] : vector<16xf32>, vector<16xi32> -> vector<16xf32>
      %broadcast_in_dim3A_703 = vector.shape_cast %masked_cummax3A_691 : vector<16xi32> to vector<16x1xi32>
      %gather3A_704 = vector.shape_cast %broadcast_in_dim3A_703 : vector<16x1xi32> to vector<16xi32>
      %gather3A_705 = tpu.dynamic_gather %gather3A_647[%gather3A_704] in [0] : vector<16xf32>, vector<16xi32> -> vector<16xf32>
      %sub3A_706 = arith.subf %gather3A_702, %gather3A_705 : vector<16xf32>
      %sub3A_707 = arith.subf %masked_cumsum3A_681, %sub3A_706 : vector<16xf32>
      %jit3A_708 = arith.constant 192 : i32
      %div3A_709 = vector.broadcast %jit3A_708 : i32 to vector<16xi32>
      %div3A_710 = arith.divsi %masked_sort3A_641, %div3A_709 : vector<16xi32>
      %sign3A_711 = arith.constant 0 : i32
      %sign3A_712 = vector.broadcast %sign3A_711 : i32 to vector<16xi32>
      %sign3A_713 = arith.cmpi sgt, %masked_sort3A_641, %sign3A_712 : vector<16xi32>
      %sign3A_714 = arith.extui %sign3A_713 : vector<16xi1> to vector<16xi32>
      %sign3A_715 = arith.constant 0 : i32
      %sign3A_716 = vector.broadcast %sign3A_715 : i32 to vector<16xi32>
      %sign3A_717 = arith.cmpi slt, %masked_sort3A_641, %sign3A_716 : vector<16xi32>
      %sign3A_718 = arith.extui %sign3A_717 : vector<16xi1> to vector<16xi32>
      %sign3A_719 = arith.subi %sign3A_714, %sign3A_718 : vector<16xi32>
      %sign3A_720 = arith.constant 0 : i32
      %sign3A_721 = arith.cmpi sgt, %jit3A_708, %sign3A_720 : i32
      %sign3A_722 = arith.extui %sign3A_721 : i1 to i32
      %sign3A_723 = arith.constant 0 : i32
      %sign3A_724 = arith.cmpi slt, %jit3A_708, %sign3A_723 : i32
      %sign3A_725 = arith.extui %sign3A_724 : i1 to i32
      %sign3A_726 = arith.subi %sign3A_722, %sign3A_725 : i32
      %ne3A_727 = vector.broadcast %sign3A_726 : i32 to vector<16xi32>
      %ne3A_728 = arith.cmpi ne, %sign3A_719, %ne3A_727 : vector<16xi32>
      %rem3A_729 = vector.broadcast %jit3A_708 : i32 to vector<16xi32>
      %rem3A_730 = arith.remsi %masked_sort3A_641, %rem3A_729 : vector<16xi32>
      %ne3A_731 = arith.constant 0 : i32
      %ne3A_732 = vector.broadcast %ne3A_731 : i32 to vector<16xi32>
      %ne3A_733 = arith.cmpi ne, %rem3A_730, %ne3A_732 : vector<16xi32>
      %and3A_734 = arith.andi %ne3A_728, %ne3A_733 : vector<16xi1>
      %sub3A_735 = arith.constant 1 : i32
      %sub3A_736 = vector.broadcast %sub3A_735 : i32 to vector<16xi32>
      %sub3A_737 = arith.subi %div3A_710, %sub3A_736 : vector<16xi32>
      %select_n3A_738 = arith.select %and3A_734, %sub3A_737, %div3A_710 : vector<16xi1>, vector<16xi32>
      %mul3A_739 = arith.constant 192 : i32
      %mul3A_740 = vector.broadcast %mul3A_739 : i32 to vector<16xi32>
      %mul3A_741 = arith.muli %select_n3A_738, %mul3A_740 : vector<16xi32>
      %sub3A_742 = arith.subi %masked_sort3A_641, %mul3A_741 : vector<16xi32>
      tpu.vector_store_idx %arg15[%select_n3A_738, %sub3A_742], %sub3A_699 masked %or3A_675 {add = true} : memref<192x192xf32, #tpu.memory_space<vmem>>[vector<16xi32>, vector<16xi32>], vector<16xf32>, vector<16xi1>
      tpu.vector_store_idx %arg16[%select_n3A_738, %sub3A_742], %sub3A_707 masked %or3A_675 {add = true} : memref<192x192xf32, #tpu.memory_space<vmem>>[vector<16xi32>, vector<16xi32>], vector<16xf32>, vector<16xi1>
    }
    %scan3A_106 = arith.constant 64 : i32
    "tpu.region"() ({
      %run_scoped3A = tpu.sem_alloc : memref<!tpu.dma_semaphore, #tpu.memory_space<semaphore_mem>>
      %dma_start3A_107 = arith.constant 0 : i32
      %dma_start3A_108 = arith.constant 0 : i32
      %dma_start3A_109 = tpu.memref_slice %arg6[%add3A, %dma_start3A_107, %dma_start3A_108] : memref<32x192x192xf32, #tpu.memory_space<hbm>> -> memref<1x192x192xf32, #tpu.memory_space<hbm>>
      %dma_start3A_110 = tpu.memref_squeeze %dma_start3A_109 : memref<1x192x192xf32, #tpu.memory_space<hbm>> -> memref<192x192xf32, #tpu.memory_space<hbm>>
      %dma_start3A_111 = arith.constant 0 : i32
      %dma_start3A_112 = arith.constant 0 : i32
      %dma_start3A_113 = tpu.memref_slice %arg6[%add3A, %dma_start3A_111, %dma_start3A_112] : memref<32x192x192xf32, #tpu.memory_space<hbm>> -> memref<1x192x192xf32, #tpu.memory_space<hbm>>
      %dma_start3A_114 = tpu.memref_squeeze %dma_start3A_113 : memref<1x192x192xf32, #tpu.memory_space<hbm>> -> memref<192x192xf32, #tpu.memory_space<hbm>>
      tpu.enqueue_dma source(%arg15 : memref<192x192xf32, #tpu.memory_space<vmem>>) target(%dma_start3A_114 : memref<192x192xf32, #tpu.memory_space<hbm>>) target_semaphore(%run_scoped3A : memref<!tpu.dma_semaphore, #tpu.memory_space<semaphore_mem>>)
      %dma_wait3A_115 = arith.constant 0 : i32
      %dma_wait3A_116 = arith.constant 0 : i32
      %dma_wait3A_117 = tpu.memref_slice %arg6[%add3A, %dma_wait3A_115, %dma_wait3A_116] : memref<32x192x192xf32, #tpu.memory_space<hbm>> -> memref<1x192x192xf32, #tpu.memory_space<hbm>>
      %dma_wait3A_118 = tpu.memref_squeeze %dma_wait3A_117 : memref<1x192x192xf32, #tpu.memory_space<hbm>> -> memref<192x192xf32, #tpu.memory_space<hbm>>
      %dma_wait3A_119 = arith.constant 0 : i32
      %dma_wait3A_120 = arith.constant 0 : i32
      %dma_wait3A_121 = tpu.memref_slice %arg6[%add3A, %dma_wait3A_119, %dma_wait3A_120] : memref<32x192x192xf32, #tpu.memory_space<hbm>> -> memref<1x192x192xf32, #tpu.memory_space<hbm>>
      %dma_wait3A_122 = tpu.memref_squeeze %dma_wait3A_121 : memref<1x192x192xf32, #tpu.memory_space<hbm>> -> memref<192x192xf32, #tpu.memory_space<hbm>>
      tpu.wait_dma2 semaphore(%run_scoped3A : memref<!tpu.dma_semaphore, #tpu.memory_space<semaphore_mem>>) src(%arg15 : memref<192x192xf32, #tpu.memory_space<vmem>>) dst(%dma_wait3A_122 : memref<192x192xf32, #tpu.memory_space<hbm>>)
      tpu.yield
    }) : () -> ()
    "tpu.region"() ({
      %run_scoped3A = tpu.sem_alloc : memref<!tpu.dma_semaphore, #tpu.memory_space<semaphore_mem>>
      %dma_start3A_107 = arith.constant 0 : i32
      %dma_start3A_108 = arith.constant 0 : i32
      %dma_start3A_109 = tpu.memref_slice %arg7[%add3A, %dma_start3A_107, %dma_start3A_108] : memref<32x192x192xf32, #tpu.memory_space<hbm>> -> memref<1x192x192xf32, #tpu.memory_space<hbm>>
      %dma_start3A_110 = tpu.memref_squeeze %dma_start3A_109 : memref<1x192x192xf32, #tpu.memory_space<hbm>> -> memref<192x192xf32, #tpu.memory_space<hbm>>
      %dma_start3A_111 = arith.constant 0 : i32
      %dma_start3A_112 = arith.constant 0 : i32
      %dma_start3A_113 = tpu.memref_slice %arg7[%add3A, %dma_start3A_111, %dma_start3A_112] : memref<32x192x192xf32, #tpu.memory_space<hbm>> -> memref<1x192x192xf32, #tpu.memory_space<hbm>>
      %dma_start3A_114 = tpu.memref_squeeze %dma_start3A_113 : memref<1x192x192xf32, #tpu.memory_space<hbm>> -> memref<192x192xf32, #tpu.memory_space<hbm>>
      tpu.enqueue_dma source(%arg16 : memref<192x192xf32, #tpu.memory_space<vmem>>) target(%dma_start3A_114 : memref<192x192xf32, #tpu.memory_space<hbm>>) target_semaphore(%run_scoped3A : memref<!tpu.dma_semaphore, #tpu.memory_space<semaphore_mem>>)
      %dma_wait3A_115 = arith.constant 0 : i32
      %dma_wait3A_116 = arith.constant 0 : i32
      %dma_wait3A_117 = tpu.memref_slice %arg7[%add3A, %dma_wait3A_115, %dma_wait3A_116] : memref<32x192x192xf32, #tpu.memory_space<hbm>> -> memref<1x192x192xf32, #tpu.memory_space<hbm>>
      %dma_wait3A_118 = tpu.memref_squeeze %dma_wait3A_117 : memref<1x192x192xf32, #tpu.memory_space<hbm>> -> memref<192x192xf32, #tpu.memory_space<hbm>>
      %dma_wait3A_119 = arith.constant 0 : i32
      %dma_wait3A_120 = arith.constant 0 : i32
      %dma_wait3A_121 = tpu.memref_slice %arg7[%add3A, %dma_wait3A_119, %dma_wait3A_120] : memref<32x192x192xf32, #tpu.memory_space<hbm>> -> memref<1x192x192xf32, #tpu.memory_space<hbm>>
      %dma_wait3A_122 = tpu.memref_squeeze %dma_wait3A_121 : memref<1x192x192xf32, #tpu.memory_space<hbm>> -> memref<192x192xf32, #tpu.memory_space<hbm>>
      tpu.wait_dma2 semaphore(%run_scoped3A : memref<!tpu.dma_semaphore, #tpu.memory_space<semaphore_mem>>) src(%arg16 : memref<192x192xf32, #tpu.memory_space<vmem>>) dst(%dma_wait3A_122 : memref<192x192xf32, #tpu.memory_space<hbm>>)
      tpu.yield
    }) : () -> ()
    return
  }
}

module attributes {stable_mosaic.version = 14 : i64} {
  func.func @_tc2_body(%arg0: memref<32x192x192xf32, #tpu.memory_space<vmem>>, %arg1: memref<32x192x192xf32, #tpu.memory_space<vmem>>, %arg2: memref<192x128xf32, #tpu.memory_space<vmem>>, %arg3: memref<129x128xf32, #tpu.memory_space<vmem>>, %arg4: memref<128xf32, #tpu.memory_space<vmem>>, %arg5: memref<1x177x128xf32, #tpu.memory_space<vmem>>) attributes {dimension_semantics = [], scalar_prefetch = 0 : i64, scratch_operands = 0 : i64, tpu.core_type = #tpu.core_type<tc>} {
    %get3A = arith.constant 0 : index
    %get3A_0 = arith.constant 0 : index
    %get3A_1 = arith.constant 0 : index
    %get3A_2 = vector.load %arg0[%get3A, %get3A_0, %get3A_1] : memref<32x192x192xf32, #tpu.memory_space<vmem>>, vector<32x192x192xf32>
    %reduce_sum3A = arith.constant dense<0.000000e+00> : vector<192x192xf32>
    %reduce_sum3A_3 = vector.multi_reduction <add>, %get3A_2, %reduce_sum3A [0] : vector<32x192x192xf32> to vector<192x192xf32>
    %get3A_4 = arith.constant 0 : index
    %get3A_5 = arith.constant 0 : index
    %get3A_6 = arith.constant 0 : index
    %get3A_7 = vector.load %arg1[%get3A_4, %get3A_5, %get3A_6] : memref<32x192x192xf32, #tpu.memory_space<vmem>>, vector<32x192x192xf32>
    %reduce_sum3A_8 = arith.constant dense<0.000000e+00> : vector<192x192xf32>
    %reduce_sum3A_9 = vector.multi_reduction <add>, %get3A_7, %reduce_sum3A_8 [0] : vector<32x192x192xf32> to vector<192x192xf32>
    %reduce_sum3A_10 = arith.constant dense<0.000000e+00> : vector<192xf32>
    %reduce_sum3A_11 = vector.multi_reduction <add>, %reduce_sum3A_3, %reduce_sum3A_10 [1] : vector<192x192xf32> to vector<192xf32>
    %broadcast_in_dim3A = vector.shape_cast %reduce_sum3A_11 : vector<192xf32> to vector<192x1xf32>
    %add3A = arith.constant 1.000000e-16 : f32
    %add3A_12 = vector.broadcast %add3A : f32 to vector<192x1xf32>
    %add3A_13 = arith.addf %broadcast_in_dim3A, %add3A_12 : vector<192x1xf32>
    %reduce_sum3A_14 = arith.constant dense<0.000000e+00> : vector<192xf32>
    %reduce_sum3A_15 = vector.multi_reduction <add>, %reduce_sum3A_9, %reduce_sum3A_14 [1] : vector<192x192xf32> to vector<192xf32>
    %broadcast_in_dim3A_16 = vector.shape_cast %reduce_sum3A_15 : vector<192xf32> to vector<192x1xf32>
    %div3A = arith.divf %broadcast_in_dim3A_16, %add3A_13 : vector<192x1xf32>
    %get3A_17 = arith.constant 0 : index
    %get3A_18 = arith.constant 0 : index
    %get3A_19 = vector.load %arg2[%get3A_17, %get3A_18] : memref<192x128xf32, #tpu.memory_space<vmem>>, vector<192x128xf32>
    %dot_general3A = arith.constant dense<0.000000e+00> : vector<192x128xf32>
    %dot_general3A_20 = tpu.matmul %reduce_sum3A_3, %get3A_19, %dot_general3A {dimension_numbers = #tpu.dot_dimension_numbers<[1], [0], [0], [1], [0, 0, 1, 1], [], []>, transpose_lhs_hint = false} : vector<192x192xf32>, vector<192x128xf32>, vector<192x128xf32> -> vector<192x128xf32>
    %div3A_21 = vector.broadcast %add3A_13 : vector<192x1xf32> to vector<192x128xf32>
    %div3A_22 = arith.divf %dot_general3A_20, %div3A_21 : vector<192x128xf32>
    %get3A_23 = arith.constant 0 : index
    %get3A_24 = arith.constant 0 : index
    %get3A_25 = vector.load %arg3[%get3A_23, %get3A_24] : memref<129x128xf32, #tpu.memory_space<vmem>>, vector<129x128xf32>
    %slice3A = vector.extract_strided_slice %get3A_25 {offsets = [0, 0], sizes = [128, 128], strides = [1, 1]} : vector<129x128xf32> to vector<128x128xf32>
    %dot_general3A_26 = arith.constant dense<0.000000e+00> : vector<192x128xf32>
    %dot_general3A_27 = tpu.matmul %div3A_22, %slice3A, %dot_general3A_26 {dimension_numbers = #tpu.dot_dimension_numbers<[1], [0], [0], [1], [0, 0, 1, 1], [], []>, transpose_lhs_hint = false} : vector<192x128xf32>, vector<128x128xf32>, vector<192x128xf32> -> vector<192x128xf32>
    %slice3A_28 = vector.extract_strided_slice %get3A_25 {offsets = [128, 0], sizes = [1, 128], strides = [1, 1]} : vector<129x128xf32> to vector<1x128xf32>
    %mul3A = vector.broadcast %div3A : vector<192x1xf32> to vector<192x128xf32>
    %mul3A_29 = vector.broadcast %slice3A_28 : vector<1x128xf32> to vector<192x128xf32>
    %mul3A_30 = arith.mulf %mul3A, %mul3A_29 : vector<192x128xf32>
    %add3A_31 = arith.addf %dot_general3A_27, %mul3A_30 : vector<192x128xf32>
    %get3A_32 = arith.constant 0 : index
    %get3A_33 = vector.load %arg4[%get3A_32] : memref<128xf32, #tpu.memory_space<vmem>>, vector<128xf32>
    %broadcast_in_dim3A_34 = vector.shape_cast %get3A_33 : vector<128xf32> to vector<1x128xf32>
    %add3A_35 = vector.broadcast %broadcast_in_dim3A_34 : vector<1x128xf32> to vector<192x128xf32>
    %add3A_36 = arith.addf %add3A_31, %add3A_35 : vector<192x128xf32>
    %slice3A_37 = vector.extract_strided_slice %add3A_36 {offsets = [0, 0], sizes = [177, 128], strides = [1, 1]} : vector<192x128xf32> to vector<177x128xf32>
    %swap3A = arith.constant 0 : index
    %swap3A_38 = arith.constant 0 : index
    %swap3A_39 = arith.constant 0 : index
    %swap3A_40 = vector.load %arg5[%swap3A, %swap3A_38, %swap3A_39] : memref<1x177x128xf32, #tpu.memory_space<vmem>>, vector<1x177x128xf32>
    %swap3A_41 = vector.shape_cast %swap3A_40 : vector<1x177x128xf32> to vector<177x128xf32>
    %swap3A_42 = vector.shape_cast %slice3A_37 : vector<177x128xf32> to vector<1x177x128xf32>
    tpu.vector_store %arg5[%swap3A, %swap3A_38, %swap3A_39], %swap3A_42 {strides = array<i32>} : memref<1x177x128xf32, #tpu.memory_space<vmem>>, vector<1x177x128xf32>,
    return
  }
}

module attributes {stable_mosaic.version = 14 : i64} {
  func.func @_tc1_body(%arg0: memref<1x177x128xf32, #tpu.memory_space<vmem>>, %arg1: memref<128x128xf32, #tpu.memory_space<vmem>>, %arg2: memref<1x1x257xf32, #tpu.memory_space<vmem>>, %arg3: memref<1x31329xf32, #tpu.memory_space<vmem>>, %arg4: memref<192x128xf32, #tpu.memory_space<vmem>>, %arg5: memref<2x192xf32, #tpu.memory_space<vmem>>, %arg6: memref<2x16xf32, #tpu.memory_space<vmem>>) attributes {dimension_semantics = [], scalar_prefetch = 0 : i64, scratch_operands = 0 : i64, tpu.core_type = #tpu.core_type<tc>} {
    %get3A = arith.constant 0 : index
    %get3A_0 = arith.constant 0 : index
    %get3A_1 = arith.constant 0 : index
    %get3A_2 = vector.load %arg0[%get3A, %get3A_0, %get3A_1] : memref<1x177x128xf32, #tpu.memory_space<vmem>>, vector<1x177x128xf32>
    %get3A_3 = vector.shape_cast %get3A_2 : vector<1x177x128xf32> to vector<177x128xf32>
    %broadcast_in_dim3A = arith.constant 0.000000e+00 : f32
    %broadcast_in_dim3A_4 = vector.broadcast %broadcast_in_dim3A : f32 to vector<15x128xf32>
    %concatenate3A = tpu.concatenate %get3A_3, %broadcast_in_dim3A_4 in 0 : vector<177x128xf32>, vector<15x128xf32> -> vector<192x128xf32>
    %get3A_5 = arith.constant 0 : index
    %get3A_6 = arith.constant 0 : index
    %get3A_7 = vector.load %arg1[%get3A_5, %get3A_6] : memref<128x128xf32, #tpu.memory_space<vmem>>, vector<128x128xf32>
    %dot_general3A = arith.constant dense<0.000000e+00> : vector<192x128xf32>
    %dot_general3A_8 = tpu.matmul %concatenate3A, %get3A_7, %dot_general3A {dimension_numbers = #tpu.dot_dimension_numbers<[1], [0], [0], [1], [0, 0, 1, 1], [], []>, transpose_lhs_hint = false} : vector<192x128xf32>, vector<128x128xf32>, vector<192x128xf32> -> vector<192x128xf32>
    %swap3A = arith.constant 0 : index
    %swap3A_9 = arith.constant 0 : index
    %swap3A_10 = vector.load %arg4[%swap3A, %swap3A_9] : memref<192x128xf32, #tpu.memory_space<vmem>>, vector<192x128xf32>
    tpu.vector_store %arg4[%swap3A, %swap3A_9], %dot_general3A_8 {strides = array<i32>} : memref<192x128xf32, #tpu.memory_space<vmem>>, vector<192x128xf32>,
    %get3A_11 = arith.constant 0 : index
    %get3A_12 = arith.constant 0 : index
    %get3A_13 = arith.constant 0 : index
    %get3A_14 = vector.load %arg2[%get3A_11, %get3A_12, %get3A_13] : memref<1x1x257xf32, #tpu.memory_space<vmem>>, vector<1x1x128xf32>
    %get3A_15 = vector.shape_cast %get3A_14 : vector<1x1x128xf32> to vector<1x128xf32>
    %get3A_16 = arith.constant 0 : index
    %get3A_17 = arith.constant 0 : index
    %get3A_18 = arith.constant 128 : index
    %get3A_19 = vector.load %arg2[%get3A_16, %get3A_17, %get3A_18] : memref<1x1x257xf32, #tpu.memory_space<vmem>>, vector<1x1x128xf32>
    %get3A_20 = vector.shape_cast %get3A_19 : vector<1x1x128xf32> to vector<1x128xf32>
    %concatenate3A_21 = tpu.concatenate %get3A_15, %get3A_20 in 0 : vector<1x128xf32>, vector<1x128xf32> -> vector<2x128xf32>
    %dot_general3A_22 = arith.constant dense<0.000000e+00> : vector<2x192xf32>
    %dot_general3A_23 = tpu.matmul %concatenate3A_21, %dot_general3A_8, %dot_general3A_22 {dimension_numbers = #tpu.dot_dimension_numbers<[1], [1], [0], [0], [0, 0, 1, 0], [], []>, transpose_lhs_hint = false} : vector<2x128xf32>, vector<192x128xf32>, vector<2x192xf32> -> vector<2x192xf32>
    %swap3A_24 = arith.constant 0 : index
    %swap3A_25 = arith.constant 0 : index
    %swap3A_26 = vector.load %arg5[%swap3A_24, %swap3A_25] : memref<2x192xf32, #tpu.memory_space<vmem>>, vector<2x192xf32>
    tpu.vector_store %arg5[%swap3A_24, %swap3A_25], %dot_general3A_23 {strides = array<i32>} : memref<2x192xf32, #tpu.memory_space<vmem>>, vector<2x192xf32>,
    %get3A_27 = arith.constant 0 : index
    %get3A_28 = arith.constant 0 : index
    %get3A_29 = arith.constant 256 : index
    %get3A_30 = vector.load %arg2[%get3A_27, %get3A_28, %get3A_29] : memref<1x1x257xf32, #tpu.memory_space<vmem>>, vector<1x1x1xf32>
    %get3A_31 = vector.shape_cast %get3A_30 : vector<1x1x1xf32> to vector<1x1xf32>
    %slice3A = vector.extract_strided_slice %dot_general3A_23 {offsets = [0, 0], sizes = [1, 192], strides = [1, 1]} : vector<2x192xf32> to vector<1x192xf32>
    %reduce_max3A = vector.shape_cast %slice3A : vector<1x192xf32> to vector<1x1x192xf32>
    %reduce_max3A_32 = arith.constant dense<0xFF800000> : vector<1xf32>
    %reduce_max3A_33 = vector.multi_reduction <maximumf>, %reduce_max3A, %reduce_max3A_32 [1, 2] : vector<1x1x192xf32> to vector<1xf32>
    %reduce_max3A_34 = vector.shape_cast %reduce_max3A_33 : vector<1xf32> to vector<1x1x1xf32>
    %reduce_max3A_35 = vector.extract %reduce_max3A_34[0, 0, 0] : f32 from vector<1x1x1xf32>
    %slice3A_36 = vector.extract_strided_slice %dot_general3A_23 {offsets = [1, 0], sizes = [1, 192], strides = [1, 1]} : vector<2x192xf32> to vector<1x192xf32>
    %reduce_max3A_37 = vector.shape_cast %slice3A_36 : vector<1x192xf32> to vector<1x1x192xf32>
    %reduce_max3A_38 = arith.constant dense<0xFF800000> : vector<1xf32>
    %reduce_max3A_39 = vector.multi_reduction <maximumf>, %reduce_max3A_37, %reduce_max3A_38 [1, 2] : vector<1x1x192xf32> to vector<1xf32>
    %reduce_max3A_40 = vector.shape_cast %reduce_max3A_39 : vector<1xf32> to vector<1x1x1xf32>
    %reduce_max3A_41 = vector.extract %reduce_max3A_40[0, 0, 0] : f32 from vector<1x1x1xf32>
    %add3A = arith.addf %reduce_max3A_35, %reduce_max3A_41 : f32
    %get3A_42 = arith.constant 0 : index
    %get3A_43 = arith.constant 0 : index
    %get3A_44 = vector.load %arg3[%get3A_42, %get3A_43] : memref<1x31329xf32, #tpu.memory_space<vmem>>, vector<1x31329xf32>
    %mul3A = vector.broadcast %get3A_31 : vector<1x1xf32> to vector<1x31329xf32>
    %mul3A_45 = arith.mulf %mul3A, %get3A_44 : vector<1x31329xf32>
    %reduce_max3A_46 = vector.shape_cast %mul3A_45 : vector<1x31329xf32> to vector<1x1x31329xf32>
    %reduce_max3A_47 = arith.constant dense<0xFF800000> : vector<1xf32>
    %reduce_max3A_48 = vector.multi_reduction <maximumf>, %reduce_max3A_46, %reduce_max3A_47 [1, 2] : vector<1x1x31329xf32> to vector<1xf32>
    %reduce_max3A_49 = vector.shape_cast %reduce_max3A_48 : vector<1xf32> to vector<1x1x1xf32>
    %reduce_max3A_50 = vector.extract %reduce_max3A_49[0, 0, 0] : f32 from vector<1x1x1xf32>
    %add3A_51 = arith.addf %add3A, %reduce_max3A_50 : f32
    %ge3A = arith.constant 0.000000e+00 : f32
    %ge3A_52 = arith.cmpf oge, %add3A_51, %ge3A : f32
    %mul3A_53 = arith.constant 2.000000e-01 : f32
    %mul3A_54 = arith.mulf %mul3A_53, %add3A_51 : f32
    %select_n3A = arith.select %ge3A_52, %add3A_51, %mul3A_54 : f32
    %broadcast_in_dim3A_55 = vector.shape_cast %get3A_31 : vector<1x1xf32> to vector<1x1xf32>
    %broadcast_in_dim3A_56 = vector.broadcast %broadcast_in_dim3A_55 : vector<1x1xf32> to vector<1x16xf32>
    %broadcast_in_dim3A_57 = vector.broadcast %select_n3A : f32 to vector<1x16xf32>
    %concatenate3A_58 = tpu.concatenate %broadcast_in_dim3A_56, %broadcast_in_dim3A_57 in 0 : vector<1x16xf32>, vector<1x16xf32> -> vector<2x16xf32>
    %swap3A_59 = arith.constant 0 : index
    %swap3A_60 = arith.constant 0 : index
    %swap3A_61 = vector.load %arg6[%swap3A_59, %swap3A_60] : memref<2x16xf32, #tpu.memory_space<vmem>>, vector<2x16xf32>
    tpu.vector_store %arg6[%swap3A_59, %swap3A_60], %concatenate3A_58 {strides = array<i32>} : memref<2x16xf32, #tpu.memory_space<vmem>>, vector<2x16xf32>,
    return
  }
}

</mosaic_0001>

<sc_bundles>
// kernel: kernel.5.cloned.1.call-start
scs
__scs_entry_jumppad:
0x0: {  	(pc) =	sbr.rel $0x88, $3  }
0x1: {  	(tag) =	ssettag $0x0;
	lr =	simm.s32 $0x1  }
0x2: {  	[smem:$0x3F9A] =	sst lr;
	_ =	strace $0xD0000000  }
0x3: {  	_ = 	snop  }
0x4: {  	_ = 	snop  }
0x5: {  	_ = 	snop  }
0x6: {  	_ = 	snop  }
0x7: {  	_ = 	snop  }
__scs_overlays_trampoline_lowered:
0x8: {  	[smem:$0x3FA9] =	sst s0  }
0x9: {  	[smem:$0x3FAA] =	sst s1  }
0xa: {  	[smem:$0x3FAB] =	sst s2  }
0xb: {  	[smem:$0x3FAC] =	sst s3  }
0xc: {  	[smem:$0x3FAD] =	sst s4  }
0xd: {  	[smem:$0x3FAE] =	sst s5  }
0xe: {  	[smem:$0x3FAF] =	sst s6  }
0xf: {  	[smem:$0x3FB0] =	sst s7  }
0x10: {  	[smem:$0x3FB1] =	sst s8  }
0x11: {  	[smem:$0x3FB2] =	sst s9;
	s0 =	simm.s32 @!p0 $0x0  }
0x12: {  	s1 =	sld [smem:$0x3F98];
	s0 =	simm.s32 @p0 $0x1  }
0x13: {  	[smem:$0x3FB3] =	sst s0;
	s0 =	simm.s32 @!p1 $0x0  }
0x14: {  	s2 =	sld [smem:$0x3F97];
	s0 =	simm.s32 @p1 $0x1  }
0x15: {  	[smem:$0x3FB4] =	sst s0;
	s0 =	simm.s32 @!p2 $0x0  }
0x16: {  	s3 =	sld [smem:$0x3FDB];
	s0 =	simm.s32 @p2 $0x1  }
0x17: {  	s4 =	simm.s32 $0x1BF5;
	[smem:$0x3FB6] =	sst s0  }
0x18: {  	s0 =	sld [smem:$0x3F99];
	_ =	swait.ge [sflag:s4], $0x0  }
0x19: {  	s7 =	sld [smem:$0x3F9A]  }
0x1a: {  	s8 =	sadd.s32 $0xFFFFE003, lr  }
0x1b: {  	s9 =	sadd.s32 $0xFFFFFEF7, lr;
	s5 =	simm.s32 $0xFFFFFFFF;
	p2 =	slt.u32 s8, $0xFFFFF086  }
0x1c: {  	p1 =	slt.u32 s9, $0xF7A;
	s5 =	simm.s32 @!p2 $0x0  }
0x1d: {  	s5 =	simm.s32 @p1 $0x1;
	p0 =	seq.s32 s7, s2  }
0x1e: {  	s7 =	smul.u32 @!p0 $0xF7A, s2;
	p2 =	seq.s32 @!p0 s5, $0x0  }
0x1f: {  	s9 =	smul.u32 $0xF7A, s1;
	s8 =	simm.s32 @!p0 $0x1BF5;
	p2 =	por !p2, p0  }
0x20: {  	[sflag:s8] =	ssyncset.s32 @!p0 $0xFFFFF086;
	s6 =	sadd.s32 @!p0 s3, s7;
	s7 =	simm.s32 @!p0 $0x108  }
0x21: {  	s3 =	sadd.s32 s3, s9;
	s6 =	sadd.s32 @!p0 $0x88, s6;
	s7 =	simm.s32 @p2 $0x1082  }
0x22: {  	[simem:s7], [sflag:s8] =	dma.local @!p0 [hbm:s6], $0xF7A  }
0x23: {  	s9 =	sor.u32 $0xD0000000, s2;
	s6 =	simm.s32 $0x108;
	_ =	swait.ge @!p0 [sflag:s8], $0x0  }
0x24: {  	s3 =	sadd.s32 $0x88, s3;
	s6 =	simm.s32 @!p1 $0x1082;
	[sflag:s4] =	ssyncset.s32 $0xFFFFF086  }
0x25: {  	[simem:s6], [sflag:s4] =	dma.local [hbm:s3], $0xF7A  }
0x26: {  	[smem:$0x3F9A] =	sst s1;
	(tag) =	ssettag s2;
	_ =	strace s9  }
0x27: {  	s1 =	sld [smem:$0x3FAA]  }
0x28: {  	s2 =	sld [smem:$0x3FAB]  }
0x29: {  	s4 =	sld [smem:$0x3FAD]  }
0x2a: {  	p0 =	seq.s32 s5, $0x0;
	s5 =	sld [smem:$0x3FAE]  }
0x2b: {  	s6 =	sld [smem:$0x3FAF]  }
0x2c: {  	s7 =	sld [smem:$0x3FB0]  }
0x2d: {  	s3 =	simm.s32 $0x108;
	s8 =	sld [smem:$0x3FB1]  }
0x2e: {  	s3 =	simm.s32 @!p0 $0x1082;
	s9 =	sld [smem:$0x3FB2]  }
0x2f: {  	lr =	sadd.s32 s0, s3;
	s0 =	sld [smem:$0x3FA9]  }
0x30: {  	s3 =	sld [smem:$0x3FAC]  }
0x31: {  	[smem:$0x3FB5] =	sst s10  }
0x32: {  	s10 =	sld [smem:$0x3FB3];
	_ =	sdelay $0x3  }
0x33: {  	p0 =	seq.s32 s10, $0x1;
	s10 =	sld [smem:$0x3FB5];
	_ =	sdelay $0x3  }
0x34: {  	[smem:$0x3FB5] =	sst s10  }
0x35: {  	s10 =	sld [smem:$0x3FB4];
	_ =	sdelay $0x3  }
0x36: {  	p1 =	seq.s32 s10, $0x1;
	s10 =	sld [smem:$0x3FB5];
	_ =	sdelay $0x3  }
0x37: {  	[smem:$0x3FB5] =	sst s10  }
0x38: {  	s10 =	sld [smem:$0x3FB6]  }
0x39: {  	_ = 	snop;
	(pc) =	sbr.ind lr, $3  }
0x3a: {  	_ = 	snop  }
0x3b: {  	_ = 	snop  }
0x3c: {  	p2 =	seq.s32 s10, $0x1;
	s10 =	sld [smem:$0x3FB5]  }
0x3d: {  	_ =	shalt  }
0x3e: {  	_ =	shalt  }
0x3f: {  	_ =	shalt  }
0x40: {  	_ =	shalt  }
0x41: {  	_ =	shalt  }
0x42: {  	_ =	shalt  }
0x43: {  	_ =	shalt  }
0x44: {  	_ =	shalt  }
0x45: {  	_ =	shalt  }
0x46: {  	_ =	shalt  }
0x47: {  	_ =	shalt  }
0x48: {  	_ =	shalt  }
0x49: {  	_ =	shalt  }
0x4a: {  	_ =	shalt  }
0x4b: {  	_ =	shalt  }
0x4c: {  	_ =	shalt  }
0x4d: {  	_ =	shalt  }
0x4e: {  	_ =	shalt  }
0x4f: {  	_ =	shalt  }
0x50: {  	_ =	shalt  }
0x51: {  	_ =	shalt  }
0x52: {  	_ =	shalt  }
0x53: {  	_ =	shalt  }
0x54: {  	_ =	shalt  }
0x55: {  	_ =	shalt  }
0x56: {  	_ =	shalt  }
0x57: {  	_ =	shalt  }
0x58: {  	_ =	shalt  }
0x59: {  	_ =	shalt  }
0x5a: {  	_ =	shalt  }
0x5b: {  	_ =	shalt  }
0x5c: {  	_ =	shalt  }
0x5d: {  	_ =	shalt  }
0x5e: {  	_ =	shalt  }
0x5f: {  	_ =	shalt  }
0x60: {  	_ =	shalt  }
0x61: {  	_ =	shalt  }
0x62: {  	_ =	shalt  }
0x63: {  	_ =	shalt  }
0x64: {  	_ =	shalt  }
0x65: {  	_ =	shalt  }
0x66: {  	_ =	shalt  }
0x67: {  	_ =	shalt  }
0x68: {  	_ =	shalt  }
0x69: {  	_ =	shalt  }
0x6a: {  	_ =	shalt  }
0x6b: {  	_ =	shalt  }
0x6c: {  	_ =	shalt  }
0x6d: {  	_ =	shalt  }
0x6e: {  	_ =	shalt  }
0x6f: {  	_ =	shalt  }
0x70: {  	_ =	shalt  }
0x71: {  	_ =	shalt  }
0x72: {  	_ =	shalt  }
0x73: {  	_ =	shalt  }
0x74: {  	_ =	shalt  }
0x75: {  	_ =	shalt  }
0x76: {  	_ =	shalt  }
0x77: {  	_ =	shalt  }
0x78: {  	_ =	shalt  }
0x79: {  	_ =	shalt  }
0x7a: {  	_ =	shalt  }
0x7b: {  	_ =	shalt  }
0x7c: {  	_ =	shalt  }
0x7d: {  	_ =	shalt  }
0x7e: {  	_ =	shalt  }
0x7f: {  	_ =	shalt  }
0x80: {  	_ =	shalt  }
0x81: {  	_ =	shalt  }
0x82: {  	_ =	shalt  }
0x83: {  	_ =	shalt  }
0x84: {  	_ =	shalt  }
0x85: {  	_ =	shalt  }
0x86: {  	_ =	shalt  }
0x87: {  	_ =	shalt  }
.Lfunc_end0:
.L_simem_size_0:
called_computation_lowered:
.L_overlay_start_0:
0x88: {  	s2 =	sld [smem:$0x3FD9]  }
0x89: {  	s3 =	sld [smem:$0x3FFE];
	_ =	sdelay $0x1  }
0x8a: {  	s1 =	srdreg.scid  }
0x8b: {  	s0 =	sand.u32 $0x1, s1  }
0x8c: {  	s17 =	sshll.u32 s0, $0xA;
	s2 =	sadd.s32 s3, s2  }
0x8d: {  	s2 =	sadd.s32 s2, s17  }
0x8e: {  	[smem:$0x3FC1] =	sst s2  }
0x8f: {  	_ = 	snop  }
0x90: {  	s2 =	sld [smem:$0x3FC8]  }
0x91: {  	s18 =	sld [smem:$0x3FC7]  }
0x92: {  	s4 =	sld [smem:$0x3FD0];
	(tm) =	ssettm $0x1  }
0x93: {  	s5 =	sld [smem:$0x3FFB];
	_ =	sdelay $0x3  }
0x94: {  	_ =	strace s5  }
0x95: {  	s5 =	sld [smem:$0x3FFC];
	_ =	sdelay $0x3  }
0x96: {  	_ =	strace s5  }
0x97: {  	s5 =	sld [smem:$0x3FFD];
	_ =	sdelay $0x3  }
0x98: {  	_ =	strace s5  }
0x99: {  	_ =	strace $0x8FFFFFFF  }
0x9a: {  	s19 =	sld [smem:$0x3FDB];
	_ =	sdelay $0x1  }
0x9b: {  	s6 =	simm.s32 $_scs_section_size  }
0x9c: {  	s7 =	simm.s32 $_size__tile_overlayer_lowered;
	s8 =	simm.s32 $_tile_overlayer_lowered  }
0x9d: {  	s22 =	simm.s32 $0x1BFF;
	s21 =	sshll.u32 s8, $0x1;
	s5 =	sadd.s32 s6, s19  }
0x9e: {  	s9 =	simm.s32 $0x0;
	s20 =	sshll.u32 s7, $0x1;
	s7 =	sadd.s32 s21, s5  }
0x9f: {  	[timem:s9], [sflag:s22] =	dma.local [hbm:s7], s20  }
0xa0: {  	_ =	swait.ge [sflag:s22], s20  }
0xa1: {  	s6 =	ssub.s32 $0x0, s20;
	[sflag:s22] =	ssyncset.done $0x0  }
0xa2: {  	[sflag:s22] =	ssyncadd.s32 s6;
	_ =	sdelay $0x1  }
0xa3: {  	s23 =	simm.s32 $0x1B8B  }
0xa4: {  	_ =	swait.ge [sflag:s23], $0x1  }
0xa5: {  	[sflag:s23] =	ssyncset.done $0x0  }
0xa6: {  	s25 =	simm.s32 $0x1B8E;
	s24 =	sld [smem:$0x3FFE];
	[sflag:s23] =	ssyncadd.s32 $0xFFFFFFFF  }
0xa7: {  	s26 =	simm.s32 $execute0_lowered;
	[smem:$0x3FD2] =	sst s25  }
0xa8: {  	s7 =	sshll.u32 s26, $0x1;
	_ =	strace $0x80000046;
	[dreg:$0x1] =	wrdreg $0xFFFFFFFF  }
0xa9: {  	s28 =	simm.s32 $_size_execute0_lowered;
	s5 =	sadd.s32 s5, s7;
	[dreg:$0x0] =	wrdreg $0x0  }
0xaa: {  	s7 =	sshll.u32 s28, $0x1;
	[dreg:$0x2] =	wrdreg s5  }
0xab: {  	[dreg:$0x3] =	wrdreg s7  }
0xac: {  	[dreg:$0x4] =	wrdreg $0xC0  }
0xad: {  	_ =	task [dreg:s9], $0x5FFFF  }
0xae: {  	[dreg:$0x1] =	wrdreg $0xFFFFFFFF  }
0xaf: {  	[dreg:$0x0] =	wrdreg $0x60  }
0xb0: {  	[dreg:$0x2] =	wrdreg s2  }
0xb1: {  	[dreg:$0x3] =	wrdreg s18  }
0xb2: {  	[dreg:$0x4] =	wrdreg s4  }
0xb3: {  	[dreg:$0x5] =	wrdreg s24  }
0xb4: {  	[dreg:$0x6] =	wrdreg $0x9  }
0xb5: {  	_ =	task.clear_ibuf [dreg:s9], $0x7FFFF;
	_ =	strace $0x90000046  }
0xb6: {  	s29 =	simm.s32 $0x9;
	_ =	strace $0x80000048  }
0xb7: {  	_ =	swait.ge [sflag:s29], $0x1  }
0xb8: {  	[sflag:s29] =	ssyncadd.s32 $0xFFFFFFFF  }
0xb9: {  	_ =	strace $0x90000048  }
0xba: {  	_ =	sfence  }
0xbb: {  	s30 =	sld [smem:$0x0];
	_ =	sdelay $0x2  }
0xbc: {  	s31 =	sshll.u32 s1, $0xD;
	s1 =	sshrl.u32 s1, $0x2  }
0xbd: {  	s3 =	sand.u32 $0x4000, s31;
	s1 =	sadd.s32 s1, s30  }
0xbe: {  	s0 =	sor.u32 s3, s0;
	s1 =	sshll.u32 s1, $0x11  }
0xbf: {  	s0 =	sor.u32 s1, s0  }
0xc0: {  	s0 =	sadd.s32 $0x8F2B, s0  }
0xc1: {  	[sflag:s0] =	ssyncadd.remote.s32 $0x1  }
0xc2: {  	_ =	sfence.sel $0xFFFF  }
0xc3: {  	[dreg:$0x0] =	wrdreg $0xFFFFFFFF;
	(pc) =	sbr.abs _section_cstart, $3  }
0xc4: {  	[dreg:$0x1] =	wrdreg $0xFFFFFFFF  }
0xc5: {  	_ =	task.clear_ibuf [dreg:s9], $0x2FFFF;
	_ =	strace $0x9FFFFFFF  }
0xc6: {  	(tm) =	ssettm $0x7FFFFFFF  }
0xc7: {  	_ =	shalt  }
tec
execute0_lowered:
.L_overlay_start_1:
0x0: {  	(tag) =	ssettag $0x1  }
0x1: {  	s1 =	rddreg [dreg:$0x0]  }
0x2: {  	s2 =	rddreg [dreg:$0x1]  }
0x3: {  	s0 =	srdreg.scid;
	s9 =	rddreg [dreg:$0x2]  }
0x4: {  	s5 =	rddreg [dreg:$0x3];
	s3 =	stileid.u32;
	s10 =	simm.s32 $0x0  }
0x5: {  	s4 =	sand.u32 $0x1, s0;
	[smem:$0x7FF] =	sst s10;
	s22 =	sadd.s32 $0x1C00, s5  }
0x6: {  	s23 =	sadd.s32 $0x1E00, s1;
	_ =	strace $0x80000047;
	[dreg:$0x5] =	wrdreg s22  }
0x7: {  	s24 =	sadd.s32 $0xF00, s2;
	s26 =	sadd.s32 $0x10, s9;
	[dreg:$0x6] =	wrdreg s23  }
0x8: {  	v0 =	vimm.s32 $0xFFEDCBA9;
	s28 =	sadd.s32 $0x1C10, s5;
	s0 =	sshll.u32 s4, $0x4;
	[dreg:$0x7] =	wrdreg s24  }
0x9: {  	v1 =	vimm.s32 $0x87654321;
	v2 =	vimm.s32 $0xEDCBA987;
	v3 =	vimm.s32 $0x65432100;
	s4 =	ssub.s32 $0x2, s4;
	[dreg:$0xa] =	wrdreg s26;
	s0 =	sor.u32 s3, s0  }
0xa: {  	v5 =	vimm.s32 $0xECA86420;
	vm1 =	vcmask $0xB08;
	vm2 =	vcmask $0x1310;
	[dreg:$0xb] =	wrdreg s28;
	s7 =	sshrl.u32 s4, $0x1;
	s6 =	smul.u32 $0x1800, s0  }
0xb: {  	vm3 =	vcmask $0x1B18;
	vm5 =	vcmask $0x300;
	vm7 =	vcmask $0x2B28;
	s4 =	ssub.s32 s4, s7;
	s7 =	sadd.s32 $0x10, s1;
	s8 =	sshll.u32 s0, $0x8  }
0xc: {  	vm8 =	vcmask $0x3330;
	vm6 =	vcmask $0x3B38;
	vm9 =	vmmov $0xff;
	s25 =	sshll.u32 s0, $0x7;
	p0 =	sgt.u32 s0, $0x1D;
	s1 =	sadd.s32 s1, s8  }
0xd: {  	v0 =	vunpack.c.l.s4.s8 v0;
	v1 =	vunpack.c.l.s4.s8 v1;
	v2 =	vunpack.c.l.s4.s8 v2;
	p3 =	slt.u32 s0, $0x1E;
	s31 =	smax.u32 s4, $0x1;
	[dreg:$0x8] =	wrdreg s1  }
0xe: {  	v7 =	vimm.s32 $0x0;
	vm12 =	vcmask $0x704;
	v3 =	vunpack.c.l.s4.s8 v3;
	s6 =	sadd.s32 s6, s5;
	s1 =	sadd.s32 s2, s25;
	[dreg:$0xe] =	wrdreg s31  }
0xf: {  	v4 =	vunpack.c.0.s8.s32 v0;
	v1 =	vunpack.c.0.s8.s32 v1;
	v2 =	vunpack.c.0.s8.s32 v2;
	p2 =	sne.s32 @p0 s0, $0x1E;
	[dreg:$0x9] =	wrdreg s1;
	s29 =	sadd.s32 $0x1E00, s6  }
0x10: {  	vm14 =	vcmask $0x1714;
	v5 =	vunpack.c.l.s4.s8 v5;
	v3 =	vunpack.c.0.s8.s32 v3;
	p1 =	por p2, !p0;
	s30 =	sadd.s32 $0x31E00, s6;
	[dreg:$0xc] =	wrdreg s29  }
0x11: {  	v0 =	vimm.f32 $0.0e+00;
	v4 =	vcombine.low v1, v4;
	v2 =	vand.u32 $0xF, v2;
	p2 =	por !p2, !p0;
	s1 =	sadd.s32 @!p1 $0x1E00, s7;
	[dreg:$0xd] =	wrdreg s30  }
0x12: {  	v5 =	vunpack.c.0.s8.s32 v5;
	v1 =	vlaneseq.u32;
	v2 =	vcombine.low v3, v2;
	s5 =	simm.s32 $0xC00;
	[dreg:$0xf] =	wrdreg s1;
	s1 =	sadd.s32 @!p0 s8, s7  }
0x13: {  	v6 =	vmul.u32 $0x2, v1;
	s2 =	simm.s32 $0x0;
	v3 =	vand.u32 $0xF, v4;
	v4 =	vor.u32 $0x80000000, v1;
	s6 =	simm.s32 $0xD00;
	[dreg:$0x10] =	wrdreg s1  }
.LBB2_1:
0x14: {  	[dreg:$0x11] =	wrdreg s2  }
0x15: {  	s0 =	simm.s32 @!p1 $0x80;
	s3 =	rddreg [dreg:$0x6]  }
0x16: {  	s1 =	simm.s32 @!p1 $0x100;
	s2 =	simm.s32 @!p1 $0x0;
	s7 =	rddreg [dreg:$0x5]  }
0x17: {  	[tilespmem:s2], [sflag:$0x1] =	stream.strided.gather @!p1 [hbm4b:s3+s0], $0x280, s1, s0, $0x38;
	[tilespmem:$0x18F00] =	vst v63  }
0x18: {  	s4 =	simm.s32 @!p1 $0x400;
	s3 =	rddreg [dreg:$0xf]  }
0x19: {  	[tilespmem:s4], [sflag:$0x1] =	stream.strided.gather @!p1 [hbm4b:s3+s0], $0x280, s1, s0, $0x38;
	[tilespmem:$0x18F00] =	vst v63  }
0x1a: {  	s1 =	rddreg [dreg:$0x7]  }
0x1b: {  	s0 =	simm.s32 @!p1 $0x800;
	s3 =	rddreg [dreg:$0x8]  }
0x1c: {  	[tilespmem:s0], [sflag:$0x1] =	stream.linear.gather @!p1 [hbm4b:s1+s2], $0x280, $0x38;
	[tilespmem:$0x18F00] =	vst v63  }
0x1d: {  	s0 =	simm.s32 @!p0 $0x80;
	s1 =	simm.s32 @!p0 $0x100;
	s2 =	simm.s32 @!p0 $0x0  }
0x1e: {  	[tilespmem:s2], [sflag:$0x1] =	stream.strided.gather @!p0 [hbm4b:s3+s0], $0x400, s1, s0, $0x38;
	[tilespmem:$0x18F00] =	vst v63  }
0x1f: {  	s4 =	simm.s32 @!p0 $0x400;
	s3 =	rddreg [dreg:$0x10]  }
0x20: {  	[tilespmem:s4], [sflag:$0x1] =	stream.strided.gather @!p0 [hbm4b:s3+s0], $0x400, s1, s0, $0x38;
	[tilespmem:$0x18F00] =	vst v63  }
0x21: {  	s0 =	simm.s32 @!p0 $0x800;
	s1 =	rddreg [dreg:$0x9]  }
0x22: {  	[tilespmem:s0], [sflag:$0x1] =	stream.linear.gather @!p0 [hbm4b:s1+s2], $0x400, $0x38;
	[tilespmem:$0x18F00] =	vst v63  }
0x23: {  	s3 =	simm.s32 $0x80;
	s4 =	simm.s32 $0x100;
	s2 =	rddreg [dreg:$0x2]  }
0x24: {  	[tilespmem:s5], [sflag:$0x1] =	stream.strided.gather [hbm4b:s2+s3], $0x100, s4, s3, $0x38;
	[tilespmem:$0x18F00] =	vst v63  }
0x25: {  	s5 =	rddreg [dreg:$0xa]  }
0x26: {  	[tilespmem:s6], [sflag:$0x1] =	stream.strided.gather [hbm4b:s5+s3], $0x100, s4, s3, $0x38;
	[tilespmem:$0x18F00] =	vst v63  }
0x27: {  	s8 =	simm.s32 $0xE00;
	s12 =	sand.u32 $0xF800, s10;
	s13 =	sand.u32 $0x200, s10  }
0x28: {  	[tilespmem:s8], [sflag:$0x1] =	stream.linear.gather [hbm4b:s7+s10], $0x80, $0x38;
	[tilespmem:$0x18F00] =	vst v63  }
0x29: {  	s9 =	rddreg [dreg:$0xb];
	s11 =	simm.s32 $0xE80;
	s0 =	sor.u32 s13, s12  }
0x2a: {  	[tilespmem:s11], [sflag:$0x1] =	stream.linear.gather [hbm4b:s9+s10], $0x80, $0x38;
	[tilespmem:$0x18F00] =	vst v63  }
0x2b: {  	[tilespmem:s0+$0xF70] =	vst v0  }
0x2c: {  	[tilespmem:s0+$0xF40] =	vst v0  }
0x2d: {  	[tilespmem:s0+$0xF50] =	vst v0  }
0x2e: {  	[tilespmem:s0+$0xF60] =	vst v0  }
0x2f: {  	[tilespmem:s0+$0xCF70] =	vst v0  }
0x30: {  	[tilespmem:s0+$0xCF60] =	vst v0  }
0x31: {  	[tilespmem:s0+$0xCF50] =	vst v0  }
0x32: {  	[tilespmem:s0+$0xCF40] =	vst v0  }
0x33: {  	[tilespmem:s0+$0xF30] =	vst v0  }
0x34: {  	[tilespmem:s0+$0xCF20] =	vst v0  }
0x35: {  	[tilespmem:s0+$0xF20] =	vst v0  }
0x36: {  	p5 =	por $0x0, $0x0;
	s1 =	simm.s32 $0x1;
	[tilespmem:s0+$0xCF10] =	vst v0  }
0x37: {  	s1 =	simm.s32 @!p5 $0x0;
	[tilespmem:s0+$0xF10] =	vst v0  }
0x38: {  	s1 =	sshll.u32 s1, $0x9;
	[tilespmem:s0+$0xCF00] =	vst v0  }
0x39: {  	s1 =	sadd.s32 $0x0, s1;
	[tilespmem:s0+$0xCF30] =	vst v0  }
0x3a: {  	s14 =	sor.u32 $0x400, s1;
	[tilespmem:s0+$0xF00] =	vst v0  }
0x3b: {  	[tilespmem:s14+$0xF00] =	vst v0  }
0x3c: {  	s15 =	sor.u32 $0x410, s1;
	[tilespmem:s14+$0xCF00] =	vst v0  }
0x3d: {  	[tilespmem:s15+$0xF00] =	vst v0  }
0x3e: {  	s16 =	sor.u32 $0x420, s1;
	[tilespmem:s15+$0xCF00] =	vst v0  }
0x3f: {  	[tilespmem:s16+$0xF00] =	vst v0  }
0x40: {  	s17 =	sor.u32 $0x430, s1;
	[tilespmem:s16+$0xCF00] =	vst v0  }
0x41: {  	[tilespmem:s17+$0xF00] =	vst v0  }
0x42: {  	[tilespmem:s17+$0xCF00] =	vst v0  }
0x43: {  	[tilespmem:s0+$0xFC0] =	vst v0  }
0x44: {  	[tilespmem:s0+$0xCFF0] =	vst v0  }
0x45: {  	[tilespmem:s0+$0xCFE0] =	vst v0  }
0x46: {  	[tilespmem:s0+$0xFF0] =	vst v0  }
0x47: {  	[tilespmem:s0+$0xFE0] =	vst v0  }
0x48: {  	[tilespmem:s0+$0xCFD0] =	vst v0  }
0x49: {  	[tilespmem:s0+$0xFD0] =	vst v0  }
0x4a: {  	[tilespmem:s0+$0xCFC0] =	vst v0  }
0x4b: {  	[tilespmem:s0+$0xFB0] =	vst v0  }
0x4c: {  	[tilespmem:s0+$0xCFB0] =	vst v0  }
0x4d: {  	[tilespmem:s0+$0xFA0] =	vst v0  }
0x4e: {  	[tilespmem:s0+$0xCF90] =	vst v0  }
0x4f: {  	[tilespmem:s0+$0xCFA0] =	vst v0  }
0x50: {  	[tilespmem:s0+$0xCF80] =	vst v0  }
0x51: {  	s18 =	sadd.s32 $0x80, s1;
	[tilespmem:s0+$0xF90] =	vst v0  }
0x52: {  	s19 =	sor.u32 $0x400, s18;
	[tilespmem:s0+$0xF80] =	vst v0  }
0x53: {  	[tilespmem:s19+$0xF00] =	vst v0  }
0x54: {  	s20 =	sor.u32 $0x410, s18;
	[tilespmem:s19+$0xCF00] =	vst v0  }
0x55: {  	[tilespmem:s20+$0xF00] =	vst v0  }
0x56: {  	s21 =	sor.u32 $0x420, s18;
	[tilespmem:s20+$0xCF00] =	vst v0  }
0x57: {  	[tilespmem:s21+$0xF00] =	vst v0  }
0x58: {  	s2 =	sor.u32 $0x430, s18;
	[tilespmem:s21+$0xCF00] =	vst v0  }
0x59: {  	[tilespmem:s2+$0xF00] =	vst v0  }
0x5a: {  	[tilespmem:s2+$0xCF00] =	vst v0  }
0x5b: {  	[tilespmem:s0+$0x1070] =	vst v0  }
0x5c: {  	[tilespmem:s0+$0x1060] =	vst v0  }
0x5d: {  	[tilespmem:s0+$0x1050] =	vst v0  }
0x5e: {  	[tilespmem:s0+$0x1040] =	vst v0  }
0x5f: {  	[tilespmem:s0+$0xD070] =	vst v0  }
0x60: {  	[tilespmem:s0+$0xD050] =	vst v0  }
0x61: {  	[tilespmem:s0+$0xD060] =	vst v0  }
0x62: {  	[tilespmem:s0+$0xD040] =	vst v0  }
0x63: {  	[tilespmem:s0+$0xD030] =	vst v0  }
0x64: {  	[tilespmem:s0+$0x1030] =	vst v0  }
0x65: {  	[tilespmem:s0+$0xD010] =	vst v0  }
0x66: {  	[tilespmem:s0+$0xD020] =	vst v0  }
0x67: {  	[tilespmem:s0+$0xD000] =	vst v0  }
0x68: {  	[tilespmem:s0+$0x1010] =	vst v0  }
0x69: {  	s22 =	sadd.s32 $0x100, s1;
	[tilespmem:s0+$0x1020] =	vst v0  }
0x6a: {  	s23 =	sor.u32 $0x400, s22;
	[tilespmem:s0+$0x1000] =	vst v0  }
0x6b: {  	[tilespmem:s23+$0xF00] =	vst v0  }
0x6c: {  	s24 =	sor.u32 $0x410, s22;
	[tilespmem:s23+$0xCF00] =	vst v0  }
0x6d: {  	[tilespmem:s24+$0xF00] =	vst v0  }
0x6e: {  	s25 =	sor.u32 $0x420, s22;
	[tilespmem:s24+$0xCF00] =	vst v0  }
0x6f: {  	[tilespmem:s25+$0xF00] =	vst v0  }
0x70: {  	s2 =	sor.u32 $0x430, s22;
	[tilespmem:s25+$0xCF00] =	vst v0  }
0x71: {  	[tilespmem:s2+$0xF00] =	vst v0  }
0x72: {  	[tilespmem:s2+$0xCF00] =	vst v0  }
0x73: {  	[tilespmem:s0+$0x10C0] =	vst v0  }
0x74: {  	[tilespmem:s0+$0xD0E0] =	vst v0  }
0x75: {  	[tilespmem:s0+$0x10F0] =	vst v0  }
0x76: {  	[tilespmem:s0+$0xD0F0] =	vst v0  }
0x77: {  	[tilespmem:s0+$0x10E0] =	vst v0  }
0x78: {  	[tilespmem:s0+$0xD0D0] =	vst v0  }
0x79: {  	[tilespmem:s0+$0x10D0] =	vst v0  }
0x7a: {  	[tilespmem:s0+$0xD0C0] =	vst v0  }
0x7b: {  	[tilespmem:s0+$0x10B0] =	vst v0  }
0x7c: {  	[tilespmem:s0+$0xD0B0] =	vst v0  }
0x7d: {  	[tilespmem:s0+$0x1090] =	vst v0  }
0x7e: {  	[tilespmem:s0+$0xD080] =	vst v0  }
0x7f: {  	[tilespmem:s0+$0xD0A0] =	vst v0  }
0x80: {  	[tilespmem:s0+$0xD090] =	vst v0  }
0x81: {  	s1 =	sadd.s32 $0x180, s1;
	[tilespmem:s0+$0x10A0] =	vst v0  }
0x82: {  	s26 =	sor.u32 $0x400, s1;
	[tilespmem:s0+$0x1080] =	vst v0  }
0x83: {  	[tilespmem:s26+$0xF00] =	vst v0  }
0x84: {  	s30 =	sor.u32 $0x410, s1;
	[tilespmem:s26+$0xCF00] =	vst v0  }
0x85: {  	p6 =	por @p0 $0x0, $0x0;
	p4 =	por @!p1 $0x1, $0x1;
	[tilespmem:s30+$0xF00] =	vst v0  }
0x86: {  	p4 =	por @!p2 p6, p6;
	p6 =	por @!p0 $0x0, $0x0;
	s31 =	sor.u32 $0x420, s1;
	[tilespmem:s30+$0xCF00] =	vst v0  }
0x87: {  	s28 =	simm.s32 $0x200;
	s29 =	simm.s32 $0x400;
	p4 =	por @!p0 p6, p6;
	[tilespmem:s31+$0xF00] =	vst v0  }
0x88: {  	p5 =	por !p5, !p5;
	s2 =	simm.s32 $0x0;
	s0 =	sor.u32 $0x430, s1;
	[tilespmem:s31+$0xCF00] =	vst v0  }
.LBB2_2:
0x89: {  	s1 =	simm.s32 $0x1  }
0x8a: {  	s4 =	sand.u32 $0xF800, s29;
	s5 =	sand.u32 $0x200, s28;
	[tilespmem:s0+$0xF00] =	vst v0;
	s1 =	simm.s32 @!p5 $0x0  }
0x8b: {  	s2 =	sadd.s32 $0x4, s2;
	s31 =	sor.u32 s5, s4;
	s1 =	sshll.u32 s1, $0x9;
	[tilespmem:s0+$0xCF00] =	vst v0  }
0x8c: {  	p6 =	slt.u32 s2, $0xBC;
	s4 =	sadd.s32 s1, s29;
	[tilespmem:s31+$0xF70] =	vst v0  }
0x8d: {  	[tilespmem:s31+$0xF40] =	vst v0;
	s1 =	sadd.s32 $0x80, s4;
	s0 =	sadd.s32 $0x100, s4;
	s30 =	sadd.s32 $0x180, s4  }
0x8e: {  	[tilespmem:s31+$0xF50] =	vst v0  }
0x8f: {  	[tilespmem:s31+$0xF60] =	vst v0  }
0x90: {  	[tilespmem:s31+$0xCF70] =	vst v0  }
0x91: {  	[tilespmem:s31+$0xCF60] =	vst v0  }
0x92: {  	[tilespmem:s31+$0xCF50] =	vst v0  }
0x93: {  	[tilespmem:s31+$0xCF40] =	vst v0  }
0x94: {  	[tilespmem:s31+$0xF30] =	vst v0  }
0x95: {  	[tilespmem:s31+$0xCF20] =	vst v0  }
0x96: {  	[tilespmem:s31+$0xF20] =	vst v0  }
0x97: {  	[tilespmem:s31+$0xCF10] =	vst v0  }
0x98: {  	[tilespmem:s31+$0xF10] =	vst v0  }
0x99: {  	s5 =	sor.u32 $0x420, s4;
	[tilespmem:s31+$0xCF00] =	vst v0  }
0x9a: {  	[tilespmem:s31+$0xCF30] =	vst v0  }
0x9b: {  	s6 =	sor.u32 $0x400, s4;
	[tilespmem:s31+$0xF00] =	vst v0  }
0x9c: {  	[tilespmem:s6+$0xF00] =	vst v0  }
0x9d: {  	[tilespmem:s6+$0xCF00] =	vst v0;
	s6 =	sor.u32 $0x410, s4  }
0x9e: {  	s4 =	sor.u32 $0x430, s4;
	[tilespmem:s6+$0xF00] =	vst v0  }
0x9f: {  	[tilespmem:s6+$0xCF00] =	vst v0  }
0xa0: {  	[tilespmem:s5+$0xF00] =	vst v0  }
0xa1: {  	[tilespmem:s5+$0xCF00] =	vst v0  }
0xa2: {  	[tilespmem:s4+$0xF00] =	vst v0  }
0xa3: {  	[tilespmem:s4+$0xCF00] =	vst v0  }
0xa4: {  	[tilespmem:s31+$0xFC0] =	vst v0  }
0xa5: {  	[tilespmem:s31+$0xCFF0] =	vst v0  }
0xa6: {  	[tilespmem:s31+$0xCFE0] =	vst v0  }
0xa7: {  	[tilespmem:s31+$0xFF0] =	vst v0  }
0xa8: {  	[tilespmem:s31+$0xFE0] =	vst v0  }
0xa9: {  	[tilespmem:s31+$0xCFD0] =	vst v0  }
0xaa: {  	[tilespmem:s31+$0xFD0] =	vst v0  }
0xab: {  	[tilespmem:s31+$0xCFC0] =	vst v0  }
0xac: {  	[tilespmem:s31+$0xFB0] =	vst v0  }
0xad: {  	[tilespmem:s31+$0xCFB0] =	vst v0  }
0xae: {  	[tilespmem:s31+$0xFA0] =	vst v0  }
0xaf: {  	[tilespmem:s31+$0xCF90] =	vst v0  }
0xb0: {  	[tilespmem:s31+$0xCFA0] =	vst v0  }
0xb1: {  	[tilespmem:s31+$0xCF80] =	vst v0  }
0xb2: {  	[tilespmem:s31+$0xF90] =	vst v0  }
0xb3: {  	s4 =	sor.u32 $0x400, s1;
	[tilespmem:s31+$0xF80] =	vst v0  }
0xb4: {  	[tilespmem:s4+$0xF00] =	vst v0  }
0xb5: {  	[tilespmem:s4+$0xCF00] =	vst v0;
	s4 =	sor.u32 $0x410, s1  }
0xb6: {  	[tilespmem:s4+$0xF00] =	vst v0  }
0xb7: {  	[tilespmem:s4+$0xCF00] =	vst v0;
	s4 =	sor.u32 $0x420, s1  }
0xb8: {  	[tilespmem:s4+$0xF00] =	vst v0  }
0xb9: {  	s1 =	sor.u32 $0x430, s1;
	[tilespmem:s4+$0xCF00] =	vst v0  }
0xba: {  	[tilespmem:s1+$0xF00] =	vst v0  }
0xbb: {  	[tilespmem:s1+$0xCF00] =	vst v0  }
0xbc: {  	[tilespmem:s31+$0x1070] =	vst v0  }
0xbd: {  	[tilespmem:s31+$0x1060] =	vst v0  }
0xbe: {  	[tilespmem:s31+$0x1050] =	vst v0  }
0xbf: {  	[tilespmem:s31+$0x1040] =	vst v0  }
0xc0: {  	[tilespmem:s31+$0xD070] =	vst v0  }
0xc1: {  	[tilespmem:s31+$0xD050] =	vst v0  }
0xc2: {  	[tilespmem:s31+$0xD060] =	vst v0  }
0xc3: {  	[tilespmem:s31+$0xD040] =	vst v0  }
0xc4: {  	[tilespmem:s31+$0xD030] =	vst v0  }
0xc5: {  	[tilespmem:s31+$0x1030] =	vst v0  }
0xc6: {  	[tilespmem:s31+$0xD010] =	vst v0  }
0xc7: {  	[tilespmem:s31+$0xD020] =	vst v0  }
0xc8: {  	[tilespmem:s31+$0xD000] =	vst v0  }
0xc9: {  	[tilespmem:s31+$0x1010] =	vst v0  }
0xca: {  	[tilespmem:s31+$0x1020] =	vst v0  }
0xcb: {  	s1 =	sor.u32 $0x400, s0;
	[tilespmem:s31+$0x1000] =	vst v0  }
0xcc: {  	[tilespmem:s1+$0xF00] =	vst v0  }
0xcd: {  	[tilespmem:s1+$0xCF00] =	vst v0;
	s1 =	sor.u32 $0x410, s0  }
0xce: {  	[tilespmem:s1+$0xF00] =	vst v0  }
0xcf: {  	[tilespmem:s1+$0xCF00] =	vst v0;
	s1 =	sor.u32 $0x420, s0  }
0xd0: {  	[tilespmem:s1+$0xF00] =	vst v0  }
0xd1: {  	s0 =	sor.u32 $0x430, s0;
	[tilespmem:s1+$0xCF00] =	vst v0  }
0xd2: {  	[tilespmem:s0+$0xF00] =	vst v0  }
0xd3: {  	[tilespmem:s0+$0xCF00] =	vst v0  }
0xd4: {  	[tilespmem:s31+$0x10C0] =	vst v0  }
0xd5: {  	[tilespmem:s31+$0xD0E0] =	vst v0  }
0xd6: {  	[tilespmem:s31+$0x10F0] =	vst v0  }
0xd7: {  	[tilespmem:s31+$0xD0F0] =	vst v0  }
0xd8: {  	[tilespmem:s31+$0x10E0] =	vst v0  }
0xd9: {  	[tilespmem:s31+$0xD0D0] =	vst v0  }
0xda: {  	[tilespmem:s31+$0x10D0] =	vst v0  }
0xdb: {  	[tilespmem:s31+$0xD0C0] =	vst v0  }
0xdc: {  	[tilespmem:s31+$0x10B0] =	vst v0  }
0xdd: {  	[tilespmem:s31+$0xD0B0] =	vst v0  }
0xde: {  	[tilespmem:s31+$0x1090] =	vst v0  }
0xdf: {  	[tilespmem:s31+$0xD080] =	vst v0  }
0xe0: {  	[tilespmem:s31+$0xD0A0] =	vst v0  }
0xe1: {  	[tilespmem:s31+$0xD090] =	vst v0  }
0xe2: {  	[tilespmem:s31+$0x10A0] =	vst v0  }
0xe3: {  	s0 =	sor.u32 $0x400, s30;
	[tilespmem:s31+$0x1080] =	vst v0  }
0xe4: {  	[tilespmem:s0+$0xF00] =	vst v0  }
.Ltmp0:
0xe5: {  	[tilespmem:s0+$0xCF00] =	vst v0;
	s0 =	sor.u32 $0x410, s30;
	(pc) =	sbr.rel @p6 .LBB2_2-.Ltmp0, $4  }
0xe6: {  	[tilespmem:s0+$0xF00] =	vst v0  }
0xe7: {  	[tilespmem:s0+$0xCF00] =	vst v0;
	s0 =	sor.u32 $0x420, s30  }
0xe8: {  	p5 =	por !p5, !p5;
	[tilespmem:s0+$0xF00] =	vst v0  }
0xe9: {  	s28 =	sadd.s32 $0x200, s28;
	s29 =	sadd.s32 $0x400, s29;
	[tilespmem:s0+$0xCF00] =	vst v0;
	s0 =	sor.u32 $0x430, s30  }
0xea: {  	[tilespmem:s0+$0xF00] =	vst v0  }
0xeb: {  	[tilespmem:s0+$0xCF00] =	vst v0;
	s0 =	simm.s32 @!p0 $0x1  }
0xec: {  	_ =	swait.ge @!p0 [sflag:s0], $0x400  }
0xed: {  	[sflag:s0] =	ssyncset.done @!p0 $0x0  }
0xee: {  	[sflag:s0] =	ssyncadd.s32 @!p0 $0xFFFFFC00  }
0xef: {  	_ =	swait.ge @!p0 [sflag:s0], $0x400  }
0xf0: {  	[sflag:s0] =	ssyncset.done @!p0 $0x0  }
0xf1: {  	[sflag:s0] =	ssyncadd.s32 @!p0 $0xFFFFFC00  }
0xf2: {  	_ =	swait.ge @!p0 [sflag:s0], $0x400  }
0xf3: {  	[sflag:s0] =	ssyncset.done @!p0 $0x0  }
0xf4: {  	[sflag:s0] =	ssyncadd.s32 @!p0 $0xFFFFFC00;
	s0 =	simm.s32 @p4 $0x1  }
0xf5: {  	_ =	swait.ge @p4 [sflag:s0], $0x280  }
0xf6: {  	[sflag:s0] =	ssyncset.done @p4 $0x0  }
0xf7: {  	[sflag:s0] =	ssyncadd.s32 @p4 $0xFFFFFD80  }
0xf8: {  	_ =	swait.ge @p4 [sflag:s0], $0x280  }
0xf9: {  	[sflag:s0] =	ssyncset.done @p4 $0x0  }
0xfa: {  	[sflag:s0] =	ssyncadd.s32 @p4 $0xFFFFFD80  }
0xfb: {  	_ =	swait.ge @p4 [sflag:s0], $0x280  }
0xfc: {  	[sflag:s0] =	ssyncset.done @p4 $0x0  }
0xfd: {  	s1 =	simm.s32 $0x1;
	[sflag:s0] =	ssyncadd.s32 @p4 $0xFFFFFD80  }
0xfe: {  	_ =	swait.ge [sflag:s1], $0x100  }
0xff: {  	[sflag:s1] =	ssyncset.done $0x0  }
0x100: {  	[sflag:s1] =	ssyncadd.s32 $0xFFFFFF00  }
0x101: {  	_ =	swait.ge [sflag:s1], $0x100  }
0x102: {  	[sflag:s1] =	ssyncset.done $0x0  }
0x103: {  	[sflag:s1] =	ssyncadd.s32 $0xFFFFFF00  }
0x104: {  	_ =	swait.ge [sflag:s1], $0x80  }
0x105: {  	[sflag:s1] =	ssyncset.done $0x0  }
0x106: {  	[sflag:s1] =	ssyncadd.s32 $0xFFFFFF80  }
0x107: {  	_ =	swait.ge [sflag:s1], $0x80  }
0x108: {  	s0 =	simm.s32 $0x261;
	[sflag:s1] =	ssyncset.done $0x0  }
0x109: {  	s0 =	simm.s32 @!p4 $0x0;
	[sflag:s1] =	ssyncadd.s32 $0xFFFFFF80  }
0x10a: {  	s29 =	simm.s32 $0x0;
	s30 =	simm.s32 $0x420;
	s0 =	simm.s32 @p3 $0x400;
	v8 =	vld [tilespmem:$0xE00]  }
0x10b: {  	s31 =	simm.s32 $0x20;
	s2 =	simm.s32 $0x820;
	vm15 =	vcmask $0x2320;
	v10 =	vmov s0;
	s1 =	simm.s32 $0xFFFFFFFC;
	v9 =	vld [tilespmem:$0xE80]  }
.LBB2_4:
0x10c: {  	v11 =	vld [tilespmem:s30+$0xFFFFFFE0];
	_ =	sdelay $0x2  }
0x10d: {  	v12 =	vor.u32 s29, v1;
	v14 =	vld [tilespmem:s31+$0xFFFFFFE0]  }
0x10e: {  	vm10 =	vlt.u32 v12, v10  }
0x10f: {  	v15 =	vnsel vm10, $0x0, v11  }
0x110: {  	v11 =	vmul.u32 $0xC0, v15;
	_ =	sdelay $0x1  }
0x111: {  	v11 =	vadd.s32 v14, v11  }
0x112: {  	v11 =	vxor.u32 $0x80000000, v11  }
0x113: {  	v11 =	vnsel vm10, $0x80008FFF, v11  }
0x114: {  	(xrf1) =	vsort.ascd.msk.u32 $0xffff, v11, v1;
	_ =	sdelay $0xd  }
0x115: {  	v32, v13, _ =	vpop (xrf1)  }
0x116: {  	v11 =	vxor.u32 $0x80000000, v32  }
0x117: {  	(v2sf) =	vpush v11, $0xD;
	_ =	sdelay $0x1  }
0x118: {  	(v2sf) =	vpush v11, $0xC;
	_ =	sdelay $0x1  }
0x119: {  	(v2sf) =	vpush v11, $0xE;
	_ =	sdelay $0x1  }
0x11a: {  	(v2sf) =	vpush v11, $0xF;
	_ =	sdelay $0x1  }
0x11b: {  	(v2sf) =	vpush v11, $0x9;
	_ =	sdelay $0x1  }
0x11c: {  	(v2sf) =	vpush v11, $0x8;
	_ =	sdelay $0x1  }
0x11d: {  	(v2sf) =	vpush v11, $0xA;
	_ =	sdelay $0x1  }
0x11e: {  	(v2sf) =	vpush v11, $0xB  }
0x11f: {  	s0 =	spop (v2sf)  }
0x120: {  	s22 =	smulhi.u32 $0x2AAAAAAB, s0;
	s0 =	sshra.s32 s0, $0x1F  }
0x121: {  	(v2sf) =	vpush v11, $0x0;
	s4 =	spop (v2sf);
	s0 =	smul.u32 $0x2AAAAAAB, s0  }
0x122: {  	s5 =	smulhi.u32 $0x2AAAAAAB, s4;
	s4 =	sshra.s32 s4, $0x1F  }
0x123: {  	(v2sf) =	vpush v11, $0x1;
	s6 =	spop (v2sf);
	s4 =	smul.u32 $0x2AAAAAAB, s4  }
0x124: {  	[dreg:$0x12] =	wrdreg s1;
	(v2sf) =	vpush v11, $0x2;
	s7 =	smulhi.u32 $0x2AAAAAAB, s6;
	s6 =	sshra.s32 s6, $0x1F  }
0x125: {  	(v2sf) =	vpush v11, $0x3;
	s8 =	spop (v2sf);
	s6 =	smul.u32 $0x2AAAAAAB, s6  }
0x126: {  	s3 =	simm.s32 $0xC00;
	(v2sf) =	vpush v11, $0x4;
	s0 =	sadd.s32 s0, s22;
	s9 =	smulhi.u32 $0x2AAAAAAB, s8  }
0x127: {  	s23 =	sshra.s32 s8, $0x1F;
	s24 =	spop (v2sf);
	s22 =	simm.s32 $0xD00;
	(v2sf) =	vpush v11, $0x5  }
0x128: {  	s16 =	sshrl.u32 s0, $0x1F;
	s8 =	smul.u32 $0x2AAAAAAB, s23;
	s21 =	sadd.s32 s4, s5;
	(v2sf) =	vpush v11, $0x6  }
0x129: {  	s25 =	smulhi.u32 $0x2AAAAAAB, s24;
	s1 =	sshra.s32 s24, $0x1F;
	s10 =	spop (v2sf);
	(v2sf) =	vpush v11, $0x7  }
0x12a: {  	v16 =	vnsel vm10, $0x0, v14;
	s11 =	sshrl.u32 s21, $0x1F;
	s26 =	smul.u32 $0x2AAAAAAB, s1;
	s1 =	sadd.s32 s6, s7  }
0x12b: {  	s28 =	smulhi.u32 $0x2AAAAAAB, s10;
	s15 =	sshra.s32 s10, $0x1F;
	s18 =	spop (v2sf)  }
0x12c: {  	s17 =	sshrl.u32 s1, $0x1F;
	s7 =	smul.u32 $0x2AAAAAAB, s15;
	s20 =	sadd.s32 s8, s9  }
0x12d: {  	v33 =	vld [tilespmem:s2+$0xFFFFFFE0];
	s8 =	smulhi.u32 $0x2AAAAAAB, s18;
	s19 =	sshra.s32 s18, $0x1F;
	s23 =	spop (v2sf)  }
0x12e: {  	v15 =	vld.idx.msk [tilespmem:v15+s3+$0x0], $0xffff;
	s10 =	sshrl.u32 s20, $0x1F;
	s12 =	smul.u32 $0x2AAAAAAB, s19;
	s4 =	sadd.s32 s26, s25  }
0x12f: {  	v16 =	vld.idx.msk [tilespmem:v16+s22+$0x0], $0xffff;
	s13 =	smulhi.u32 $0x2AAAAAAB, s23;
	s24 =	sshra.s32 s23, $0x1F;
	s9 =	sshrl.u32 s4, $0x1F  }
0x130: {  	s14 =	smul.u32 $0x2AAAAAAB, s24;
	s5 =	sadd.s32 s7, s28;
	s25 =	spop (v2sf)  }
0x131: {  	s4 =	sshra.s32 s4, $0x5;
	s15 =	smulhi.u32 $0x2AAAAAAB, s25;
	s26 =	sshra.s32 s25, $0x1F  }
0x132: {  	s8 =	sadd.s32 s12, s8;
	s25 =	spop (v2sf);
	s3 =	smul.u32 $0x2AAAAAAB, s26  }
0x133: {  	s28 =	spop (v2sf);
	s22 =	smulhi.u32 $0x2AAAAAAB, s25;
	s24 =	sshra.s32 s25, $0x1F  }
0x134: {  	v34 =	vmul.f32 v33, v8;
	v15 =	vadd.f32 v16, v15;
	s7 =	sadd.s32 s14, s13;
	s25 =	spop (v2sf);
	s18 =	smul.u32 $0x2AAAAAAB, s24  }
0x135: {  	s23 =	smulhi.u32 $0x2AAAAAAB, s28;
	s6 =	sshra.s32 s28, $0x1F;
	s19 =	spop (v2sf)  }
0x136: {  	v15 =	vadd.f32 v15, v34;
	s26 =	sshrl.u32 s5, $0x1F;
	s6 =	smul.u32 $0x2AAAAAAB, s6;
	s24 =	spop (v2sf)  }
0x137: {  	s5 =	sshra.s32 s5, $0x5;
	s13 =	smulhi.u32 $0x2AAAAAAB, s25;
	s12 =	spop (v2sf)  }
0x138: {  	v35 =	vmov s11;
	v16 =	vmul.f32 $2.000000030e-01, v15;
	v19 =	vmov s5;
	s3 =	sadd.s32 s3, s15;
	s11 =	smulhi.u32 $0x2AAAAAAB, s19;
	s28 =	spop (v2sf)  }
0x139: {  	vm11 =	vge.f32 v15, $0.0e+00;
	v19 =	vsel vm1, s4, v19;
	s4 =	sshra.s32 s8, $0x5;
	s15 =	smulhi.u32 $0x2AAAAAAB, s28;
	s14 =	sshra.s32 s28, $0x1F  }
0x13a: {  	v15 =	vsel vm11, v15, v16;
	s18 =	sadd.s32 s18, s22;
	s28 =	sshra.s32 s25, $0x1F;
	s14 =	smul.u32 $0x2AAAAAAB, s14  }
0x13b: {  	v15 =	vsub.f32 v15, v9;
	s19 =	sshra.s32 s19, $0x1F;
	s23 =	sadd.s32 s6, s23;
	s22 =	smul.u32 $0x2AAAAAAB, s28  }
0x13c: {  	vm13 =	vcmask $0xF0C;
	vm4 =	vcmask $0x2320;
	v16 =	vsel vm1, s16, v35;
	s19 =	smul.u32 $0x2AAAAAAB, s19;
	s16 =	sshrl.u32 s23, $0x1F;
	s6 =	sadd.s32 s14, s15  }
0x13d: {  	v40 =	vperm.xlane v11, v2;
	v18 =	vmov s26;
	v15 =	vmul.f32 $1.442695020e+00, v15;
	s26 =	sshra.s32 s23, $0x5;
	s13 =	sadd.s32 s22, s13;
	s22 =	sshra.s32 s6, $0x1F  }
0x13e: {  	vm11 =	vcmask $0x2F2C;
	v18 =	vsel vm1, s9, v18;
	s25 =	sshrl.u32 s8, $0x1F;
	s9 =	sadd.s32 s19, s11;
	v17 =	vmov s22;
	s22 =	sshra.s32 s3, $0x5  }
0x13f: {  	v16 =	vsel vm2, s17, v16;
	(erf) = vpow2.f32 v15;
	s28 =	sshrl.u32 s7, $0x1F;
	s14 =	sshrl.u32 s3, $0x1F;
	s3 =	sshra.s32 s3, $0x1F;
	v36 =	vsel vm5, s22, v17  }
0x140: {  	v16 =	vsel vm3, s10, v16;
	v37 =	vmov s14;
	s14 =	smulhi.u32 $0x2AAAAAAB, s24;
	s22 =	sshra.s32 s24, $0x1F;
	s24 =	sshra.s32 s18, $0x5;
	v15 =	vsel vm12, s3, v36  }
0x141: {  	v19 =	vsel vm2, s4, v19;
	s15 =	sshrl.u32 s18, $0x1F;
	v17 =	vnsel vm5, $0x0, v37;
	s17 =	smul.u32 $0x2AAAAAAB, s22;
	s22 =	sshra.s32 s18, $0x1F;
	v15 =	vsel vm1, s24, v15  }
0x142: {  	v18 =	vsel vm2, s25, v18;
	s25 =	sshra.s32 s21, $0x5;
	v17 =	vsel vm1, s15, v17;
	s24 =	smulhi.u32 $0x2AAAAAAB, s12;
	s12 =	sshra.s32 s12, $0x1F;
	v15 =	vsel vm13, s22, v15  }
0x143: {  	v18 =	vsel vm3, s28, v18;
	s10 =	sshrl.u32 s13, $0x1F;
	v17 =	vsel vm2, s16, v17;
	s16 =	sshra.s32 s23, $0x1F;
	s12 =	smul.u32 $0x2AAAAAAB, s12;
	v15 =	vsel vm2, s26, v15  }
0x144: {  	v38 =	vmov s25;
	s18 =	sshrl.u32 s9, $0x1F;
	v17 =	vsel vm3, s10, v17;
	s22 =	sshra.s32 s13, $0x5;
	v15 =	vsel vm14, s16, v15  }
0x145: {  	s0 =	sshra.s32 s0, $0x5;
	v17 =	vsel vm15, s18, v17;
	vm15 =	vcmask $0x1F1C;
	s11 =	sadd.s32 s12, s24;
	s24 =	sshra.s32 s13, $0x1F;
	v15 =	vsel vm3, s22, v15  }
0x146: {  	s1 =	sshra.s32 s1, $0x5;
	v16 =	vcombine.low v18, v16;
	v18 =	vsel vm1, s0, v38;
	s26 =	sshra.s32 s9, $0x5;
	v15 =	vsel vm15, s24, v15  }
0x147: {  	s8 =	sshra.s32 s20, $0x5;
	s28 =	sshra.s32 s9, $0x1F;
	v18 =	vsel vm2, s1, v18;
	s19 =	sadd.s32 s17, s14;
	v15 =	vsel vm4, s26, v15;
	vm4 =	vcmask $0x2724  }
0x148: {  	v18 =	vsel vm3, s8, v18;
	v16 =	vperm.xlane v16, v5;
	v39 =	vpop (erf);
	s5 =	sshra.s32 s19, $0x5;
	v15 =	vsel vm4, s28, v15  }
0x149: {  	v14 =	vmul.f32 v39, v33;
	vm13 =	vcmask $0x3734;
	s23 =	sshrl.u32 s19, $0x1F;
	s9 =	sshra.s32 s7, $0x5;
	s10 =	sshra.s32 s19, $0x1F;
	v15 =	vsel vm7, s5, v15  }
0x14a: {  	v17 =	vsel vm7, s23, v17;
	v19 =	vsel vm3, s9, v19;
	s13 =	sshra.s32 s11, $0x5;
	v15 =	vsel vm11, s10, v15  }
0x14b: {  	s12 =	sshrl.u32 s11, $0x1F;
	v18 =	vcombine.low v19, v18;
	s15 =	sshra.s32 s11, $0x1F;
	v19 =	vnsel vm10, $0x0, v39;
	v15 =	vsel vm8, s13, v15  }
0x14c: {  	s14 =	sshrl.u32 s6, $0x1F;
	s16 =	sshra.s32 s6, $0x5;
	v17 =	vsel vm8, s12, v17;
	v19 =	vperm.xlane v19, v13;
	v15 =	vsel vm13, s15, v15  }
0x14d: {  	v17 =	vsel vm6, s14, v17;
	v18 =	vperm.xlane v18, v5;
	v15 =	vsel vm6, s16, v15  }
0x14e: {  	v17 =	vperm.xlane v17, v6;
	v15 =	vperm.xlane v15, v6  }
0x14f: {  	v14 =	vnsel vm10, $0x0, v14  }
0x150: {  	vm10 =	veq.s32 v11, v40;
	(xrf2) =	vadd.scan.msk.f32 $0xffff, v19;
	v16 =	vsel vm9, v17, v16;
	v15 =	vsel vm9, v15, v18  }
0x151: {  	v42 =	vsel vm10, $0x80000000, v4;
	v41 =	vadd.s32 v16, v15  }
0x152: {  	v13 =	vperm.xlane v14, v13;
	(xrf0) =	vmax.scan.msk.u32 $0xffff, v42;
	v16 =	vmul.u32 $0xFFFFFF40, v41  }
0x153: {  	v43 =	vsub.s32 $0x0, v11;
	vm10 =	vlt.s32 v11, $0x1;
	vm11 =	vgt.s32 v32, $0xFFFFFFFF  }
0x154: {  	(xrf2) =	vadd.scan.msk.f32 $0xffff, v13;
	vm10 =	vmor vm11, vm10;
	vm11 =	vne.s32 v16, v43  }
0x155: {  	vm10 =	vmand vm10, vm11  }
0x156: {  	v44 =	vsel vm10, $0xFFFFFFFF, v7  }
0x157: {  	v12 =	vadd.s32 v44, v41  }
0x158: {  	v45 =	vperm.xlane v11, v3;
	v46, _, _ =	vpop (xrf0);
	v14 =	vmul.u32 $0xFFFFFF40, v12  }
0x159: {  	v47 =	vxor.u32 $0x80000000, v46  }
0x15a: {  	v19 =	vperm.xlane v19, v47;
	v50, _, _ =	vpop (xrf2);
	vm10 =	vne.s32 v11, v45;
	v11 =	vadd.s32 v11, v14  }
0x15b: {  	v51 =	vperm.xlane v50, v47;
	v48 =	vshll.u32 v12, $0x8;
	v49 =	vshll.u32 v11, $0x3  }
0x15c: {  	v12 =	vshll.u32 v12, $0x7;
	v15 =	vand.u32 $0xFFFFF800, v48;
	v16 =	vand.u32 $0xFFFFFC00, v49  }
0x15d: {  	vm11 =	vcmask $0x3F3C;
	v12 =	vand.u32 $0x380, v12;
	v15 =	vadd.s32 v15, v16  }
0x15e: {  	v52, _, _ =	vpop (xrf2);
	vm10 =	vmor vm10, vm11;
	v11 =	vand.u32 $0x7F, v11;
	v12 =	vor.u32 v12, v15  }
0x15f: {  	v13 =	vperm.xlane v13, v47;
	v53 =	vperm.xlane v52, v47;
	v11 =	vor.u32 v11, v12  }
0x160: {  	v54 =	vsub.f32 v51, v19  }
0x161: {  	v13 =	vsub.f32 v53, v13  }
0x162: {  	v12 =	vsub.f32 v50, v54  }
0x163: {  	s17 =	simm.s32 $0xF00;
	v13 =	vsub.f32 v52, v13  }
0x164: {  	s18 =	simm.s32 $0xCF00;
	[tilespmem:v11+s17+$0x0] =	vst.idx.add.f32.msk vm10, v12  }
0x165: {  	[tilespmem:v11+s18+$0x0] =	vst.idx.add.f32.msk vm10, v13  }
0x166: {  	v11 =	vld [tilespmem:s30+$0xFFFFFFF0];
	_ =	sdelay $0x1  }
0x167: {  	s19 =	sadd.s32 $0x10, s29  }
0x168: {  	v55 =	vor.u32 s19, v1;
	v56 =	vld [tilespmem:s31+$0xFFFFFFF0]  }
0x169: {  	vm10 =	vlt.u32 v55, v10  }
0x16a: {  	v57 =	vnsel vm10, $0x0, v11  }
0x16b: {  	v11 =	vmul.u32 $0xC0, v57;
	_ =	sdelay $0x1  }
0x16c: {  	v11 =	vadd.s32 v56, v11  }
0x16d: {  	v11 =	vxor.u32 $0x80000000, v11  }
0x16e: {  	v11 =	vnsel vm10, $0x80008FFF, v11  }
0x16f: {  	(xrf1) =	vsort.ascd.msk.u32 $0xffff, v11, v1;
	_ =	sdelay $0xd  }
0x170: {  	v59, v58, _ =	vpop (xrf1)  }
0x171: {  	v11 =	vxor.u32 $0x80000000, v59  }
0x172: {  	(v2sf) =	vpush v11, $0xD;
	_ =	sdelay $0x1  }
0x173: {  	(v2sf) =	vpush v11, $0xC;
	_ =	sdelay $0x1  }
0x174: {  	(v2sf) =	vpush v11, $0xE;
	_ =	sdelay $0x1  }
0x175: {  	(v2sf) =	vpush v11, $0xF;
	_ =	sdelay $0x1  }
0x176: {  	(v2sf) =	vpush v11, $0x9;
	_ =	sdelay $0x1  }
0x177: {  	(v2sf) =	vpush v11, $0x8;
	_ =	sdelay $0x2  }
0x178: {  	(v2sf) =	vpush v11, $0xA;
	_ =	sdelay $0x1  }
0x179: {  	(v2sf) =	vpush v11, $0xB;
	s20 =	spop (v2sf)  }
0x17a: {  	s21 =	smulhi.u32 $0x2AAAAAAB, s20;
	s0 =	sshra.s32 s20, $0x1F  }
0x17b: {  	(v2sf) =	vpush v11, $0x0;
	s22 =	spop (v2sf);
	s0 =	smul.u32 $0x2AAAAAAB, s0  }
0x17c: {  	s23 =	smulhi.u32 $0x2AAAAAAB, s22;
	s3 =	sshra.s32 s22, $0x1F  }
0x17d: {  	(v2sf) =	vpush v11, $0x1;
	s24 =	spop (v2sf);
	s3 =	smul.u32 $0x2AAAAAAB, s3  }
0x17e: {  	(v2sf) =	vpush v11, $0x2;
	s25 =	smulhi.u32 $0x2AAAAAAB, s24;
	s5 =	sshra.s32 s24, $0x1F  }
0x17f: {  	(v2sf) =	vpush v11, $0x3;
	s26 =	spop (v2sf);
	s5 =	smul.u32 $0x2AAAAAAB, s5  }
0x180: {  	(v2sf) =	vpush v11, $0x4;
	s28 =	smulhi.u32 $0x2AAAAAAB, s26;
	s12 =	sshra.s32 s26, $0x1F  }
0x181: {  	(v2sf) =	vpush v11, $0x5;
	s0 =	sadd.s32 s0, s21;
	s13 =	spop (v2sf);
	s7 =	smul.u32 $0x2AAAAAAB, s12  }
0x182: {  	(v2sf) =	vpush v11, $0x6;
	s16 =	sshrl.u32 s0, $0x1F;
	s21 =	sadd.s32 s3, s23;
	s14 =	smulhi.u32 $0x2AAAAAAB, s13  }
0x183: {  	(v2sf) =	vpush v11, $0x7;
	s1 =	sshra.s32 s13, $0x1F;
	s18 =	spop (v2sf);
	s23 =	simm.s32 $0xC00  }
0x184: {  	s0 =	sshra.s32 s0, $0x5;
	s11 =	sshrl.u32 s21, $0x1F;
	s15 =	smul.u32 $0x2AAAAAAB, s1  }
0x185: {  	v60 =	vnsel vm10, $0x0, v56;
	s1 =	sadd.s32 s5, s25;
	s19 =	smulhi.u32 $0x2AAAAAAB, s18;
	s20 =	sshra.s32 s18, $0x1F  }
0x186: {  	s22 =	spop (v2sf);
	s25 =	simm.s32 $0xD00;
	s6 =	smul.u32 $0x2AAAAAAB, s20  }
0x187: {  	s20 =	sadd.s32 s7, s28;
	s7 =	smulhi.u32 $0x2AAAAAAB, s22;
	s24 =	sshra.s32 s22, $0x1F  }
0x188: {  	v61 =	vld [tilespmem:s2+$0xFFFFFFF0];
	s17 =	sshrl.u32 s1, $0x1F;
	s26 =	spop (v2sf);
	s8 =	smul.u32 $0x2AAAAAAB, s24  }
0x189: {  	v15 =	vld.idx.msk [tilespmem:v57+s23+$0x0], $0xffff;
	s10 =	sshrl.u32 s20, $0x1F;
	s28 =	smulhi.u32 $0x2AAAAAAB, s26;
	s23 =	sshra.s32 s26, $0x1F  }
0x18a: {  	v16 =	vld.idx.msk [tilespmem:v60+s25+$0x0], $0xffff;
	s4 =	sadd.s32 s15, s14;
	s24 =	spop (v2sf);
	s12 =	smul.u32 $0x2AAAAAAB, s23  }
0x18b: {  	s9 =	sshrl.u32 s4, $0x1F;
	s14 =	smulhi.u32 $0x2AAAAAAB, s24;
	s13 =	sshra.s32 s24, $0x1F  }
0x18c: {  	s25 =	spop (v2sf);
	s5 =	sadd.s32 s6, s19;
	s6 =	smul.u32 $0x2AAAAAAB, s13  }
0x18d: {  	s4 =	sshra.s32 s4, $0x5;
	s26 =	spop (v2sf);
	s18 =	smulhi.u32 $0x2AAAAAAB, s25  }
0x18e: {  	s15 =	sshra.s32 s25, $0x1F;
	s22 =	sshrl.u32 s5, $0x1F;
	s19 =	spop (v2sf)  }
0x18f: {  	v62 =	vmul.f32 v61, v8;
	s8 =	sadd.s32 s8, s7;
	s15 =	smul.u32 $0x2AAAAAAB, s15;
	v15 =	vadd.f32 v16, v15;
	s23 =	spop (v2sf)  }
0x190: {  	s24 =	smulhi.u32 $0x2AAAAAAB, s26;
	s13 =	sshra.s32 s26, $0x1F;
	s25 =	spop (v2sf)  }
0x191: {  	s5 =	sshra.s32 s5, $0x5;
	s13 =	smul.u32 $0x2AAAAAAB, s13;
	v15 =	vadd.f32 v15, v62;
	s26 =	spop (v2sf)  }
0x192: {  	s7 =	sadd.s32 s12, s28;
	s3 =	smulhi.u32 $0x2AAAAAAB, s19;
	s28 =	spop (v2sf)  }
0x193: {  	s14 =	sadd.s32 s6, s14;
	v16 =	vmul.f32 $2.000000030e-01, v15;
	s6 =	smulhi.u32 $0x2AAAAAAB, s28;
	s12 =	sshra.s32 s28, $0x1F  }
0x194: {  	vm0 =	vcmask $0xF0C;
	vm13 =	vmmov vm4;
	s15 =	sadd.s32 s15, s18;
	s13 =	sadd.s32 s13, s24;
	vm11 =	vge.f32 v15, $0.0e+00;
	s12 =	smul.u32 $0x2AAAAAAB, s12  }
0x195: {  	v27 =	vperm.xlane v11, v2;
	v63 =	vmov s11;
	s24 =	sshrl.u32 s7, $0x1F;
	s11 =	smulhi.u32 $0x2AAAAAAB, s23;
	s23 =	sshra.s32 s23, $0x1F;
	v15 =	vsel vm11, v15, v16  }
0x196: {  	v23 =	vmov s22;
	v25 =	vmov s5;
	s23 =	smul.u32 $0x2AAAAAAB, s23;
	v15 =	vsub.f32 v15, v9;
	s28 =	sshra.s32 s19, $0x1F;
	s6 =	sadd.s32 s12, s6  }
0x197: {  	v18 =	vsel vm1, s9, v23;
	v19 =	vsel vm1, s4, v25;
	v16 =	vsel vm1, s16, v63;
	s16 =	sshrl.u32 s13, $0x1F;
	s18 =	smul.u32 $0x2AAAAAAB, s28;
	s28 =	sshra.s32 s6, $0x1F  }
0x198: {  	vm11 =	vcmask $0x2320;
	s22 =	sshra.s32 s26, $0x1F;
	s19 =	sshrl.u32 s8, $0x1F;
	v15 =	vmul.f32 $1.442695020e+00, v15;
	v20 =	vmov s28;
	s28 =	sshra.s32 s14, $0x5  }
0x199: {  	v16 =	vsel vm2, s17, v16;
	v18 =	vsel vm2, s19, v18;
	s19 =	sshra.s32 s21, $0x5;
	s12 =	sshrl.u32 s14, $0x1F;
	s14 =	sshra.s32 s14, $0x1F;
	v21 =	vsel vm5, s28, v20  }
0x19a: {  	(erf) = vpow2.f32 v15;
	v22 =	vmov s12;
	s12 =	smulhi.u32 $0x2AAAAAAB, s25;
	s28 =	sshra.s32 s25, $0x1F;
	s25 =	sshra.s32 s15, $0x5;
	v15 =	vsel vm12, s14, v21  }
0x19b: {  	v16 =	vsel vm3, s10, v16;
	v18 =	vsel vm3, s24, v18;
	s24 =	sshra.s32 s8, $0x5;
	s17 =	smul.u32 $0x2AAAAAAB, s28;
	s28 =	sshra.s32 s15, $0x1F;
	v15 =	vsel vm1, s25, v15  }
0x19c: {  	v24 =	vmov s19;
	s3 =	sadd.s32 s18, s3;
	s18 =	sshrl.u32 s15, $0x1F;
	v17 =	vnsel vm5, $0x0, v22;
	s25 =	sshra.s32 s13, $0x5;
	v15 =	vsel vm0, s28, v15  }
0x19d: {  	v16 =	vcombine.low v18, v16;
	s10 =	sshrl.u32 s3, $0x1F;
	v17 =	vsel vm1, s18, v17;
	s15 =	smulhi.u32 $0x2AAAAAAB, s26;
	s13 =	sshra.s32 s13, $0x1F;
	v15 =	vsel vm2, s25, v15  }
0x19e: {  	v18 =	vsel vm1, s0, v24;
	v17 =	vsel vm2, s16, v17;
	s26 =	sadd.s32 s23, s11;
	s12 =	sadd.s32 s17, s12;
	s17 =	sshra.s32 s3, $0x5;
	v15 =	vsel vm14, s13, v15  }
0x19f: {  	v19 =	vsel vm2, s24, v19;
	v17 =	vsel vm3, s10, v17;
	s16 =	sshrl.u32 s26, $0x1F;
	s3 =	sshra.s32 s3, $0x1F;
	v15 =	vsel vm3, s17, v15  }
0x1a0: {  	s23 =	sshra.s32 s1, $0x5;
	s21 =	sshra.s32 s26, $0x5;
	s28 =	smul.u32 $0x2AAAAAAB, s22;
	v17 =	vsel vm11, s16, v17;
	vm11 =	vcmask $0x2320;
	v15 =	vsel vm15, s3, v15  }
0x1a1: {  	v16 =	vperm.xlane v16, v5;
	v18 =	vsel vm2, s23, v18;
	s22 =	sshra.s32 s26, $0x1F;
	s26 =	sshra.s32 s20, $0x5;
	s18 =	sshrl.u32 s12, $0x1F;
	v15 =	vsel vm11, s21, v15  }
0x1a2: {  	s25 =	sshra.s32 s12, $0x5;
	v18 =	vsel vm3, s26, v18;
	s11 =	sadd.s32 s28, s15;
	v17 =	vsel vm7, s18, v17;
	s28 =	sshra.s32 s7, $0x5;
	v15 =	vsel vm4, s22, v15  }
0x1a3: {  	s4 =	sshra.s32 s12, $0x1F;
	s5 =	sshrl.u32 s11, $0x1F;
	v19 =	vsel vm3, s28, v19;
	vm4 =	vcmask $0x2F2C;
	v15 =	vsel vm7, s25, v15  }
0x1a4: {  	s7 =	sshra.s32 s11, $0x5;
	v26 =	vpop (erf);
	v18 =	vcombine.low v19, v18;
	v17 =	vsel vm8, s5, v17;
	v15 =	vsel vm4, s4, v15  }
0x1a5: {  	s8 =	sshrl.u32 s6, $0x1F;
	s9 =	sshra.s32 s11, $0x1F;
	v14 =	vmul.f32 v26, v61;
	vm11 =	vcmask $0x3734;
	v15 =	vsel vm8, s7, v15  }
0x1a6: {  	s10 =	sshra.s32 s6, $0x5;
	v19 =	vnsel vm10, $0x0, v26;
	v17 =	vsel vm6, s8, v17;
	v15 =	vsel vm11, s9, v15  }
0x1a7: {  	v19 =	vperm.xlane v19, v58;
	v17 =	vperm.xlane v17, v6;
	v15 =	vsel vm6, s10, v15  }
0x1a8: {  	v18 =	vperm.xlane v18, v5;
	v15 =	vperm.xlane v15, v6  }
0x1a9: {  	v14 =	vnsel vm10, $0x0, v14  }
0x1aa: {  	vm10 =	veq.s32 v11, v27;
	(xrf2) =	vadd.scan.msk.f32 $0xffff, v19;
	v16 =	vsel vm9, v17, v16;
	v15 =	vsel vm9, v15, v18  }
0x1ab: {  	v29 =	vsel vm10, $0x80000000, v4;
	v28 =	vadd.s32 v16, v15  }
0x1ac: {  	v13 =	vperm.xlane v14, v58;
	(xrf0) =	vmax.scan.msk.u32 $0xffff, v29;
	v16 =	vmul.u32 $0xFFFFFF40, v28  }
0x1ad: {  	v30 =	vsub.s32 $0x0, v11;
	vm10 =	vlt.s32 v11, $0x1;
	vm11 =	vgt.s32 v59, $0xFFFFFFFF  }
0x1ae: {  	(xrf2) =	vadd.scan.msk.f32 $0xffff, v13;
	vm10 =	vmor vm11, vm10;
	vm11 =	vne.s32 v16, v30  }
0x1af: {  	vm10 =	vmand vm10, vm11  }
0x1b0: {  	v31 =	vsel vm10, $0xFFFFFFFF, v7  }
0x1b1: {  	v12 =	vadd.s32 v31, v28  }
0x1b2: {  	v32 =	vperm.xlane v11, v3;
	v33, _, _ =	vpop (xrf0);
	v14 =	vmul.u32 $0xFFFFFF40, v12  }
0x1b3: {  	v34 =	vxor.u32 $0x80000000, v33  }
0x1b4: {  	v19 =	vperm.xlane v19, v34;
	v37, _, _ =	vpop (xrf2);
	vm10 =	vne.s32 v11, v32;
	v11 =	vadd.s32 v11, v14  }
0x1b5: {  	v38 =	vperm.xlane v37, v34;
	v35 =	vshll.u32 v12, $0x8;
	v36 =	vshll.u32 v11, $0x3  }
0x1b6: {  	v12 =	vshll.u32 v12, $0x7;
	v15 =	vand.u32 $0xFFFFF800, v35;
	v16 =	vand.u32 $0xFFFFFC00, v36  }
0x1b7: {  	vm11 =	vcmask $0x3F3C;
	v12 =	vand.u32 $0x380, v12;
	v15 =	vadd.s32 v15, v16  }
0x1b8: {  	v39, _, _ =	vpop (xrf2);
	vm10 =	vmor vm10, vm11;
	v11 =	vand.u32 $0x7F, v11;
	v12 =	vor.u32 v12, v15  }
0x1b9: {  	v13 =	vperm.xlane v13, v34;
	v40 =	vperm.xlane v39, v34;
	v11 =	vor.u32 v11, v12  }
0x1ba: {  	v41 =	vsub.f32 v38, v19  }
0x1bb: {  	v13 =	vsub.f32 v40, v13  }
0x1bc: {  	v12 =	vsub.f32 v37, v41  }
0x1bd: {  	s11 =	simm.s32 $0xF00;
	v13 =	vsub.f32 v39, v13  }
0x1be: {  	s28 =	simm.s32 $0xCF00;
	[tilespmem:v11+s11+$0x0] =	vst.idx.add.f32.msk vm10, v12  }
0x1bf: {  	[tilespmem:v11+s28+$0x0] =	vst.idx.add.f32.msk vm10, v13  }
0x1c0: {  	v11 =	vld [tilespmem:s30+$0x0];
	_ =	sdelay $0x1  }
0x1c1: {  	s12 =	sadd.s32 $0x20, s29  }
0x1c2: {  	v42 =	vor.u32 s12, v1;
	v43 =	vld [tilespmem:s31+$0x0]  }
0x1c3: {  	vm10 =	vlt.u32 v42, v10  }
0x1c4: {  	v44 =	vnsel vm10, $0x0, v11  }
0x1c5: {  	v11 =	vmul.u32 $0xC0, v44;
	_ =	sdelay $0x1  }
0x1c6: {  	v11 =	vadd.s32 v43, v11  }
0x1c7: {  	v11 =	vxor.u32 $0x80000000, v11  }
0x1c8: {  	v11 =	vnsel vm10, $0x80008FFF, v11  }
0x1c9: {  	(xrf1) =	vsort.ascd.msk.u32 $0xffff, v11, v1;
	_ =	sdelay $0xd  }
0x1ca: {  	v46, v45, _ =	vpop (xrf1)  }
0x1cb: {  	v11 =	vxor.u32 $0x80000000, v46  }
0x1cc: {  	(v2sf) =	vpush v11, $0xD;
	_ =	sdelay $0x1  }
0x1cd: {  	(v2sf) =	vpush v11, $0xC;
	_ =	sdelay $0x1  }
0x1ce: {  	(v2sf) =	vpush v11, $0xE;
	_ =	sdelay $0x1  }
0x1cf: {  	(v2sf) =	vpush v11, $0xF;
	_ =	sdelay $0x1  }
0x1d0: {  	(v2sf) =	vpush v11, $0x9;
	_ =	sdelay $0x1  }
0x1d1: {  	(v2sf) =	vpush v11, $0x8;
	_ =	sdelay $0x1  }
0x1d2: {  	(v2sf) =	vpush v11, $0xA;
	_ =	sdelay $0x1  }
0x1d3: {  	(v2sf) =	vpush v11, $0xB  }
0x1d4: {  	s13 =	spop (v2sf)  }
0x1d5: {  	s14 =	smulhi.u32 $0x2AAAAAAB, s13;
	s0 =	sshra.s32 s13, $0x1F  }
0x1d6: {  	(v2sf) =	vpush v11, $0x0;
	s15 =	spop (v2sf);
	s0 =	smul.u32 $0x2AAAAAAB, s0  }
0x1d7: {  	(v2sf) =	vpush v11, $0x1;
	s16 =	smulhi.u32 $0x2AAAAAAB, s15;
	s3 =	sshra.s32 s15, $0x1F  }
0x1d8: {  	(v2sf) =	vpush v11, $0x2;
	s17 =	spop (v2sf);
	s3 =	smul.u32 $0x2AAAAAAB, s3  }
0x1d9: {  	(v2sf) =	vpush v11, $0x3;
	s18 =	smulhi.u32 $0x2AAAAAAB, s17;
	s5 =	sshra.s32 s17, $0x1F  }
0x1da: {  	(v2sf) =	vpush v11, $0x4;
	s19 =	spop (v2sf);
	s5 =	smul.u32 $0x2AAAAAAB, s5  }
0x1db: {  	(v2sf) =	vpush v11, $0x5;
	s0 =	sadd.s32 s0, s14;
	s20 =	smulhi.u32 $0x2AAAAAAB, s19;
	s21 =	sshra.s32 s19, $0x1F  }
0x1dc: {  	(v2sf) =	vpush v11, $0x6;
	s22 =	spop (v2sf);
	s9 =	sshrl.u32 s0, $0x1F;
	s7 =	smul.u32 $0x2AAAAAAB, s21  }
0x1dd: {  	(v2sf) =	vpush v11, $0x7;
	s21 =	sadd.s32 s3, s16;
	s23 =	smulhi.u32 $0x2AAAAAAB, s22;
	s1 =	sshra.s32 s22, $0x1F  }
0x1de: {  	s25 =	spop (v2sf);
	s22 =	simm.s32 $0xC00;
	s0 =	sshra.s32 s0, $0x5  }
0x1df: {  	s17 =	sshrl.u32 s21, $0x1F;
	s24 =	smul.u32 $0x2AAAAAAB, s1;
	s1 =	sadd.s32 s5, s18  }
0x1e0: {  	s26 =	smulhi.u32 $0x2AAAAAAB, s25;
	s15 =	sshra.s32 s25, $0x1F;
	s16 =	spop (v2sf)  }
0x1e1: {  	v47 =	vnsel vm10, $0x0, v43;
	s10 =	sshrl.u32 s1, $0x1F;
	s6 =	smul.u32 $0x2AAAAAAB, s15;
	s20 =	sadd.s32 s7, s20  }
0x1e2: {  	s7 =	smulhi.u32 $0x2AAAAAAB, s16;
	s18 =	sshra.s32 s16, $0x1F;
	s19 =	spop (v2sf)  }
0x1e3: {  	s11 =	sshrl.u32 s20, $0x1F;
	s8 =	smul.u32 $0x2AAAAAAB, s18;
	s4 =	sadd.s32 s24, s23  }
0x1e4: {  	v48 =	vld [tilespmem:s2+$0x0];
	s3 =	smulhi.u32 $0x2AAAAAAB, s19;
	s12 =	sshra.s32 s19, $0x1F;
	s23 =	simm.s32 $0xD00  }
0x1e5: {  	v15 =	vld.idx.msk [tilespmem:v44+s22+$0x0], $0xffff;
	s24 =	spop (v2sf);
	s16 =	sshrl.u32 s4, $0x1F;
	s12 =	smul.u32 $0x2AAAAAAB, s12  }
0x1e6: {  	v16 =	vld.idx.msk [tilespmem:v47+s23+$0x0], $0xffff;
	s14 =	smulhi.u32 $0x2AAAAAAB, s24;
	s13 =	sshra.s32 s24, $0x1F;
	s25 =	spop (v2sf)  }
0x1e7: {  	s6 =	sadd.s32 s6, s26;
	s5 =	smul.u32 $0x2AAAAAAB, s13;
	s26 =	spop (v2sf)  }
0x1e8: {  	s4 =	sshra.s32 s4, $0x5;
	s18 =	smulhi.u32 $0x2AAAAAAB, s25;
	s19 =	spop (v2sf)  }
0x1e9: {  	s15 =	sshra.s32 s25, $0x1F;
	s22 =	sshrl.u32 s6, $0x1F;
	s23 =	spop (v2sf)  }
0x1ea: {  	s8 =	sadd.s32 s8, s7;
	s15 =	smul.u32 $0x2AAAAAAB, s15;
	s25 =	spop (v2sf)  }
0x1eb: {  	v49 =	vmul.f32 v48, v8;
	v15 =	vadd.f32 v16, v15;
	s24 =	smulhi.u32 $0x2AAAAAAB, s26;
	s13 =	sshra.s32 s26, $0x1F;
	s26 =	spop (v2sf)  }
0x1ec: {  	s7 =	sadd.s32 s12, s3;
	s3 =	smulhi.u32 $0x2AAAAAAB, s19;
	s12 =	spop (v2sf)  }
0x1ed: {  	s14 =	sadd.s32 s5, s14;
	v15 =	vadd.f32 v15, v49;
	s5 =	smulhi.u32 $0x2AAAAAAB, s12;
	s12 =	sshra.s32 s12, $0x1F  }
0x1ee: {  	v54 =	vmov s22;
	s15 =	sadd.s32 s15, s18;
	s18 =	sshra.s32 s19, $0x1F;
	s12 =	smul.u32 $0x2AAAAAAB, s12  }
0x1ef: {  	s6 =	sshra.s32 s6, $0x5;
	v18 =	vsel vm1, s16, v54;
	s16 =	sshra.s32 s8, $0x5;
	v16 =	vmul.f32 $2.000000030e-01, v15;
	s18 =	smul.u32 $0x2AAAAAAB, s18  }
0x1f0: {  	v50 =	vmov s17;
	s17 =	sshrl.u32 s15, $0x1F;
	s13 =	smul.u32 $0x2AAAAAAB, s13;
	vm11 =	vge.f32 v15, $0.0e+00;
	s5 =	sadd.s32 s12, s5  }
0x1f1: {  	v56 =	vmov s6;
	s19 =	sshrl.u32 s8, $0x1F;
	v15 =	vsel vm11, v15, v16;
	s3 =	sadd.s32 s18, s3;
	v16 =	vsel vm1, s9, v50;
	s18 =	sshra.s32 s5, $0x1F  }
0x1f2: {  	s13 =	sadd.s32 s13, s24;
	s9 =	smulhi.u32 $0x2AAAAAAB, s23;
	v15 =	vsub.f32 v15, v9;
	v16 =	vsel vm2, s10, v16;
	v51 =	vmov s18;
	s18 =	sshra.s32 s14, $0x5  }
0x1f3: {  	v19 =	vsel vm1, s4, v56;
	s23 =	sshra.s32 s23, $0x1F;
	v16 =	vsel vm3, s11, v16;
	s12 =	sshrl.u32 s14, $0x1F;
	s14 =	sshra.s32 s14, $0x1F;
	v17 =	vsel vm5, s18, v51  }
0x1f4: {  	s11 =	smulhi.u32 $0x2AAAAAAB, s25;
	v15 =	vmul.f32 $1.442695020e+00, v15;
	v52 =	vmov s12;
	s12 =	sshra.s32 s25, $0x1F;
	s25 =	sshra.s32 s15, $0x5;
	v17 =	vsel vm12, s14, v17  }
0x1f5: {  	v19 =	vsel vm2, s16, v19;
	s10 =	sshrl.u32 s13, $0x1F;
	s15 =	sshra.s32 s15, $0x1F;
	v53 =	vnsel vm5, $0x0, v52;
	s18 =	smul.u32 $0x2AAAAAAB, s23;
	v17 =	vsel vm1, s25, v17  }
0x1f6: {  	(erf) = vpow2.f32 v15;
	v15 =	vsel vm1, s17, v53;
	s17 =	smulhi.u32 $0x2AAAAAAB, s26;
	s25 =	sshra.s32 s26, $0x1F;
	s26 =	sshra.s32 s13, $0x5;
	v17 =	vsel vm0, s15, v17  }
0x1f7: {  	v18 =	vsel vm2, s19, v18;
	s24 =	sshrl.u32 s7, $0x1F;
	s23 =	sshrl.u32 s3, $0x1F;
	v15 =	vsel vm2, s10, v15;
	s13 =	sshra.s32 s13, $0x1F;
	v17 =	vsel vm2, s26, v17  }
0x1f8: {  	v18 =	vsel vm3, s24, v18;
	s12 =	smul.u32 $0x2AAAAAAB, s12;
	s9 =	sadd.s32 s18, s9;
	v15 =	vsel vm3, s23, v15;
	s23 =	sshra.s32 s3, $0x5;
	v17 =	vsel vm14, s13, v17  }
0x1f9: {  	s19 =	sshra.s32 s7, $0x5;
	vm11 =	vcmask $0x2320;
	v16 =	vcombine.low v18, v16;
	s3 =	sshra.s32 s3, $0x1F;
	s22 =	sshrl.u32 s9, $0x1F;
	v17 =	vsel vm3, s23, v17  }
0x1fa: {  	s11 =	sadd.s32 s12, s11;
	s18 =	smul.u32 $0x2AAAAAAB, s25;
	v15 =	vsel vm11, s22, v15;
	vm11 =	vcmask $0x2320;
	s13 =	sshra.s32 s9, $0x5;
	v17 =	vsel vm15, s3, v17  }
0x1fb: {  	v58 =	vperm.xlane v11, v2;
	v19 =	vsel vm3, s19, v19;
	s25 =	sshrl.u32 s11, $0x1F;
	s14 =	sshra.s32 s9, $0x1F;
	s26 =	sshra.s32 s21, $0x5;
	v17 =	vsel vm11, s13, v17  }
0x1fc: {  	v16 =	vperm.xlane v16, v5;
	s15 =	sshra.s32 s1, $0x5;
	s10 =	sadd.s32 s18, s17;
	v55 =	vmov s26;
	s17 =	sshra.s32 s11, $0x5;
	v17 =	vsel vm13, s14, v17  }
0x1fd: {  	v15 =	vsel vm7, s25, v15;
	s18 =	sshra.s32 s20, $0x5;
	s20 =	sshra.s32 s11, $0x1F;
	v18 =	vsel vm1, s0, v55;
	s21 =	sshrl.u32 s10, $0x1F;
	v17 =	vsel vm7, s17, v17  }
0x1fe: {  	s22 =	sshra.s32 s10, $0x5;
	v18 =	vsel vm2, s15, v18;
	v15 =	vsel vm8, s21, v15;
	v17 =	vsel vm4, s20, v17  }
0x1ff: {  	s23 =	sshrl.u32 s5, $0x1F;
	s24 =	sshra.s32 s10, $0x1F;
	v18 =	vsel vm3, s18, v18;
	vm11 =	vcmask $0x3734;
	v17 =	vsel vm8, s22, v17  }
0x200: {  	s25 =	sshra.s32 s5, $0x5;
	v57 =	vpop (erf);
	v15 =	vsel vm6, s23, v15;
	v18 =	vcombine.low v19, v18;
	v17 =	vsel vm11, s24, v17  }
0x201: {  	v14 =	vmul.f32 v57, v48;
	v15 =	vperm.xlane v15, v6;
	v17 =	vsel vm6, s25, v17  }
0x202: {  	v19 =	vnsel vm10, $0x0, v57;
	v18 =	vperm.xlane v18, v5;
	v17 =	vperm.xlane v17, v6  }
0x203: {  	v14 =	vnsel vm10, $0x0, v14;
	v19 =	vperm.xlane v19, v45  }
0x204: {  	vm10 =	veq.s32 v11, v58;
	v15 =	vsel vm9, v15, v16;
	v17 =	vsel vm9, v17, v18  }
0x205: {  	v60 =	vsel vm10, $0x80000000, v4;
	(xrf2) =	vadd.scan.msk.f32 $0xffff, v19;
	v59 =	vadd.s32 v15, v17  }
0x206: {  	v13 =	vperm.xlane v14, v45;
	(xrf0) =	vmax.scan.msk.u32 $0xffff, v60;
	v61 =	vmul.u32 $0xFFFFFF40, v59  }
0x207: {  	v62 =	vsub.s32 $0x0, v11;
	vm10 =	vlt.s32 v11, $0x1;
	vm11 =	vgt.s32 v46, $0xFFFFFFFF  }
0x208: {  	(xrf2) =	vadd.scan.msk.f32 $0xffff, v13;
	vm10 =	vmor vm11, vm10;
	vm11 =	vne.s32 v61, v62  }
0x209: {  	vm10 =	vmand vm10, vm11  }
0x20a: {  	v63 =	vsel vm10, $0xFFFFFFFF, v7  }
0x20b: {  	v12 =	vadd.s32 v63, v59  }
0x20c: {  	v18 =	vperm.xlane v11, v3;
	v20, _, _ =	vpop (xrf0);
	v14 =	vmul.u32 $0xFFFFFF40, v12  }
0x20d: {  	v21 =	vxor.u32 $0x80000000, v20  }
0x20e: {  	v19 =	vperm.xlane v19, v21;
	vm10 =	vne.s32 v11, v18;
	v11 =	vadd.s32 v11, v14  }
0x20f: {  	vm11 =	vcmask $0x3F3C;
	v22 =	vshll.u32 v12, $0x8;
	v23 =	vshll.u32 v11, $0x3  }
0x210: {  	v24, _, _ =	vpop (xrf2);
	v12 =	vshll.u32 v12, $0x7;
	v15 =	vand.u32 $0xFFFFF800, v22;
	v16 =	vand.u32 $0xFFFFFC00, v23  }
0x211: {  	v25 =	vperm.xlane v24, v21;
	v12 =	vand.u32 $0x380, v12;
	v15 =	vadd.s32 v15, v16  }
0x212: {  	v26, _, _ =	vpop (xrf2);
	vm10 =	vmor vm10, vm11;
	v11 =	vand.u32 $0x7F, v11;
	v12 =	vor.u32 v12, v15  }
0x213: {  	v13 =	vperm.xlane v13, v21;
	v27 =	vperm.xlane v26, v21;
	v11 =	vor.u32 v11, v12  }
0x214: {  	v28 =	vsub.f32 v25, v19  }
0x215: {  	v13 =	vsub.f32 v27, v13  }
0x216: {  	v12 =	vsub.f32 v24, v28  }
0x217: {  	s26 =	simm.s32 $0xF00;
	v13 =	vsub.f32 v26, v13  }
0x218: {  	[tilespmem:v11+s26+$0x0] =	vst.idx.add.f32.msk vm10, v12  }
0x219: {  	[tilespmem:v11+s28+$0x0] =	vst.idx.add.f32.msk vm10, v13  }
0x21a: {  	v11 =	vld [tilespmem:s30+$0x10];
	_ =	sdelay $0x1  }
0x21b: {  	s1 =	sadd.s32 $0x30, s29  }
0x21c: {  	v29 =	vor.u32 s1, v1;
	v30 =	vld [tilespmem:s31+$0x10]  }
0x21d: {  	vm10 =	vlt.u32 v29, v10  }
0x21e: {  	v31 =	vnsel vm10, $0x0, v11  }
0x21f: {  	v11 =	vmul.u32 $0xC0, v31;
	_ =	sdelay $0x1  }
0x220: {  	v11 =	vadd.s32 v30, v11  }
0x221: {  	v11 =	vxor.u32 $0x80000000, v11  }
0x222: {  	v11 =	vnsel vm10, $0x80008FFF, v11  }
0x223: {  	(xrf1) =	vsort.ascd.msk.u32 $0xffff, v11, v1;
	_ =	sdelay $0xd  }
0x224: {  	v33, v32, _ =	vpop (xrf1)  }
0x225: {  	v11 =	vxor.u32 $0x80000000, v33  }
0x226: {  	(v2sf) =	vpush v11, $0xD;
	_ =	sdelay $0x1  }
0x227: {  	(v2sf) =	vpush v11, $0xC;
	_ =	sdelay $0x1  }
0x228: {  	(v2sf) =	vpush v11, $0xE;
	_ =	sdelay $0x1  }
0x229: {  	(v2sf) =	vpush v11, $0xF;
	_ =	sdelay $0x1  }
0x22a: {  	(v2sf) =	vpush v11, $0x9;
	_ =	sdelay $0x1  }
0x22b: {  	(v2sf) =	vpush v11, $0x8  }
0x22c: {  	(v2sf) =	vpush v11, $0xA  }
0x22d: {  	(v2sf) =	vpush v11, $0xB;
	_ =	sdelay $0x2  }
0x22e: {  	(v2sf) =	vpush v11, $0x0;
	s3 =	spop (v2sf)  }
0x22f: {  	s4 =	smulhi.u32 $0x2AAAAAAB, s3;
	s0 =	sshra.s32 s3, $0x1F  }
0x230: {  	s25 =	spop (v2sf);
	s0 =	smul.u32 $0x2AAAAAAB, s0  }
0x231: {  	(v2sf) =	vpush v11, $0x1;
	s26 =	smulhi.u32 $0x2AAAAAAB, s25;
	s3 =	sshra.s32 s25, $0x1F  }
0x232: {  	s8 =	spop (v2sf);
	s3 =	smul.u32 $0x2AAAAAAB, s3  }
0x233: {  	(v2sf) =	vpush v11, $0x2;
	s7 =	smulhi.u32 $0x2AAAAAAB, s8;
	s5 =	sshra.s32 s8, $0x1F  }
0x234: {  	(v2sf) =	vpush v11, $0x3;
	s9 =	spop (v2sf);
	s5 =	smul.u32 $0x2AAAAAAB, s5  }
0x235: {  	(v2sf) =	vpush v11, $0x4;
	s10 =	smulhi.u32 $0x2AAAAAAB, s9;
	s6 =	sshra.s32 s9, $0x1F  }
0x236: {  	(v2sf) =	vpush v11, $0x5;
	s11 =	spop (v2sf);
	s6 =	smul.u32 $0x2AAAAAAB, s6  }
0x237: {  	(v2sf) =	vpush v11, $0x6;
	s12 =	smulhi.u32 $0x2AAAAAAB, s11;
	s8 =	sshra.s32 s11, $0x1F  }
0x238: {  	(v2sf) =	vpush v11, $0x7;
	s0 =	sadd.s32 s0, s4;
	s13 =	spop (v2sf);
	s8 =	smul.u32 $0x2AAAAAAB, s8  }
0x239: {  	v34 =	vnsel vm10, $0x0, v30;
	s14 =	spop (v2sf);
	s17 =	smulhi.u32 $0x2AAAAAAB, s13;
	s9 =	sshra.s32 s13, $0x1F  }
0x23a: {  	s4 =	sadd.s32 s3, s26;
	s16 =	spop (v2sf);
	s19 =	smul.u32 $0x2AAAAAAB, s9  }
0x23b: {  	s22 =	smulhi.u32 $0x2AAAAAAB, s14;
	s25 =	sshra.s32 s14, $0x1F;
	s14 =	sshrl.u32 s0, $0x1F  }
0x23c: {  	s1 =	sadd.s32 s6, s10;
	s6 =	simm.s32 $0xD00;
	s23 =	smul.u32 $0x2AAAAAAB, s25  }
0x23d: {  	s20 =	spop (v2sf);
	s24 =	smulhi.u32 $0x2AAAAAAB, s16;
	s13 =	sshra.s32 s16, $0x1F  }
0x23e: {  	s25 =	sshrl.u32 s4, $0x1F;
	v16 =	vld.idx.msk [tilespmem:v34+s6+$0x0], $0xffff;
	s6 =	sadd.s32 s8, s12;
	s13 =	smul.u32 $0x2AAAAAAB, s13  }
0x23f: {  	s4 =	sshra.s32 s4, $0x5;
	s3 =	smulhi.u32 $0x2AAAAAAB, s20;
	s26 =	sshra.s32 s20, $0x1F  }
0x240: {  	s15 =	spop (v2sf);
	s20 =	sadd.s32 s5, s7;
	s26 =	smul.u32 $0x2AAAAAAB, s26  }
0x241: {  	s7 =	smulhi.u32 $0x2AAAAAAB, s15;
	s5 =	sshra.s32 s15, $0x1F;
	s15 =	simm.s32 $0xC00  }
0x242: {  	s8 =	sadd.s32 s19, s17;
	s18 =	spop (v2sf);
	v15 =	vld.idx.msk [tilespmem:v31+s15+$0x0], $0xffff;
	s15 =	smul.u32 $0x2AAAAAAB, s5  }
0x243: {  	s21 =	spop (v2sf);
	s12 =	smulhi.u32 $0x2AAAAAAB, s18;
	s18 =	sshra.s32 s18, $0x1F  }
0x244: {  	v35 =	vld [tilespmem:s2+$0x10];
	s5 =	sadd.s32 s23, s22;
	s11 =	spop (v2sf);
	s18 =	smul.u32 $0x2AAAAAAB, s18  }
0x245: {  	s19 =	smulhi.u32 $0x2AAAAAAB, s21;
	s23 =	sshra.s32 s21, $0x1F;
	s9 =	spop (v2sf)  }
0x246: {  	v37 =	vmov s25;
	s25 =	smulhi.u32 $0x2AAAAAAB, s11;
	s11 =	sshra.s32 s11, $0x1F;
	s16 =	spop (v2sf)  }
0x247: {  	s21 =	sadd.s32 s13, s24;
	s11 =	smul.u32 $0x2AAAAAAB, s11;
	s24 =	spop (v2sf)  }
0x248: {  	s3 =	sadd.s32 s26, s3;
	s26 =	smulhi.u32 $0x2AAAAAAB, s24;
	s22 =	sshra.s32 s24, $0x1F  }
0x249: {  	v36 =	vmul.f32 v35, v8;
	s17 =	sshrl.u32 s1, $0x1F;
	s10 =	sshrl.u32 s20, $0x1F;
	v17 =	vsel vm1, s14, v37;
	v15 =	vadd.f32 v16, v15;
	s22 =	smul.u32 $0x2AAAAAAB, s22  }
0x24a: {  	v38 =	vsel vm2, s10, v17;
	s10 =	sshrl.u32 s5, $0x1F;
	s13 =	smul.u32 $0x2AAAAAAB, s23;
	s15 =	sadd.s32 s15, s7  }
0x24b: {  	s11 =	sadd.s32 s11, s25;
	s25 =	sshrl.u32 s3, $0x1F;
	v15 =	vadd.f32 v15, v36;
	s7 =	sadd.s32 s22, s26  }
0x24c: {  	v46 =	vmov s4;
	s23 =	sshra.s32 s3, $0x5;
	s12 =	sadd.s32 s18, s12;
	v16 =	vsel vm3, s17, v38;
	v42 =	vmov s25;
	s22 =	sshra.s32 s7, $0x1F  }
0x24d: {  	s13 =	sadd.s32 s13, s19;
	s19 =	smulhi.u32 $0x2AAAAAAB, s9;
	v17 =	vnsel vm5, $0x0, v42;
	s26 =	sshrl.u32 s8, $0x1F;
	v39 =	vmul.f32 $2.000000030e-01, v15;
	v40 =	vmov s22  }
0x24e: {  	s9 =	sshra.s32 s9, $0x1F;
	s3 =	sshra.s32 s3, $0x1F;
	vm11 =	vge.f32 v15, $0.0e+00;
	s8 =	sshra.s32 s8, $0x5;
	v41 =	vmov s26;
	v18 =	vsel vm5, s23, v40  }
0x24f: {  	s24 =	sshrl.u32 s6, $0x1F;
	s25 =	smulhi.u32 $0x2AAAAAAB, s16;
	v47 =	vmov s8;
	v15 =	vsel vm11, v15, v39;
	s22 =	sshra.s32 s15, $0x5;
	v18 =	vsel vm12, s3, v18  }
0x250: {  	s16 =	sshra.s32 s16, $0x1F;
	s26 =	sshrl.u32 s15, $0x1F;
	s15 =	sshra.s32 s15, $0x1F;
	v19 =	vsel vm1, s24, v41;
	v15 =	vsub.f32 v15, v9;
	v18 =	vsel vm1, s22, v18  }
0x251: {  	s16 =	smul.u32 $0x2AAAAAAB, s16;
	v17 =	vsel vm1, s26, v17;
	s26 =	sshra.s32 s12, $0x5;
	s23 =	sshrl.u32 s12, $0x1F;
	v19 =	vsel vm2, s10, v19;
	v18 =	vsel vm0, s15, v18  }
0x252: {  	s17 =	sshrl.u32 s21, $0x1F;
	s9 =	smul.u32 $0x2AAAAAAB, s9;
	s12 =	sshra.s32 s12, $0x1F;
	v17 =	vsel vm2, s23, v17;
	v15 =	vmul.f32 $1.442695020e+00, v15;
	v18 =	vsel vm2, s26, v18  }
0x253: {  	s24 =	sadd.s32 s16, s25;
	v45 =	vsel vm3, s17, v19;
	s22 =	sshra.s32 s13, $0x5;
	s15 =	sshrl.u32 s13, $0x1F;
	vm0 =	vcmask $0x2320;
	v18 =	vsel vm14, s12, v18  }
0x254: {  	s25 =	sshra.s32 s13, $0x1F;
	s3 =	sadd.s32 s9, s19;
	s19 =	sshrl.u32 s11, $0x1F;
	v17 =	vsel vm3, s15, v17;
	(erf) = vpow2.f32 v15;
	v44 =	vsel vm3, s22, v18  }
0x255: {  	s13 =	sshra.s32 s11, $0x5;
	s15 =	sshra.s32 s6, $0x5;
	v43 =	vsel vm0, s19, v17;
	v17 =	vsel vm15, s25, v44;
	vm15 =	vcmask $0x2320  }
0x256: {  	s14 =	sshra.s32 s11, $0x1F;
	s23 =	sshrl.u32 s3, $0x1F;
	v16 =	vcombine.low v45, v16;
	v19 =	vsel vm1, s15, v47;
	v17 =	vsel vm15, s13, v17  }
0x257: {  	s0 =	sshra.s32 s0, $0x5;
	s18 =	sshra.s32 s5, $0x5;
	s16 =	sshra.s32 s3, $0x5;
	vm0 =	vcmask $0x3734;
	v15 =	vsel vm7, s23, v43;
	v17 =	vsel vm13, s14, v17  }
0x258: {  	s17 =	sshra.s32 s20, $0x5;
	s3 =	sshra.s32 s3, $0x1F;
	s26 =	sshrl.u32 s24, $0x1F;
	v18 =	vsel vm1, s0, v46;
	v19 =	vsel vm2, s18, v19;
	v17 =	vsel vm7, s16, v17  }
0x259: {  	s20 =	sshra.s32 s21, $0x5;
	s21 =	sshra.s32 s24, $0x5;
	s19 =	sshra.s32 s1, $0x5;
	v15 =	vsel vm8, s26, v15;
	v18 =	vsel vm2, s17, v18;
	v17 =	vsel vm4, s3, v17  }
0x25a: {  	s24 =	sshra.s32 s24, $0x1F;
	s22 =	sshrl.u32 s7, $0x1F;
	v19 =	vsel vm3, s20, v19;
	v18 =	vsel vm3, s19, v18;
	v17 =	vsel vm8, s21, v17  }
0x25b: {  	s25 =	sshra.s32 s7, $0x5;
	v15 =	vsel vm6, s22, v15;
	v18 =	vcombine.low v19, v18;
	v17 =	vsel vm0, s24, v17  }
0x25c: {  	v16 =	vperm.xlane v16, v5;
	v15 =	vperm.xlane v15, v6;
	v17 =	vsel vm6, s25, v17  }
0x25d: {  	v18 =	vperm.xlane v18, v5;
	v17 =	vperm.xlane v17, v6  }
0x25e: {  	v50 =	vperm.xlane v11, v2;
	v48 =	vpop (erf)  }
0x25f: {  	v15 =	vsel vm9, v15, v16;
	v14 =	vmul.f32 v48, v35;
	v17 =	vsel vm9, v17, v18  }
0x260: {  	v51 =	vsub.s32 $0x0, v11;
	v49 =	vnsel vm10, $0x0, v48;
	v15 =	vadd.s32 v15, v17  }
0x261: {  	v16 =	vperm.xlane v49, v32;
	v14 =	vnsel vm10, $0x0, v14;
	v17 =	vmul.u32 $0xFFFFFF40, v15  }
0x262: {  	vm11 =	vgt.s32 v33, $0xFFFFFFFF;
	vm10 =	vlt.s32 v11, $0x1;
	v13 =	vperm.xlane v14, v32  }
0x263: {  	(xrf2) =	vadd.scan.msk.f32 $0xffff, v16;
	vm10 =	vmor vm11, vm10;
	vm11 =	vne.s32 v17, v51  }
0x264: {  	(xrf2) =	vadd.scan.msk.f32 $0xffff, v13;
	vm10 =	vmand vm10, vm11;
	vm11 =	veq.s32 v11, v50  }
0x265: {  	v52 =	vsel vm11, $0x80000000, v4  }
0x266: {  	v53 =	vsel vm10, $0xFFFFFFFF, v7;
	(xrf0) =	vmax.scan.msk.u32 $0xffff, v52  }
0x267: {  	v55 =	vperm.xlane v11, v3;
	v54 =	vadd.s32 v53, v15  }
0x268: {  	v14 =	vmul.u32 $0xFFFFFF40, v54  }
0x269: {  	vm0 =	vcmask $0x3F3C;
	vm10 =	vne.s32 v11, v55  }
0x26a: {  	vm10 =	vmor vm10, vm0;
	v14 =	vadd.s32 v11, v14  }
0x26b: {  	v56 =	vshll.u32 v54, $0x8;
	v12 =	vshll.u32 v54, $0x7;
	v57 =	vshll.u32 v14, $0x3  }
0x26c: {  	v17 =	vand.u32 $0xFFFFF800, v56;
	v12 =	vand.u32 $0x380, v12;
	v18 =	vand.u32 $0xFFFFFC00, v57;
	v11, _, _ =	vpop (xrf0)  }
0x26d: {  	v59, _, _ =	vpop (xrf2);
	v14 =	vand.u32 $0x7F, v14;
	v58 =	vadd.s32 v17, v18;
	v11 =	vxor.u32 $0x80000000, v11  }
0x26e: {  	s23 =	rddreg [dreg:$0x12];
	v60, _, _ =	vpop (xrf2);
	v12 =	vor.u32 v12, v58;
	v61 =	vperm.xlane v59, v11;
	v16 =	vperm.xlane v16, v11  }
0x26f: {  	s1 =	sadd.s32 $0x4, s23;
	v13 =	vperm.xlane v13, v11;
	v11 =	vperm.xlane v60, v11;
	v12 =	vor.u32 v14, v12  }
0x270: {  	p4 =	slt.u32 s1, $0x3C;
	v62 =	vsub.f32 v61, v16  }
.Ltmp1:
0x271: {  	v11 =	vsub.f32 v11, v13;
	(pc) =	sbr.rel @p4 .LBB2_4-.Ltmp1, $4  }
0x272: {  	v63 =	vsub.f32 v59, v62  }
0x273: {  	s29 =	sadd.s32 $0x40, s29;
	s26 =	simm.s32 $0xF00;
	v11 =	vsub.f32 v60, v11  }
0x274: {  	s28 =	simm.s32 $0xCF00;
	s30 =	sadd.s32 $0x40, s30;
	s31 =	sadd.s32 $0x40, s31;
	[tilespmem:v12+s26+$0x0] =	vst.idx.add.f32.msk vm10, v63  }
0x275: {  	s2 =	sadd.s32 $0x40, s2;
	s4 =	simm.s32 $0xF00;
	s3 =	simm.s32 $0xCF00;
	[tilespmem:v12+s28+$0x0] =	vst.idx.add.f32.msk vm10, v11  }
0x276: {  	s10 =	simm.s32 $0x0;
	s0 =	rddreg [dreg:$0xc];
	s1 =	simm.s32 $0x2  }
0x277: {  	[hbm4b:s0+s10] =	stream.linear.scatter [tilespmem:s4], [sflag:$0x2], $0xC000, $0x38;
	[tilespmem:$0x18F00] =	vst v63  }
0x278: {  	_ =	swait.ge [sflag:s1], $0xC000  }
0x279: {  	[sflag:s1] =	ssyncset.done $0x0  }
0x27a: {  	s30 =	rddreg [dreg:$0xd];
	[sflag:s1] =	ssyncadd.s32 $0xFFFF4000  }
0x27b: {  	[hbm4b:s30+s10] =	stream.linear.scatter [tilespmem:s3], [sflag:$0x2], $0xC000, $0x38;
	[tilespmem:$0x18F00] =	vst v63  }
0x27c: {  	_ =	swait.ge [sflag:s1], $0xC000  }
0x27d: {  	s2 =	rddreg [dreg:$0x11]  }
0x27e: {  	s31 =	rddreg [dreg:$0xe];
	s2 =	sadd.s32 $0x1, s2  }
0x27f: {  	p4 =	sne.s32 s2, s31  }
.Ltmp2:
0x280: {  	_ = 	snop;
	(pc) =	sbr.rel @p4 .LBB2_1-.Ltmp2, $3  }
0x281: {  	_ =	sdelay $0x1  }
0x282: {  	[sflag:s1] =	ssyncset.done $0x0  }
0x283: {  	s5 =	simm.s32 $0xC00;
	s6 =	simm.s32 $0xD00;
	[sflag:s1] =	ssyncadd.s32 $0xFFFF4000  }
0x284: {  	_ =	sfence.sel $0x180000  }
0x285: {  	[bflag:$0x0] =	sbarrier.arrive $0xFFFF  }
0x286: {  	_ =	strace $0x90000047  }
0x287: {  	s0 =	stileid.u32;
	[bflag:$0x2] =	sbarrier.arrive $0xFFFF  }
0x288: {  	p0 =	sne.s32 s0, $0x0;
	s0 =	rddreg [dreg:$0x4]  }
0x289: {  	s0 =	sadd.s32 @!p0 $0x100000, s0  }
0x28a: {  	[sflag:s0] =	ssyncadd.tile.s32 @!p0 $0x1;
	_ =	shalt  }
.Lfunc_end2:
_tile_overlayer_lowered:
.L_overlay_start_2:
0x28b: {  	(tag) =	ssettag $0x2  }
0x28c: {  	s0 =	rddreg [dreg:$0x0];
	s2 =	stileid.u32  }
0x28d: {  	s1 =	rddreg [dreg:$0x1];
	p0 =	sne.s32 s2, $0x0  }
0x28e: {  	s3 =	rddreg [dreg:$0x2];
	[bflag:$0x3] =	sbarrier.arrive $0xFFFF;
	s2 =	simm.s32 @!p0 $0x1C02  }
0x28f: {  	[timem:s3], [sflag:s2] =	dma.local @!p0 [hbm:s0], s1  }
0x290: {  	s0 =	simm.s32 @!p0 $0x2  }
0x291: {  	_ =	swait.ge @!p0 [sflag:s0], s1  }
0x292: {  	s1 =	ssub.s32 @!p0 $0x0, s1;
	[sflag:s0] =	ssyncset.done @!p0 $0x0  }
0x293: {  	[sflag:s0] =	ssyncadd.s32 @!p0 s1  }
0x294: {  	[bflag:$0x3] =	sbarrier.arrive $0xFFFF  }
0x295: {  	_ =	shalt  }

</sc_bundles>
